<compile_context>
chip_gen: v7x
topology: tpu7x:2x2x1
jax: 0.10.2.dev20260603
libtpu: 0.0.44.dev20260713+nightly
codegen_flags: <defaults>
</compile_context>

<pallas_src>
import functools

import jax
import jax.numpy as jnp
import numpy as np
from jax import lax
from jax.experimental import pallas as pl
from jax.experimental.pallas import tpu as pltpu
from jax.experimental.pallas import tpu_sc as plsc

N = 10000
D = 128
E = 320000
EPS = 1e-5

N_PAD = 10240
CHUNK = 128
GROUP = 8
NUM_CORES = 2
NUM_TILES = 16
NUM_WORKERS = NUM_CORES * NUM_TILES
CHUNKS_PER_TILE = 80
NUM_CHUNKS = NUM_WORKERS * CHUNKS_PER_TILE
E_PAD = NUM_CHUNKS * CHUNK
NUM_GROUPS = CHUNKS_PER_TILE // GROUP
ROWS_PER_TILE = N_PAD // NUM_TILES
REAL_ALIGNED = (E // CHUNK) // GROUP * GROUP
PAD_ROWS = NUM_CHUNKS - REAL_ALIGNED

_r = np.arange(E_PAD - E)
_PAD_NP = np.stack([_r % N, N + _r % (N_PAD - N)]).astype(np.int32)

_mesh = plsc.VectorSubcoreMesh(core_axis_name="c", subcore_axis_name="s")


@functools.partial(
    pl.kernel,
    out_type=(
        jax.ShapeDtypeStruct((NUM_CORES, N_PAD, D), jnp.float32),
        jax.ShapeDtypeStruct((NUM_CORES, N_PAD), jnp.float32),
    ),
    mesh=_mesh,
    scratch_types=[
        pltpu.VMEM((2, GROUP * CHUNK), jnp.int32),
        pltpu.VMEM((2, GROUP, CHUNK), jnp.int32),
        pltpu.VMEM((2, CHUNK, D), jnp.float32),
        pltpu.VMEM((CHUNK,), jnp.float32),
        pltpu.VMEM((CHUNK,), jnp.float32),
        pltpu.VMEM_SHARED((N_PAD, D), jnp.float32),
        pltpu.VMEM_SHARED((N_PAD,), jnp.float32),
        pltpu.SemaphoreType.DMA,
        pltpu.SemaphoreType.DMA,
        pltpu.SemaphoreType.DMA,
    ],
)
def _sc_aggregate(feature_hbm, edge_hbm, pad_hbm, sum_hbm, deg_hbm,
                  src_v, dst_v, rows_v, ones_v, zeros_v,
                  acc_sh, deg_sh, gsem, dsem, isem):
    c = lax.axis_index("c")
    s = lax.axis_index("s")
    rows = (rows_v.at[0], rows_v.at[1])
    rows_a = rows[0]

    def zero_rows(r, carry):
        for k in range(D // 16):
            rows_a[r, pl.ds(k * 16, 16)] = jnp.zeros((16,), jnp.float32)
        return carry
    lax.fori_loop(0, CHUNK, zero_rows, 0)

    def init_small(r, carry):
        ones_v[pl.ds(r * 16, 16)] = jnp.ones((16,), jnp.float32)
        zeros_v[pl.ds(r * 16, 16)] = jnp.zeros((16,), jnp.float32)
        return carry
    lax.fori_loop(0, CHUNK // 16, init_small, 0)

    base = s * ROWS_PER_TILE
    zhs = []
    for j in range(ROWS_PER_TILE // CHUNK):
        zhs.append(pltpu.async_copy(
            rows_a, acc_sh.at[pl.ds(base + j * CHUNK, CHUNK)], dsem))
        zhs.append(pltpu.async_copy(
            zeros_v, deg_sh.at[pl.ds(base + j * CHUNK, CHUNK)], dsem))
    for h in zhs:
        h.wait()
    plsc.subcore_barrier()

    start_chunk = (c * NUM_TILES + s) * CHUNKS_PER_TILE

    def fire_idx(g, b):
        row0 = start_chunk + (g % NUM_GROUPS) * GROUP
        e0 = row0 * CHUNK

        @pl.when(row0 < REAL_ALIGNED)
        def _():
            pltpu.async_copy(edge_hbm.at[0, pl.ds(e0, GROUP * CHUNK)],
                             src_v.at[b], isem)
            for j in range(GROUP):
                pltpu.async_copy(edge_hbm.at[1, pl.ds(e0 + j * CHUNK, CHUNK)],
                                 dst_v.at[b, j], isem)

        @pl.when(row0 >= REAL_ALIGNED)
        def _():
            p0 = e0 - REAL_ALIGNED * CHUNK
            pltpu.async_copy(pad_hbm.at[0, pl.ds(p0, GROUP * CHUNK)],
                             src_v.at[b], isem)
            for j in range(GROUP):
                pltpu.async_copy(pad_hbm.at[1, pl.ds(p0 + j * CHUNK, CHUNK)],
                                 dst_v.at[b, j], isem)

    def wait_idx():
        pltpu.make_async_copy(edge_hbm.at[0, pl.ds(0, GROUP * CHUNK)],
                              src_v.at[0], isem).wait()
        pltpu.make_async_copy(edge_hbm.at[0, pl.ds(0, GROUP * CHUNK)],
                              src_v.at[1], isem).wait()

    def fire_gather(b, j, u):
        return pltpu.async_copy(
            feature_hbm.at[src_v.at[b, pl.ds(j * CHUNK, CHUNK)]], rows[u],
            gsem)

    def drain_gather():
        pltpu.make_async_copy(feature_hbm.at[pl.ds(0, CHUNK)], rows[0],
                              gsem).wait()

    def consume(b, j, u):
        drain_gather()
        pltpu.sync_copy(rows[u], acc_sh.at[dst_v.at[b, j]], add=True)
        pltpu.async_copy(ones_v, deg_sh.at[dst_v.at[b, j]], dsem, add=True)

    def drain_deg():
        pltpu.make_async_copy(feature_hbm.at[0], zeros_v, dsem).wait()

    fire_idx(0, 0)
    wait_idx()
    fire_gather(0, 0, 0)
    fire_gather(0, 1, 1)

    def group_body(g, carry):
        b = g % 2
        bn = (g + 1) % 2

        @pl.when(g > 0)
        def _():
            for _u in range(GROUP):
                drain_deg()

        fire_idx(g + 1, bn)
        for j in range(GROUP):
            consume(b, j, j % 2)
            if j < GROUP - 2:
                fire_gather(b, j + 2, j % 2)
            elif j == GROUP - 2:
                wait_idx()
                fire_gather(bn, 0, j % 2)
            else:
                fire_gather(bn, 1, j % 2)
        return carry
    lax.fori_loop(0, NUM_GROUPS, group_body, 0)

    drain_gather()
    drain_gather()
    for _u in range(GROUP):
        drain_deg()
    plsc.subcore_barrier()

    pltpu.sync_copy(acc_sh.at[pl.ds(base, ROWS_PER_TILE)],
                    sum_hbm.at[c, pl.ds(base, ROWS_PER_TILE)])
    pltpu.sync_copy(deg_sh.at[pl.ds(base, ROWS_PER_TILE)],
                    deg_hbm.at[c, pl.ds(base, ROWS_PER_TILE)])


def _tc_body(psum_ref, pdeg_ref, feat_ref, w_ref, b_ref, gamma_ref, beta_ref,
             out_ref):
    ssum = psum_ref[0] + psum_ref[1]
    deg = pdeg_ref[0] + pdeg_ref[1]
    h = ssum[:N] / jnp.maximum(deg[:N], 1.0).reshape(N, 1)
    h = lax.dot_general(h, w_ref[...], (((1,), (1,)), ((), ())),
                        preferred_element_type=jnp.float32)
    h = h + b_ref[...]
    mean = jnp.mean(h, axis=0, keepdims=True)
    var = jnp.mean((h - mean) ** 2, axis=0, keepdims=True)
    h = (h - mean) * (lax.rsqrt(var + EPS) * gamma_ref[...]) + beta_ref[...]
    out_ref[...] = feat_ref[...] + jnp.maximum(h, 0.0)


_tc_update = pl.pallas_call(
    _tc_body,
    out_shape=jax.ShapeDtypeStruct((N, D), jnp.float32),
)


def kernel(feature, edge_index, W, b, gamma, beta):
    pad64 = jnp.concatenate(
        [edge_index[:, REAL_ALIGNED * CHUNK:], jnp.asarray(_PAD_NP)], axis=1)
    psum, pdeg = _sc_aggregate(feature, edge_index, pad64)
    return _tc_update(psum, pdeg, feature, W,
                      b.reshape(1, D), gamma.reshape(1, D), beta.reshape(1, D))

# --- scband reference (transcript-rebuilt; emitter-appended) ---
"""Pipeline reference for scband-gcnlayer-13271448944838 (READ-ONLY COPY).

The authoritative reference and input builder live on the scoring server;
editing this copy changes nothing except your own understanding.
"""

import jax, jax.numpy as jnp
import numpy as np

N = 10000
D_IN = 128
D_OUT = 128
E = 320000
EPS = 1e-5

def setup_inputs(seed: int = 0) -> dict:
    key = jax.random.key(seed)
    k1, k2, k3 = jax.random.split(key, 3)
    feature = jax.random.normal(k1, (N, D_IN), dtype=jnp.float32)
    edge_index = jax.random.randint(k2, (2, E), 0, N, dtype=jnp.int32)
    W = jax.random.normal(k3, (D_OUT, D_IN), dtype=jnp.float32) * (1.0 / np.sqrt(D_IN))
    b = jnp.zeros((D_OUT,), dtype=jnp.float32)
    gamma = jnp.ones((D_OUT,), dtype=jnp.float32)
    beta = jnp.zeros((D_OUT,), dtype=jnp.float32)
    return {"feature": feature, "edge_index": edge_index, "W": W, "b": b, "gamma": gamma, "beta": beta}

def reference(feature, edge_index, W, b, gamma, beta):
    src = edge_index[0]
    dst = edge_index[1]
    # message: copy_src h -> m ; reduce: mean over incoming edges
    msgs = jnp.take(feature, src, axis=0)
    summed = jax.ops.segment_sum(msgs, dst, num_segments=N)
    deg = jax.ops.segment_sum(jnp.ones((E,), dtype=feature.dtype), dst, num_segments=N)
    h = summed / jnp.maximum(deg, 1.0)[:, None]
    # NodeApplyModule: linear
    h = h @ W.T + b
    # BatchNorm1d (training-mode batch statistics, biased variance)
    mean = jnp.mean(h, axis=0)
    var = jnp.var(h, axis=0)
    h = (h - mean) / jnp.sqrt(var + EPS) * gamma + beta
    # activation
    h = jax.nn.relu(h)
    # residual (in_dim == out_dim so residual is active)
    h = feature + h
    # dropout p=0.0 -> identity
    return h

if __name__ == "__main__":
    import jax
    _d = setup_inputs()
    print(jax.jit(kernel)(*tuple(_d.values())))

</pallas_src>

<mosaic_0001>
#map = affine_map<(d0, d1) -> (0, 0)>
#map1 = affine_map<(d0, d1) -> (0, 0, 0)>
module attributes {stable_mosaic.version = 14 : i64} {
  func.func @_sc_aggregate(%arg0: i32, %arg1: i32, %arg2: memref<10000x128xf32, #tpu.memory_space<hbm>>, %arg3: memref<2x320000xi32, #tpu.memory_space<hbm>>, %arg4: memref<2x8192xi32, #tpu.memory_space<hbm>>, %arg5: memref<2x10240x128xf32, #tpu.memory_space<hbm>>, %arg6: memref<2x10240xf32, #tpu.memory_space<hbm>>, %arg7: memref<2x1024xi32, #tpu.memory_space<vmem>>, %arg8: memref<2x8x128xi32, #tpu.memory_space<vmem>>, %arg9: memref<2x128x128xf32, #tpu.memory_space<vmem>>, %arg10: memref<128xf32, #tpu.memory_space<vmem>>, %arg11: memref<128xf32, #tpu.memory_space<vmem>>, %arg12: memref<10240x128xf32, #tpu.memory_space<vmem_shared>>, %arg13: memref<10240xf32, #tpu.memory_space<vmem_shared>>, %arg14: memref<!tpu.dma_semaphore, #tpu.memory_space<semaphore_mem>>, %arg15: memref<!tpu.dma_semaphore, #tpu.memory_space<semaphore_mem>>, %arg16: memref<!tpu.dma_semaphore, #tpu.memory_space<semaphore_mem>>) attributes {dimension_semantics = [#tpu.dimension_semantics<core_parallel>, #tpu.dimension_semantics<subcore_parallel>], iteration_bounds = array<i64: 2, 16>, scalar_prefetch = 0 : i64, scratch_operands = 10 : i64, tpu.core_type = #tpu.core_type<sc_vector_subcore>, window_params = [{transform_indices = #map}, {transform_indices = #map}, {transform_indices = #map}, {transform_indices = #map1}, {transform_indices = #map}]} {
    %scan3A = arith.constant 0 : i32
    %scan3A_0 = arith.constant 0 : i32
    %scan3A_1 = arith.constant 0 : i32
    %scan3A_2 = arith.constant 128 : i32
    %scan3A_3 = arith.addi %scan3A_1, %scan3A_2 : i32
    %scan3A_4 = arith.constant 1 : i32
    scf.for %scan3A_342 = %scan3A_1 to %scan3A_3 step %scan3A_4  : i32 {
      %broadcast_in_dim3A = arith.constant 0.000000e+00 : f32
      %broadcast_in_dim3A_343 = vector.broadcast %broadcast_in_dim3A : f32 to vector<16xf32>
      %swap3A = arith.constant 0 : i32
      %swap3A_344 = arith.constant 0 : i32
      %swap3A_345 = tpu.memref_slice %arg9[%scan3A_0, %swap3A, %swap3A_344] : memref<2x128x128xf32, #tpu.memory_space<vmem>> -> memref<1x128x128xf32, #tpu.memory_space<vmem>>
      %swap3A_346 = tpu.memref_squeeze %swap3A_345 : memref<1x128x128xf32, #tpu.memory_space<vmem>> -> memref<128x128xf32, #tpu.memory_space<vmem>>
      %swap3A_347 = arith.index_cast %scan3A_342 : i32 to index
      %swap3A_348 = arith.constant 0 : index
      %swap3A_349 = tpu.vector_load %swap3A_346[%swap3A_347, %swap3A_348] {strides = array<i32>} : memref<128x128xf32, #tpu.memory_space<vmem>>, vector<1x16xf32>,
      %swap3A_350 = vector.shape_cast %swap3A_349 : vector<1x16xf32> to vector<16xf32>
      %swap3A_351 = vector.shape_cast %broadcast_in_dim3A_343 : vector<16xf32> to vector<1x16xf32>
      tpu.vector_store %swap3A_346[%swap3A_347, %swap3A_348], %swap3A_351 {strides = array<i32>} : memref<128x128xf32, #tpu.memory_space<vmem>>, vector<1x16xf32>,
      %broadcast_in_dim3A_352 = arith.constant 0.000000e+00 : f32
      %broadcast_in_dim3A_353 = vector.broadcast %broadcast_in_dim3A_352 : f32 to vector<16xf32>
      %swap3A_354 = arith.constant 0 : i32
      %swap3A_355 = arith.constant 0 : i32
      %swap3A_356 = tpu.memref_slice %arg9[%scan3A_0, %swap3A_354, %swap3A_355] : memref<2x128x128xf32, #tpu.memory_space<vmem>> -> memref<1x128x128xf32, #tpu.memory_space<vmem>>
      %swap3A_357 = tpu.memref_squeeze %swap3A_356 : memref<1x128x128xf32, #tpu.memory_space<vmem>> -> memref<128x128xf32, #tpu.memory_space<vmem>>
      %swap3A_358 = arith.index_cast %scan3A_342 : i32 to index
      %swap3A_359 = arith.constant 16 : index
      %swap3A_360 = tpu.vector_load %swap3A_357[%swap3A_358, %swap3A_359] {strides = array<i32>} : memref<128x128xf32, #tpu.memory_space<vmem>>, vector<1x16xf32>,
      %swap3A_361 = vector.shape_cast %swap3A_360 : vector<1x16xf32> to vector<16xf32>
      %swap3A_362 = vector.shape_cast %broadcast_in_dim3A_353 : vector<16xf32> to vector<1x16xf32>
      tpu.vector_store %swap3A_357[%swap3A_358, %swap3A_359], %swap3A_362 {strides = array<i32>} : memref<128x128xf32, #tpu.memory_space<vmem>>, vector<1x16xf32>,
      %broadcast_in_dim3A_363 = arith.constant 0.000000e+00 : f32
      %broadcast_in_dim3A_364 = vector.broadcast %broadcast_in_dim3A_363 : f32 to vector<16xf32>
      %swap3A_365 = arith.constant 0 : i32
      %swap3A_366 = arith.constant 0 : i32
      %swap3A_367 = tpu.memref_slice %arg9[%scan3A_0, %swap3A_365, %swap3A_366] : memref<2x128x128xf32, #tpu.memory_space<vmem>> -> memref<1x128x128xf32, #tpu.memory_space<vmem>>
      %swap3A_368 = tpu.memref_squeeze %swap3A_367 : memref<1x128x128xf32, #tpu.memory_space<vmem>> -> memref<128x128xf32, #tpu.memory_space<vmem>>
      %swap3A_369 = arith.index_cast %scan3A_342 : i32 to index
      %swap3A_370 = arith.constant 32 : index
      %swap3A_371 = tpu.vector_load %swap3A_368[%swap3A_369, %swap3A_370] {strides = array<i32>} : memref<128x128xf32, #tpu.memory_space<vmem>>, vector<1x16xf32>,
      %swap3A_372 = vector.shape_cast %swap3A_371 : vector<1x16xf32> to vector<16xf32>
      %swap3A_373 = vector.shape_cast %broadcast_in_dim3A_364 : vector<16xf32> to vector<1x16xf32>
      tpu.vector_store %swap3A_368[%swap3A_369, %swap3A_370], %swap3A_373 {strides = array<i32>} : memref<128x128xf32, #tpu.memory_space<vmem>>, vector<1x16xf32>,
      %broadcast_in_dim3A_374 = arith.constant 0.000000e+00 : f32
      %broadcast_in_dim3A_375 = vector.broadcast %broadcast_in_dim3A_374 : f32 to vector<16xf32>
      %swap3A_376 = arith.constant 0 : i32
      %swap3A_377 = arith.constant 0 : i32
      %swap3A_378 = tpu.memref_slice %arg9[%scan3A_0, %swap3A_376, %swap3A_377] : memref<2x128x128xf32, #tpu.memory_space<vmem>> -> memref<1x128x128xf32, #tpu.memory_space<vmem>>
      %swap3A_379 = tpu.memref_squeeze %swap3A_378 : memref<1x128x128xf32, #tpu.memory_space<vmem>> -> memref<128x128xf32, #tpu.memory_space<vmem>>
      %swap3A_380 = arith.index_cast %scan3A_342 : i32 to index
      %swap3A_381 = arith.constant 48 : index
      %swap3A_382 = tpu.vector_load %swap3A_379[%swap3A_380, %swap3A_381] {strides = array<i32>} : memref<128x128xf32, #tpu.memory_space<vmem>>, vector<1x16xf32>,
      %swap3A_383 = vector.shape_cast %swap3A_382 : vector<1x16xf32> to vector<16xf32>
      %swap3A_384 = vector.shape_cast %broadcast_in_dim3A_375 : vector<16xf32> to vector<1x16xf32>
      tpu.vector_store %swap3A_379[%swap3A_380, %swap3A_381], %swap3A_384 {strides = array<i32>} : memref<128x128xf32, #tpu.memory_space<vmem>>, vector<1x16xf32>,
      %broadcast_in_dim3A_385 = arith.constant 0.000000e+00 : f32
      %broadcast_in_dim3A_386 = vector.broadcast %broadcast_in_dim3A_385 : f32 to vector<16xf32>
      %swap3A_387 = arith.constant 0 : i32
      %swap3A_388 = arith.constant 0 : i32
      %swap3A_389 = tpu.memref_slice %arg9[%scan3A_0, %swap3A_387, %swap3A_388] : memref<2x128x128xf32, #tpu.memory_space<vmem>> -> memref<1x128x128xf32, #tpu.memory_space<vmem>>
      %swap3A_390 = tpu.memref_squeeze %swap3A_389 : memref<1x128x128xf32, #tpu.memory_space<vmem>> -> memref<128x128xf32, #tpu.memory_space<vmem>>
      %swap3A_391 = arith.index_cast %scan3A_342 : i32 to index
      %swap3A_392 = arith.constant 64 : index
      %swap3A_393 = tpu.vector_load %swap3A_390[%swap3A_391, %swap3A_392] {strides = array<i32>} : memref<128x128xf32, #tpu.memory_space<vmem>>, vector<1x16xf32>,
      %swap3A_394 = vector.shape_cast %swap3A_393 : vector<1x16xf32> to vector<16xf32>
      %swap3A_395 = vector.shape_cast %broadcast_in_dim3A_386 : vector<16xf32> to vector<1x16xf32>
      tpu.vector_store %swap3A_390[%swap3A_391, %swap3A_392], %swap3A_395 {strides = array<i32>} : memref<128x128xf32, #tpu.memory_space<vmem>>, vector<1x16xf32>,
      %broadcast_in_dim3A_396 = arith.constant 0.000000e+00 : f32
      %broadcast_in_dim3A_397 = vector.broadcast %broadcast_in_dim3A_396 : f32 to vector<16xf32>
      %swap3A_398 = arith.constant 0 : i32
      %swap3A_399 = arith.constant 0 : i32
      %swap3A_400 = tpu.memref_slice %arg9[%scan3A_0, %swap3A_398, %swap3A_399] : memref<2x128x128xf32, #tpu.memory_space<vmem>> -> memref<1x128x128xf32, #tpu.memory_space<vmem>>
      %swap3A_401 = tpu.memref_squeeze %swap3A_400 : memref<1x128x128xf32, #tpu.memory_space<vmem>> -> memref<128x128xf32, #tpu.memory_space<vmem>>
      %swap3A_402 = arith.index_cast %scan3A_342 : i32 to index
      %swap3A_403 = arith.constant 80 : index
      %swap3A_404 = tpu.vector_load %swap3A_401[%swap3A_402, %swap3A_403] {strides = array<i32>} : memref<128x128xf32, #tpu.memory_space<vmem>>, vector<1x16xf32>,
      %swap3A_405 = vector.shape_cast %swap3A_404 : vector<1x16xf32> to vector<16xf32>
      %swap3A_406 = vector.shape_cast %broadcast_in_dim3A_397 : vector<16xf32> to vector<1x16xf32>
      tpu.vector_store %swap3A_401[%swap3A_402, %swap3A_403], %swap3A_406 {strides = array<i32>} : memref<128x128xf32, #tpu.memory_space<vmem>>, vector<1x16xf32>,
      %broadcast_in_dim3A_407 = arith.constant 0.000000e+00 : f32
      %broadcast_in_dim3A_408 = vector.broadcast %broadcast_in_dim3A_407 : f32 to vector<16xf32>
      %swap3A_409 = arith.constant 0 : i32
      %swap3A_410 = arith.constant 0 : i32
      %swap3A_411 = tpu.memref_slice %arg9[%scan3A_0, %swap3A_409, %swap3A_410] : memref<2x128x128xf32, #tpu.memory_space<vmem>> -> memref<1x128x128xf32, #tpu.memory_space<vmem>>
      %swap3A_412 = tpu.memref_squeeze %swap3A_411 : memref<1x128x128xf32, #tpu.memory_space<vmem>> -> memref<128x128xf32, #tpu.memory_space<vmem>>
      %swap3A_413 = arith.index_cast %scan3A_342 : i32 to index
      %swap3A_414 = arith.constant 96 : index
      %swap3A_415 = tpu.vector_load %swap3A_412[%swap3A_413, %swap3A_414] {strides = array<i32>} : memref<128x128xf32, #tpu.memory_space<vmem>>, vector<1x16xf32>,
      %swap3A_416 = vector.shape_cast %swap3A_415 : vector<1x16xf32> to vector<16xf32>
      %swap3A_417 = vector.shape_cast %broadcast_in_dim3A_408 : vector<16xf32> to vector<1x16xf32>
      tpu.vector_store %swap3A_412[%swap3A_413, %swap3A_414], %swap3A_417 {strides = array<i32>} : memref<128x128xf32, #tpu.memory_space<vmem>>, vector<1x16xf32>,
      %broadcast_in_dim3A_418 = arith.constant 0.000000e+00 : f32
      %broadcast_in_dim3A_419 = vector.broadcast %broadcast_in_dim3A_418 : f32 to vector<16xf32>
      %swap3A_420 = arith.constant 0 : i32
      %swap3A_421 = arith.constant 0 : i32
      %swap3A_422 = tpu.memref_slice %arg9[%scan3A_0, %swap3A_420, %swap3A_421] : memref<2x128x128xf32, #tpu.memory_space<vmem>> -> memref<1x128x128xf32, #tpu.memory_space<vmem>>
      %swap3A_423 = tpu.memref_squeeze %swap3A_422 : memref<1x128x128xf32, #tpu.memory_space<vmem>> -> memref<128x128xf32, #tpu.memory_space<vmem>>
      %swap3A_424 = arith.index_cast %scan3A_342 : i32 to index
      %swap3A_425 = arith.constant 112 : index
      %swap3A_426 = tpu.vector_load %swap3A_423[%swap3A_424, %swap3A_425] {strides = array<i32>} : memref<128x128xf32, #tpu.memory_space<vmem>>, vector<1x16xf32>,
      %swap3A_427 = vector.shape_cast %swap3A_426 : vector<1x16xf32> to vector<16xf32>
      %swap3A_428 = vector.shape_cast %broadcast_in_dim3A_419 : vector<16xf32> to vector<1x16xf32>
      tpu.vector_store %swap3A_423[%swap3A_424, %swap3A_425], %swap3A_428 {strides = array<i32>} : memref<128x128xf32, #tpu.memory_space<vmem>>, vector<1x16xf32>,
    }
    %scan3A_5 = arith.constant 128 : i32
    %scan3A_6 = arith.constant 0 : i32
    %scan3A_7 = arith.constant 0 : i32
    %scan3A_8 = arith.constant 8 : i32
    %scan3A_9 = arith.addi %scan3A_7, %scan3A_8 : i32
    %scan3A_10 = arith.constant 1 : i32
    scf.for %scan3A_342 = %scan3A_7 to %scan3A_9 step %scan3A_10  : i32 {
      %broadcast_in_dim3A = arith.constant 1.000000e+00 : f32
      %broadcast_in_dim3A_343 = vector.broadcast %broadcast_in_dim3A : f32 to vector<16xf32>
      %mul3A_344 = arith.constant 16 : i32
      %mul3A_345 = arith.muli %scan3A_342, %mul3A_344 : i32
      %swap3A = arith.index_cast %mul3A_345 : i32 to index
      %swap3A_346 = tpu.vector_load %arg10[%swap3A] {strides = array<i32>} : memref<128xf32, #tpu.memory_space<vmem>>, vector<16xf32>,
      %swap3A_347 = vector.shape_cast %swap3A_346 : vector<16xf32> to vector<16xf32>
      %swap3A_348 = vector.shape_cast %broadcast_in_dim3A_343 : vector<16xf32> to vector<16xf32>
      tpu.vector_store %arg10[%swap3A], %swap3A_348 {strides = array<i32>} : memref<128xf32, #tpu.memory_space<vmem>>, vector<16xf32>,
      %broadcast_in_dim3A_349 = arith.constant 0.000000e+00 : f32
      %broadcast_in_dim3A_350 = vector.broadcast %broadcast_in_dim3A_349 : f32 to vector<16xf32>
      %mul3A_351 = arith.constant 16 : i32
      %mul3A_352 = arith.muli %scan3A_342, %mul3A_351 : i32
      %swap3A_353 = arith.index_cast %mul3A_352 : i32 to index
      %swap3A_354 = tpu.vector_load %arg11[%swap3A_353] {strides = array<i32>} : memref<128xf32, #tpu.memory_space<vmem>>, vector<16xf32>,
      %swap3A_355 = vector.shape_cast %swap3A_354 : vector<16xf32> to vector<16xf32>
      %swap3A_356 = vector.shape_cast %broadcast_in_dim3A_350 : vector<16xf32> to vector<16xf32>
      tpu.vector_store %arg11[%swap3A_353], %swap3A_356 {strides = array<i32>} : memref<128xf32, #tpu.memory_space<vmem>>, vector<16xf32>,
    }
    %scan3A_11 = arith.constant 8 : i32
    %mul3A = arith.constant 640 : i32
    %mul3A_12 = arith.muli %arg1, %mul3A : i32
    %add3A = arith.constant 0 : i32
    %add3A_13 = arith.addi %mul3A_12, %add3A : i32
    %dma_start3A = arith.constant 0 : i32
    %dma_start3A_14 = arith.constant 0 : i32
    %dma_start3A_15 = arith.constant 0 : i32
    %dma_start3A_16 = tpu.memref_slice %arg9[%dma_start3A, %dma_start3A_14, %dma_start3A_15] : memref<2x128x128xf32, #tpu.memory_space<vmem>> -> memref<1x128x128xf32, #tpu.memory_space<vmem>>
    %dma_start3A_17 = tpu.memref_squeeze %dma_start3A_16 : memref<1x128x128xf32, #tpu.memory_space<vmem>> -> memref<128x128xf32, #tpu.memory_space<vmem>>
    %dma_start3A_18 = arith.constant 0 : i32
    %dma_start3A_19 = tpu.memref_slice %arg12[%add3A_13, %dma_start3A_18] : memref<10240x128xf32, #tpu.memory_space<vmem_shared>> -> memref<128x128xf32, #tpu.memory_space<vmem_shared>>
    %dma_start3A_20 = arith.constant 0 : i32
    %dma_start3A_21 = tpu.memref_slice %arg12[%add3A_13, %dma_start3A_20] : memref<10240x128xf32, #tpu.memory_space<vmem_shared>> -> memref<128x128xf32, #tpu.memory_space<vmem_shared>>
    %dma_start3A_22 = arith.constant 0 : i32
    %dma_start3A_23 = arith.constant 0 : i32
    %dma_start3A_24 = tpu.memref_slice %arg9[%dma_start3A, %dma_start3A_22, %dma_start3A_23] : memref<2x128x128xf32, #tpu.memory_space<vmem>> -> memref<1x128x128xf32, #tpu.memory_space<vmem>>
    %dma_start3A_25 = tpu.memref_squeeze %dma_start3A_24 : memref<1x128x128xf32, #tpu.memory_space<vmem>> -> memref<128x128xf32, #tpu.memory_space<vmem>>
    tpu.enqueue_dma source(%dma_start3A_25 : memref<128x128xf32, #tpu.memory_space<vmem>>) target(%dma_start3A_21 : memref<128x128xf32, #tpu.memory_space<vmem_shared>>) target_semaphore(%arg15 : memref<!tpu.dma_semaphore, #tpu.memory_space<semaphore_mem>>)
    %add3A_26 = arith.constant 0 : i32
    %add3A_27 = arith.addi %mul3A_12, %add3A_26 : i32
    %dma_start3A_28 = tpu.memref_slice %arg13[%add3A_27] : memref<10240xf32, #tpu.memory_space<vmem_shared>> -> memref<128xf32, #tpu.memory_space<vmem_shared>>
    %dma_start3A_29 = tpu.memref_slice %arg13[%add3A_27] : memref<10240xf32, #tpu.memory_space<vmem_shared>> -> memref<128xf32, #tpu.memory_space<vmem_shared>>
    tpu.enqueue_dma source(%arg11 : memref<128xf32, #tpu.memory_space<vmem>>) target(%dma_start3A_29 : memref<128xf32, #tpu.memory_space<vmem_shared>>) target_semaphore(%arg15 : memref<!tpu.dma_semaphore, #tpu.memory_space<semaphore_mem>>)
    %add3A_30 = arith.constant 128 : i32
    %add3A_31 = arith.addi %mul3A_12, %add3A_30 : i32
    %dma_start3A_32 = arith.constant 0 : i32
    %dma_start3A_33 = arith.constant 0 : i32
    %dma_start3A_34 = arith.constant 0 : i32
    %dma_start3A_35 = tpu.memref_slice %arg9[%dma_start3A_32, %dma_start3A_33, %dma_start3A_34] : memref<2x128x128xf32, #tpu.memory_space<vmem>> -> memref<1x128x128xf32, #tpu.memory_space<vmem>>
    %dma_start3A_36 = tpu.memref_squeeze %dma_start3A_35 : memref<1x128x128xf32, #tpu.memory_space<vmem>> -> memref<128x128xf32, #tpu.memory_space<vmem>>
    %dma_start3A_37 = arith.constant 0 : i32
    %dma_start3A_38 = tpu.memref_slice %arg12[%add3A_31, %dma_start3A_37] : memref<10240x128xf32, #tpu.memory_space<vmem_shared>> -> memref<128x128xf32, #tpu.memory_space<vmem_shared>>
    %dma_start3A_39 = arith.constant 0 : i32
    %dma_start3A_40 = tpu.memref_slice %arg12[%add3A_31, %dma_start3A_39] : memref<10240x128xf32, #tpu.memory_space<vmem_shared>> -> memref<128x128xf32, #tpu.memory_space<vmem_shared>>
    %dma_start3A_41 = arith.constant 0 : i32
    %dma_start3A_42 = arith.constant 0 : i32
    %dma_start3A_43 = tpu.memref_slice %arg9[%dma_start3A_32, %dma_start3A_41, %dma_start3A_42] : memref<2x128x128xf32, #tpu.memory_space<vmem>> -> memref<1x128x128xf32, #tpu.memory_space<vmem>>
    %dma_start3A_44 = tpu.memref_squeeze %dma_start3A_43 : memref<1x128x128xf32, #tpu.memory_space<vmem>> -> memref<128x128xf32, #tpu.memory_space<vmem>>
    tpu.enqueue_dma source(%dma_start3A_44 : memref<128x128xf32, #tpu.memory_space<vmem>>) target(%dma_start3A_40 : memref<128x128xf32, #tpu.memory_space<vmem_shared>>) target_semaphore(%arg15 : memref<!tpu.dma_semaphore, #tpu.memory_space<semaphore_mem>>)
    %add3A_45 = arith.constant 128 : i32
    %add3A_46 = arith.addi %mul3A_12, %add3A_45 : i32
    %dma_start3A_47 = tpu.memref_slice %arg13[%add3A_46] : memref<10240xf32, #tpu.memory_space<vmem_shared>> -> memref<128xf32, #tpu.memory_space<vmem_shared>>
    %dma_start3A_48 = tpu.memref_slice %arg13[%add3A_46] : memref<10240xf32, #tpu.memory_space<vmem_shared>> -> memref<128xf32, #tpu.memory_space<vmem_shared>>
    tpu.enqueue_dma source(%arg11 : memref<128xf32, #tpu.memory_space<vmem>>) target(%dma_start3A_48 : memref<128xf32, #tpu.memory_space<vmem_shared>>) target_semaphore(%arg15 : memref<!tpu.dma_semaphore, #tpu.memory_space<semaphore_mem>>)
    %add3A_49 = arith.constant 256 : i32
    %add3A_50 = arith.addi %mul3A_12, %add3A_49 : i32
    %dma_start3A_51 = arith.constant 0 : i32
    %dma_start3A_52 = arith.constant 0 : i32
    %dma_start3A_53 = arith.constant 0 : i32
    %dma_start3A_54 = tpu.memref_slice %arg9[%dma_start3A_51, %dma_start3A_52, %dma_start3A_53] : memref<2x128x128xf32, #tpu.memory_space<vmem>> -> memref<1x128x128xf32, #tpu.memory_space<vmem>>
    %dma_start3A_55 = tpu.memref_squeeze %dma_start3A_54 : memref<1x128x128xf32, #tpu.memory_space<vmem>> -> memref<128x128xf32, #tpu.memory_space<vmem>>
    %dma_start3A_56 = arith.constant 0 : i32
    %dma_start3A_57 = tpu.memref_slice %arg12[%add3A_50, %dma_start3A_56] : memref<10240x128xf32, #tpu.memory_space<vmem_shared>> -> memref<128x128xf32, #tpu.memory_space<vmem_shared>>
    %dma_start3A_58 = arith.constant 0 : i32
    %dma_start3A_59 = tpu.memref_slice %arg12[%add3A_50, %dma_start3A_58] : memref<10240x128xf32, #tpu.memory_space<vmem_shared>> -> memref<128x128xf32, #tpu.memory_space<vmem_shared>>
    %dma_start3A_60 = arith.constant 0 : i32
    %dma_start3A_61 = arith.constant 0 : i32
    %dma_start3A_62 = tpu.memref_slice %arg9[%dma_start3A_51, %dma_start3A_60, %dma_start3A_61] : memref<2x128x128xf32, #tpu.memory_space<vmem>> -> memref<1x128x128xf32, #tpu.memory_space<vmem>>
    %dma_start3A_63 = tpu.memref_squeeze %dma_start3A_62 : memref<1x128x128xf32, #tpu.memory_space<vmem>> -> memref<128x128xf32, #tpu.memory_space<vmem>>
    tpu.enqueue_dma source(%dma_start3A_63 : memref<128x128xf32, #tpu.memory_space<vmem>>) target(%dma_start3A_59 : memref<128x128xf32, #tpu.memory_space<vmem_shared>>) target_semaphore(%arg15 : memref<!tpu.dma_semaphore, #tpu.memory_space<semaphore_mem>>)
    %add3A_64 = arith.constant 256 : i32
    %add3A_65 = arith.addi %mul3A_12, %add3A_64 : i32
    %dma_start3A_66 = tpu.memref_slice %arg13[%add3A_65] : memref<10240xf32, #tpu.memory_space<vmem_shared>> -> memref<128xf32, #tpu.memory_space<vmem_shared>>
    %dma_start3A_67 = tpu.memref_slice %arg13[%add3A_65] : memref<10240xf32, #tpu.memory_space<vmem_shared>> -> memref<128xf32, #tpu.memory_space<vmem_shared>>
    tpu.enqueue_dma source(%arg11 : memref<128xf32, #tpu.memory_space<vmem>>) target(%dma_start3A_67 : memref<128xf32, #tpu.memory_space<vmem_shared>>) target_semaphore(%arg15 : memref<!tpu.dma_semaphore, #tpu.memory_space<semaphore_mem>>)
    %add3A_68 = arith.constant 384 : i32
    %add3A_69 = arith.addi %mul3A_12, %add3A_68 : i32
    %dma_start3A_70 = arith.constant 0 : i32
    %dma_start3A_71 = arith.constant 0 : i32
    %dma_start3A_72 = arith.constant 0 : i32
    %dma_start3A_73 = tpu.memref_slice %arg9[%dma_start3A_70, %dma_start3A_71, %dma_start3A_72] : memref<2x128x128xf32, #tpu.memory_space<vmem>> -> memref<1x128x128xf32, #tpu.memory_space<vmem>>
    %dma_start3A_74 = tpu.memref_squeeze %dma_start3A_73 : memref<1x128x128xf32, #tpu.memory_space<vmem>> -> memref<128x128xf32, #tpu.memory_space<vmem>>
    %dma_start3A_75 = arith.constant 0 : i32
    %dma_start3A_76 = tpu.memref_slice %arg12[%add3A_69, %dma_start3A_75] : memref<10240x128xf32, #tpu.memory_space<vmem_shared>> -> memref<128x128xf32, #tpu.memory_space<vmem_shared>>
    %dma_start3A_77 = arith.constant 0 : i32
    %dma_start3A_78 = tpu.memref_slice %arg12[%add3A_69, %dma_start3A_77] : memref<10240x128xf32, #tpu.memory_space<vmem_shared>> -> memref<128x128xf32, #tpu.memory_space<vmem_shared>>
    %dma_start3A_79 = arith.constant 0 : i32
    %dma_start3A_80 = arith.constant 0 : i32
    %dma_start3A_81 = tpu.memref_slice %arg9[%dma_start3A_70, %dma_start3A_79, %dma_start3A_80] : memref<2x128x128xf32, #tpu.memory_space<vmem>> -> memref<1x128x128xf32, #tpu.memory_space<vmem>>
    %dma_start3A_82 = tpu.memref_squeeze %dma_start3A_81 : memref<1x128x128xf32, #tpu.memory_space<vmem>> -> memref<128x128xf32, #tpu.memory_space<vmem>>
    tpu.enqueue_dma source(%dma_start3A_82 : memref<128x128xf32, #tpu.memory_space<vmem>>) target(%dma_start3A_78 : memref<128x128xf32, #tpu.memory_space<vmem_shared>>) target_semaphore(%arg15 : memref<!tpu.dma_semaphore, #tpu.memory_space<semaphore_mem>>)
    %add3A_83 = arith.constant 384 : i32
    %add3A_84 = arith.addi %mul3A_12, %add3A_83 : i32
    %dma_start3A_85 = tpu.memref_slice %arg13[%add3A_84] : memref<10240xf32, #tpu.memory_space<vmem_shared>> -> memref<128xf32, #tpu.memory_space<vmem_shared>>
    %dma_start3A_86 = tpu.memref_slice %arg13[%add3A_84] : memref<10240xf32, #tpu.memory_space<vmem_shared>> -> memref<128xf32, #tpu.memory_space<vmem_shared>>
    tpu.enqueue_dma source(%arg11 : memref<128xf32, #tpu.memory_space<vmem>>) target(%dma_start3A_86 : memref<128xf32, #tpu.memory_space<vmem_shared>>) target_semaphore(%arg15 : memref<!tpu.dma_semaphore, #tpu.memory_space<semaphore_mem>>)
    %add3A_87 = arith.constant 512 : i32
    %add3A_88 = arith.addi %mul3A_12, %add3A_87 : i32
    %dma_start3A_89 = arith.constant 0 : i32
    %dma_start3A_90 = arith.constant 0 : i32
    %dma_start3A_91 = arith.constant 0 : i32
    %dma_start3A_92 = tpu.memref_slice %arg9[%dma_start3A_89, %dma_start3A_90, %dma_start3A_91] : memref<2x128x128xf32, #tpu.memory_space<vmem>> -> memref<1x128x128xf32, #tpu.memory_space<vmem>>
    %dma_start3A_93 = tpu.memref_squeeze %dma_start3A_92 : memref<1x128x128xf32, #tpu.memory_space<vmem>> -> memref<128x128xf32, #tpu.memory_space<vmem>>
    %dma_start3A_94 = arith.constant 0 : i32
    %dma_start3A_95 = tpu.memref_slice %arg12[%add3A_88, %dma_start3A_94] : memref<10240x128xf32, #tpu.memory_space<vmem_shared>> -> memref<128x128xf32, #tpu.memory_space<vmem_shared>>
    %dma_start3A_96 = arith.constant 0 : i32
    %dma_start3A_97 = tpu.memref_slice %arg12[%add3A_88, %dma_start3A_96] : memref<10240x128xf32, #tpu.memory_space<vmem_shared>> -> memref<128x128xf32, #tpu.memory_space<vmem_shared>>
    %dma_start3A_98 = arith.constant 0 : i32
    %dma_start3A_99 = arith.constant 0 : i32
    %dma_start3A_100 = tpu.memref_slice %arg9[%dma_start3A_89, %dma_start3A_98, %dma_start3A_99] : memref<2x128x128xf32, #tpu.memory_space<vmem>> -> memref<1x128x128xf32, #tpu.memory_space<vmem>>
    %dma_start3A_101 = tpu.memref_squeeze %dma_start3A_100 : memref<1x128x128xf32, #tpu.memory_space<vmem>> -> memref<128x128xf32, #tpu.memory_space<vmem>>
    tpu.enqueue_dma source(%dma_start3A_101 : memref<128x128xf32, #tpu.memory_space<vmem>>) target(%dma_start3A_97 : memref<128x128xf32, #tpu.memory_space<vmem_shared>>) target_semaphore(%arg15 : memref<!tpu.dma_semaphore, #tpu.memory_space<semaphore_mem>>)
    %add3A_102 = arith.constant 512 : i32
    %add3A_103 = arith.addi %mul3A_12, %add3A_102 : i32
    %dma_start3A_104 = tpu.memref_slice %arg13[%add3A_103] : memref<10240xf32, #tpu.memory_space<vmem_shared>> -> memref<128xf32, #tpu.memory_space<vmem_shared>>
    %dma_start3A_105 = tpu.memref_slice %arg13[%add3A_103] : memref<10240xf32, #tpu.memory_space<vmem_shared>> -> memref<128xf32, #tpu.memory_space<vmem_shared>>
    tpu.enqueue_dma source(%arg11 : memref<128xf32, #tpu.memory_space<vmem>>) target(%dma_start3A_105 : memref<128xf32, #tpu.memory_space<vmem_shared>>) target_semaphore(%arg15 : memref<!tpu.dma_semaphore, #tpu.memory_space<semaphore_mem>>)
    %dma_wait3A = arith.constant 0 : i32
    %dma_wait3A_106 = arith.constant 0 : i32
    %dma_wait3A_107 = arith.constant 0 : i32
    %dma_wait3A_108 = tpu.memref_slice %arg9[%dma_wait3A, %dma_wait3A_106, %dma_wait3A_107] : memref<2x128x128xf32, #tpu.memory_space<vmem>> -> memref<1x128x128xf32, #tpu.memory_space<vmem>>
    %dma_wait3A_109 = tpu.memref_squeeze %dma_wait3A_108 : memref<1x128x128xf32, #tpu.memory_space<vmem>> -> memref<128x128xf32, #tpu.memory_space<vmem>>
    %dma_wait3A_110 = arith.constant 0 : i32
    %dma_wait3A_111 = tpu.memref_slice %arg12[%add3A_13, %dma_wait3A_110] : memref<10240x128xf32, #tpu.memory_space<vmem_shared>> -> memref<128x128xf32, #tpu.memory_space<vmem_shared>>
    %dma_wait3A_112 = arith.constant 0 : i32
    %dma_wait3A_113 = tpu.memref_slice %arg12[%add3A_13, %dma_wait3A_112] : memref<10240x128xf32, #tpu.memory_space<vmem_shared>> -> memref<128x128xf32, #tpu.memory_space<vmem_shared>>
    %dma_wait3A_114 = arith.constant 0 : i32
    %dma_wait3A_115 = arith.constant 0 : i32
    %dma_wait3A_116 = tpu.memref_slice %arg9[%dma_wait3A, %dma_wait3A_114, %dma_wait3A_115] : memref<2x128x128xf32, #tpu.memory_space<vmem>> -> memref<1x128x128xf32, #tpu.memory_space<vmem>>
    %dma_wait3A_117 = tpu.memref_squeeze %dma_wait3A_116 : memref<1x128x128xf32, #tpu.memory_space<vmem>> -> memref<128x128xf32, #tpu.memory_space<vmem>>
    tpu.wait_dma2 semaphore(%arg15 : memref<!tpu.dma_semaphore, #tpu.memory_space<semaphore_mem>>) src(%dma_wait3A_117 : memref<128x128xf32, #tpu.memory_space<vmem>>) dst(%dma_wait3A_113 : memref<128x128xf32, #tpu.memory_space<vmem_shared>>)
    %dma_wait3A_118 = tpu.memref_slice %arg13[%add3A_27] : memref<10240xf32, #tpu.memory_space<vmem_shared>> -> memref<128xf32, #tpu.memory_space<vmem_shared>>
    %dma_wait3A_119 = tpu.memref_slice %arg13[%add3A_27] : memref<10240xf32, #tpu.memory_space<vmem_shared>> -> memref<128xf32, #tpu.memory_space<vmem_shared>>
    tpu.wait_dma2 semaphore(%arg15 : memref<!tpu.dma_semaphore, #tpu.memory_space<semaphore_mem>>) src(%arg11 : memref<128xf32, #tpu.memory_space<vmem>>) dst(%dma_wait3A_119 : memref<128xf32, #tpu.memory_space<vmem_shared>>)
    %dma_wait3A_120 = arith.constant 0 : i32
    %dma_wait3A_121 = arith.constant 0 : i32
    %dma_wait3A_122 = arith.constant 0 : i32
    %dma_wait3A_123 = tpu.memref_slice %arg9[%dma_wait3A_120, %dma_wait3A_121, %dma_wait3A_122] : memref<2x128x128xf32, #tpu.memory_space<vmem>> -> memref<1x128x128xf32, #tpu.memory_space<vmem>>
    %dma_wait3A_124 = tpu.memref_squeeze %dma_wait3A_123 : memref<1x128x128xf32, #tpu.memory_space<vmem>> -> memref<128x128xf32, #tpu.memory_space<vmem>>
    %dma_wait3A_125 = arith.constant 0 : i32
    %dma_wait3A_126 = tpu.memref_slice %arg12[%add3A_31, %dma_wait3A_125] : memref<10240x128xf32, #tpu.memory_space<vmem_shared>> -> memref<128x128xf32, #tpu.memory_space<vmem_shared>>
    %dma_wait3A_127 = arith.constant 0 : i32
    %dma_wait3A_128 = tpu.memref_slice %arg12[%add3A_31, %dma_wait3A_127] : memref<10240x128xf32, #tpu.memory_space<vmem_shared>> -> memref<128x128xf32, #tpu.memory_space<vmem_shared>>
    %dma_wait3A_129 = arith.constant 0 : i32
    %dma_wait3A_130 = arith.constant 0 : i32
    %dma_wait3A_131 = tpu.memref_slice %arg9[%dma_wait3A_120, %dma_wait3A_129, %dma_wait3A_130] : memref<2x128x128xf32, #tpu.memory_space<vmem>> -> memref<1x128x128xf32, #tpu.memory_space<vmem>>
    %dma_wait3A_132 = tpu.memref_squeeze %dma_wait3A_131 : memref<1x128x128xf32, #tpu.memory_space<vmem>> -> memref<128x128xf32, #tpu.memory_space<vmem>>
    tpu.wait_dma2 semaphore(%arg15 : memref<!tpu.dma_semaphore, #tpu.memory_space<semaphore_mem>>) src(%dma_wait3A_132 : memref<128x128xf32, #tpu.memory_space<vmem>>) dst(%dma_wait3A_128 : memref<128x128xf32, #tpu.memory_space<vmem_shared>>)
    %dma_wait3A_133 = tpu.memref_slice %arg13[%add3A_46] : memref<10240xf32, #tpu.memory_space<vmem_shared>> -> memref<128xf32, #tpu.memory_space<vmem_shared>>
    %dma_wait3A_134 = tpu.memref_slice %arg13[%add3A_46] : memref<10240xf32, #tpu.memory_space<vmem_shared>> -> memref<128xf32, #tpu.memory_space<vmem_shared>>
    tpu.wait_dma2 semaphore(%arg15 : memref<!tpu.dma_semaphore, #tpu.memory_space<semaphore_mem>>) src(%arg11 : memref<128xf32, #tpu.memory_space<vmem>>) dst(%dma_wait3A_134 : memref<128xf32, #tpu.memory_space<vmem_shared>>)
    %dma_wait3A_135 = arith.constant 0 : i32
    %dma_wait3A_136 = arith.constant 0 : i32
    %dma_wait3A_137 = arith.constant 0 : i32
    %dma_wait3A_138 = tpu.memref_slice %arg9[%dma_wait3A_135, %dma_wait3A_136, %dma_wait3A_137] : memref<2x128x128xf32, #tpu.memory_space<vmem>> -> memref<1x128x128xf32, #tpu.memory_space<vmem>>
    %dma_wait3A_139 = tpu.memref_squeeze %dma_wait3A_138 : memref<1x128x128xf32, #tpu.memory_space<vmem>> -> memref<128x128xf32, #tpu.memory_space<vmem>>
    %dma_wait3A_140 = arith.constant 0 : i32
    %dma_wait3A_141 = tpu.memref_slice %arg12[%add3A_50, %dma_wait3A_140] : memref<10240x128xf32, #tpu.memory_space<vmem_shared>> -> memref<128x128xf32, #tpu.memory_space<vmem_shared>>
    %dma_wait3A_142 = arith.constant 0 : i32
    %dma_wait3A_143 = tpu.memref_slice %arg12[%add3A_50, %dma_wait3A_142] : memref<10240x128xf32, #tpu.memory_space<vmem_shared>> -> memref<128x128xf32, #tpu.memory_space<vmem_shared>>
    %dma_wait3A_144 = arith.constant 0 : i32
    %dma_wait3A_145 = arith.constant 0 : i32
    %dma_wait3A_146 = tpu.memref_slice %arg9[%dma_wait3A_135, %dma_wait3A_144, %dma_wait3A_145] : memref<2x128x128xf32, #tpu.memory_space<vmem>> -> memref<1x128x128xf32, #tpu.memory_space<vmem>>
    %dma_wait3A_147 = tpu.memref_squeeze %dma_wait3A_146 : memref<1x128x128xf32, #tpu.memory_space<vmem>> -> memref<128x128xf32, #tpu.memory_space<vmem>>
    tpu.wait_dma2 semaphore(%arg15 : memref<!tpu.dma_semaphore, #tpu.memory_space<semaphore_mem>>) src(%dma_wait3A_147 : memref<128x128xf32, #tpu.memory_space<vmem>>) dst(%dma_wait3A_143 : memref<128x128xf32, #tpu.memory_space<vmem_shared>>)
    %dma_wait3A_148 = tpu.memref_slice %arg13[%add3A_65] : memref<10240xf32, #tpu.memory_space<vmem_shared>> -> memref<128xf32, #tpu.memory_space<vmem_shared>>
    %dma_wait3A_149 = tpu.memref_slice %arg13[%add3A_65] : memref<10240xf32, #tpu.memory_space<vmem_shared>> -> memref<128xf32, #tpu.memory_space<vmem_shared>>
    tpu.wait_dma2 semaphore(%arg15 : memref<!tpu.dma_semaphore, #tpu.memory_space<semaphore_mem>>) src(%arg11 : memref<128xf32, #tpu.memory_space<vmem>>) dst(%dma_wait3A_149 : memref<128xf32, #tpu.memory_space<vmem_shared>>)
    %dma_wait3A_150 = arith.constant 0 : i32
    %dma_wait3A_151 = arith.constant 0 : i32
    %dma_wait3A_152 = arith.constant 0 : i32
    %dma_wait3A_153 = tpu.memref_slice %arg9[%dma_wait3A_150, %dma_wait3A_151, %dma_wait3A_152] : memref<2x128x128xf32, #tpu.memory_space<vmem>> -> memref<1x128x128xf32, #tpu.memory_space<vmem>>
    %dma_wait3A_154 = tpu.memref_squeeze %dma_wait3A_153 : memref<1x128x128xf32, #tpu.memory_space<vmem>> -> memref<128x128xf32, #tpu.memory_space<vmem>>
    %dma_wait3A_155 = arith.constant 0 : i32
    %dma_wait3A_156 = tpu.memref_slice %arg12[%add3A_69, %dma_wait3A_155] : memref<10240x128xf32, #tpu.memory_space<vmem_shared>> -> memref<128x128xf32, #tpu.memory_space<vmem_shared>>
    %dma_wait3A_157 = arith.constant 0 : i32
    %dma_wait3A_158 = tpu.memref_slice %arg12[%add3A_69, %dma_wait3A_157] : memref<10240x128xf32, #tpu.memory_space<vmem_shared>> -> memref<128x128xf32, #tpu.memory_space<vmem_shared>>
    %dma_wait3A_159 = arith.constant 0 : i32
    %dma_wait3A_160 = arith.constant 0 : i32
    %dma_wait3A_161 = tpu.memref_slice %arg9[%dma_wait3A_150, %dma_wait3A_159, %dma_wait3A_160] : memref<2x128x128xf32, #tpu.memory_space<vmem>> -> memref<1x128x128xf32, #tpu.memory_space<vmem>>
    %dma_wait3A_162 = tpu.memref_squeeze %dma_wait3A_161 : memref<1x128x128xf32, #tpu.memory_space<vmem>> -> memref<128x128xf32, #tpu.memory_space<vmem>>
    tpu.wait_dma2 semaphore(%arg15 : memref<!tpu.dma_semaphore, #tpu.memory_space<semaphore_mem>>) src(%dma_wait3A_162 : memref<128x128xf32, #tpu.memory_space<vmem>>) dst(%dma_wait3A_158 : memref<128x128xf32, #tpu.memory_space<vmem_shared>>)
    %dma_wait3A_163 = tpu.memref_slice %arg13[%add3A_84] : memref<10240xf32, #tpu.memory_space<vmem_shared>> -> memref<128xf32, #tpu.memory_space<vmem_shared>>
    %dma_wait3A_164 = tpu.memref_slice %arg13[%add3A_84] : memref<10240xf32, #tpu.memory_space<vmem_shared>> -> memref<128xf32, #tpu.memory_space<vmem_shared>>
    tpu.wait_dma2 semaphore(%arg15 : memref<!tpu.dma_semaphore, #tpu.memory_space<semaphore_mem>>) src(%arg11 : memref<128xf32, #tpu.memory_space<vmem>>) dst(%dma_wait3A_164 : memref<128xf32, #tpu.memory_space<vmem_shared>>)
    %dma_wait3A_165 = arith.constant 0 : i32
    %dma_wait3A_166 = arith.constant 0 : i32
    %dma_wait3A_167 = arith.constant 0 : i32
    %dma_wait3A_168 = tpu.memref_slice %arg9[%dma_wait3A_165, %dma_wait3A_166, %dma_wait3A_167] : memref<2x128x128xf32, #tpu.memory_space<vmem>> -> memref<1x128x128xf32, #tpu.memory_space<vmem>>
    %dma_wait3A_169 = tpu.memref_squeeze %dma_wait3A_168 : memref<1x128x128xf32, #tpu.memory_space<vmem>> -> memref<128x128xf32, #tpu.memory_space<vmem>>
    %dma_wait3A_170 = arith.constant 0 : i32
    %dma_wait3A_171 = tpu.memref_slice %arg12[%add3A_88, %dma_wait3A_170] : memref<10240x128xf32, #tpu.memory_space<vmem_shared>> -> memref<128x128xf32, #tpu.memory_space<vmem_shared>>
    %dma_wait3A_172 = arith.constant 0 : i32
    %dma_wait3A_173 = tpu.memref_slice %arg12[%add3A_88, %dma_wait3A_172] : memref<10240x128xf32, #tpu.memory_space<vmem_shared>> -> memref<128x128xf32, #tpu.memory_space<vmem_shared>>
    %dma_wait3A_174 = arith.constant 0 : i32
    %dma_wait3A_175 = arith.constant 0 : i32
    %dma_wait3A_176 = tpu.memref_slice %arg9[%dma_wait3A_165, %dma_wait3A_174, %dma_wait3A_175] : memref<2x128x128xf32, #tpu.memory_space<vmem>> -> memref<1x128x128xf32, #tpu.memory_space<vmem>>
    %dma_wait3A_177 = tpu.memref_squeeze %dma_wait3A_176 : memref<1x128x128xf32, #tpu.memory_space<vmem>> -> memref<128x128xf32, #tpu.memory_space<vmem>>
    tpu.wait_dma2 semaphore(%arg15 : memref<!tpu.dma_semaphore, #tpu.memory_space<semaphore_mem>>) src(%dma_wait3A_177 : memref<128x128xf32, #tpu.memory_space<vmem>>) dst(%dma_wait3A_173 : memref<128x128xf32, #tpu.memory_space<vmem_shared>>)
    %dma_wait3A_178 = tpu.memref_slice %arg13[%add3A_103] : memref<10240xf32, #tpu.memory_space<vmem_shared>> -> memref<128xf32, #tpu.memory_space<vmem_shared>>
    %dma_wait3A_179 = tpu.memref_slice %arg13[%add3A_103] : memref<10240xf32, #tpu.memory_space<vmem_shared>> -> memref<128xf32, #tpu.memory_space<vmem_shared>>
    tpu.wait_dma2 semaphore(%arg15 : memref<!tpu.dma_semaphore, #tpu.memory_space<semaphore_mem>>) src(%arg11 : memref<128xf32, #tpu.memory_space<vmem>>) dst(%dma_wait3A_179 : memref<128xf32, #tpu.memory_space<vmem_shared>>)
    %barrier3A = arith.constant 0 : index
    tpu.barrier barrier_id(%barrier3A)
    %mul3A_180 = arith.constant 16 : i32
    %mul3A_181 = arith.muli %arg0, %mul3A_180 : i32
    %add3A_182 = arith.addi %mul3A_181, %arg1 : i32
    %mul3A_183 = arith.constant 80 : i32
    %mul3A_184 = arith.muli %add3A_182, %mul3A_183 : i32
    %add3A_185 = arith.constant 0 : i32
    %add3A_186 = arith.addi %mul3A_184, %add3A_185 : i32
    %mul3A_187 = arith.constant 128 : i32
    %mul3A_188 = arith.muli %add3A_186, %mul3A_187 : i32
    %lt3A = arith.constant 2496 : i32
    %lt3A_189 = arith.cmpi slt, %add3A_186, %lt3A : i32
    %convert_element_type3A = arith.extui %lt3A_189 : i1 to i32
    %cond3A = arith.constant 0 : i32
    %cond3A_190 = arith.cmpi ne, %convert_element_type3A, %cond3A : i32
    scf.if %cond3A_190 {
      %dma_start3A_342 = arith.constant 0 : i32
      %dma_start3A_343 = arith.constant 0 : i32
      %dma_start3A_344 = arith.constant 0 : i32
      %dma_start3A_345 = tpu.memref_slice %arg7[%dma_start3A_343, %dma_start3A_344] : memref<2x1024xi32, #tpu.memory_space<vmem>> -> memref<1x1024xi32, #tpu.memory_space<vmem>>
      %dma_start3A_346 = tpu.memref_squeeze %dma_start3A_345 : memref<1x1024xi32, #tpu.memory_space<vmem>> -> memref<1024xi32, #tpu.memory_space<vmem>>
      %dma_start3A_347 = tpu.memref_slice %arg3[%dma_start3A_342, %mul3A_188] : memref<2x320000xi32, #tpu.memory_space<hbm>> -> memref<1x1024xi32, #tpu.memory_space<hbm>>
      %dma_start3A_348 = tpu.memref_squeeze %dma_start3A_347 : memref<1x1024xi32, #tpu.memory_space<hbm>> -> memref<1024xi32, #tpu.memory_space<hbm>>
      %dma_start3A_349 = arith.constant 0 : i32
      %dma_start3A_350 = tpu.memref_slice %arg7[%dma_start3A_343, %dma_start3A_349] : memref<2x1024xi32, #tpu.memory_space<vmem>> -> memref<1x1024xi32, #tpu.memory_space<vmem>>
      %dma_start3A_351 = tpu.memref_squeeze %dma_start3A_350 : memref<1x1024xi32, #tpu.memory_space<vmem>> -> memref<1024xi32, #tpu.memory_space<vmem>>
      %dma_start3A_352 = tpu.memref_slice %arg3[%dma_start3A_342, %mul3A_188] : memref<2x320000xi32, #tpu.memory_space<hbm>> -> memref<1x1024xi32, #tpu.memory_space<hbm>>
      %dma_start3A_353 = tpu.memref_squeeze %dma_start3A_352 : memref<1x1024xi32, #tpu.memory_space<hbm>> -> memref<1024xi32, #tpu.memory_space<hbm>>
      tpu.enqueue_dma source(%dma_start3A_353 : memref<1024xi32, #tpu.memory_space<hbm>>) target(%dma_start3A_351 : memref<1024xi32, #tpu.memory_space<vmem>>) target_semaphore(%arg16 : memref<!tpu.dma_semaphore, #tpu.memory_space<semaphore_mem>>)
      %add3A_354 = arith.constant 0 : i32
      %add3A_355 = arith.addi %mul3A_188, %add3A_354 : i32
      %dma_start3A_356 = arith.constant 1 : i32
      %dma_start3A_357 = arith.constant 0 : i32
      %dma_start3A_358 = arith.constant 0 : i32
      %dma_start3A_359 = arith.constant 0 : i32
      %dma_start3A_360 = tpu.memref_slice %arg8[%dma_start3A_357, %dma_start3A_358, %dma_start3A_359] : memref<2x8x128xi32, #tpu.memory_space<vmem>> -> memref<1x1x128xi32, #tpu.memory_space<vmem>>
      %dma_start3A_361 = tpu.memref_squeeze %dma_start3A_360 : memref<1x1x128xi32, #tpu.memory_space<vmem>> -> memref<128xi32, #tpu.memory_space<vmem>>
      %dma_start3A_362 = tpu.memref_slice %arg3[%dma_start3A_356, %add3A_355] : memref<2x320000xi32, #tpu.memory_space<hbm>> -> memref<1x128xi32, #tpu.memory_space<hbm>>
      %dma_start3A_363 = tpu.memref_squeeze %dma_start3A_362 : memref<1x128xi32, #tpu.memory_space<hbm>> -> memref<128xi32, #tpu.memory_space<hbm>>
      %dma_start3A_364 = arith.constant 0 : i32
      %dma_start3A_365 = tpu.memref_slice %arg8[%dma_start3A_357, %dma_start3A_358, %dma_start3A_364] : memref<2x8x128xi32, #tpu.memory_space<vmem>> -> memref<1x1x128xi32, #tpu.memory_space<vmem>>
      %dma_start3A_366 = tpu.memref_squeeze %dma_start3A_365 : memref<1x1x128xi32, #tpu.memory_space<vmem>> -> memref<128xi32, #tpu.memory_space<vmem>>
      %dma_start3A_367 = tpu.memref_slice %arg3[%dma_start3A_356, %add3A_355] : memref<2x320000xi32, #tpu.memory_space<hbm>> -> memref<1x128xi32, #tpu.memory_space<hbm>>
      %dma_start3A_368 = tpu.memref_squeeze %dma_start3A_367 : memref<1x128xi32, #tpu.memory_space<hbm>> -> memref<128xi32, #tpu.memory_space<hbm>>
      tpu.enqueue_dma source(%dma_start3A_368 : memref<128xi32, #tpu.memory_space<hbm>>) target(%dma_start3A_366 : memref<128xi32, #tpu.memory_space<vmem>>) target_semaphore(%arg16 : memref<!tpu.dma_semaphore, #tpu.memory_space<semaphore_mem>>)
      %add3A_369 = arith.constant 128 : i32
      %add3A_370 = arith.addi %mul3A_188, %add3A_369 : i32
      %dma_start3A_371 = arith.constant 1 : i32
      %dma_start3A_372 = arith.constant 0 : i32
      %dma_start3A_373 = arith.constant 1 : i32
      %dma_start3A_374 = arith.constant 0 : i32
      %dma_start3A_375 = tpu.memref_slice %arg8[%dma_start3A_372, %dma_start3A_373, %dma_start3A_374] : memref<2x8x128xi32, #tpu.memory_space<vmem>> -> memref<1x1x128xi32, #tpu.memory_space<vmem>>
      %dma_start3A_376 = tpu.memref_squeeze %dma_start3A_375 : memref<1x1x128xi32, #tpu.memory_space<vmem>> -> memref<128xi32, #tpu.memory_space<vmem>>
      %dma_start3A_377 = tpu.memref_slice %arg3[%dma_start3A_371, %add3A_370] : memref<2x320000xi32, #tpu.memory_space<hbm>> -> memref<1x128xi32, #tpu.memory_space<hbm>>
      %dma_start3A_378 = tpu.memref_squeeze %dma_start3A_377 : memref<1x128xi32, #tpu.memory_space<hbm>> -> memref<128xi32, #tpu.memory_space<hbm>>
      %dma_start3A_379 = arith.constant 0 : i32
      %dma_start3A_380 = tpu.memref_slice %arg8[%dma_start3A_372, %dma_start3A_373, %dma_start3A_379] : memref<2x8x128xi32, #tpu.memory_space<vmem>> -> memref<1x1x128xi32, #tpu.memory_space<vmem>>
      %dma_start3A_381 = tpu.memref_squeeze %dma_start3A_380 : memref<1x1x128xi32, #tpu.memory_space<vmem>> -> memref<128xi32, #tpu.memory_space<vmem>>
      %dma_start3A_382 = tpu.memref_slice %arg3[%dma_start3A_371, %add3A_370] : memref<2x320000xi32, #tpu.memory_space<hbm>> -> memref<1x128xi32, #tpu.memory_space<hbm>>
      %dma_start3A_383 = tpu.memref_squeeze %dma_start3A_382 : memref<1x128xi32, #tpu.memory_space<hbm>> -> memref<128xi32, #tpu.memory_space<hbm>>
      tpu.enqueue_dma source(%dma_start3A_383 : memref<128xi32, #tpu.memory_space<hbm>>) target(%dma_start3A_381 : memref<128xi32, #tpu.memory_space<vmem>>) target_semaphore(%arg16 : memref<!tpu.dma_semaphore, #tpu.memory_space<semaphore_mem>>)
      %add3A_384 = arith.constant 256 : i32
      %add3A_385 = arith.addi %mul3A_188, %add3A_384 : i32
      %dma_start3A_386 = arith.constant 1 : i32
      %dma_start3A_387 = arith.constant 0 : i32
      %dma_start3A_388 = arith.constant 2 : i32
      %dma_start3A_389 = arith.constant 0 : i32
      %dma_start3A_390 = tpu.memref_slice %arg8[%dma_start3A_387, %dma_start3A_388, %dma_start3A_389] : memref<2x8x128xi32, #tpu.memory_space<vmem>> -> memref<1x1x128xi32, #tpu.memory_space<vmem>>
      %dma_start3A_391 = tpu.memref_squeeze %dma_start3A_390 : memref<1x1x128xi32, #tpu.memory_space<vmem>> -> memref<128xi32, #tpu.memory_space<vmem>>
      %dma_start3A_392 = tpu.memref_slice %arg3[%dma_start3A_386, %add3A_385] : memref<2x320000xi32, #tpu.memory_space<hbm>> -> memref<1x128xi32, #tpu.memory_space<hbm>>
      %dma_start3A_393 = tpu.memref_squeeze %dma_start3A_392 : memref<1x128xi32, #tpu.memory_space<hbm>> -> memref<128xi32, #tpu.memory_space<hbm>>
      %dma_start3A_394 = arith.constant 0 : i32
      %dma_start3A_395 = tpu.memref_slice %arg8[%dma_start3A_387, %dma_start3A_388, %dma_start3A_394] : memref<2x8x128xi32, #tpu.memory_space<vmem>> -> memref<1x1x128xi32, #tpu.memory_space<vmem>>
      %dma_start3A_396 = tpu.memref_squeeze %dma_start3A_395 : memref<1x1x128xi32, #tpu.memory_space<vmem>> -> memref<128xi32, #tpu.memory_space<vmem>>
      %dma_start3A_397 = tpu.memref_slice %arg3[%dma_start3A_386, %add3A_385] : memref<2x320000xi32, #tpu.memory_space<hbm>> -> memref<1x128xi32, #tpu.memory_space<hbm>>
      %dma_start3A_398 = tpu.memref_squeeze %dma_start3A_397 : memref<1x128xi32, #tpu.memory_space<hbm>> -> memref<128xi32, #tpu.memory_space<hbm>>
      tpu.enqueue_dma source(%dma_start3A_398 : memref<128xi32, #tpu.memory_space<hbm>>) target(%dma_start3A_396 : memref<128xi32, #tpu.memory_space<vmem>>) target_semaphore(%arg16 : memref<!tpu.dma_semaphore, #tpu.memory_space<semaphore_mem>>)
      %add3A_399 = arith.constant 384 : i32
      %add3A_400 = arith.addi %mul3A_188, %add3A_399 : i32
      %dma_start3A_401 = arith.constant 1 : i32
      %dma_start3A_402 = arith.constant 0 : i32
      %dma_start3A_403 = arith.constant 3 : i32
      %dma_start3A_404 = arith.constant 0 : i32
      %dma_start3A_405 = tpu.memref_slice %arg8[%dma_start3A_402, %dma_start3A_403, %dma_start3A_404] : memref<2x8x128xi32, #tpu.memory_space<vmem>> -> memref<1x1x128xi32, #tpu.memory_space<vmem>>
      %dma_start3A_406 = tpu.memref_squeeze %dma_start3A_405 : memref<1x1x128xi32, #tpu.memory_space<vmem>> -> memref<128xi32, #tpu.memory_space<vmem>>
      %dma_start3A_407 = tpu.memref_slice %arg3[%dma_start3A_401, %add3A_400] : memref<2x320000xi32, #tpu.memory_space<hbm>> -> memref<1x128xi32, #tpu.memory_space<hbm>>
      %dma_start3A_408 = tpu.memref_squeeze %dma_start3A_407 : memref<1x128xi32, #tpu.memory_space<hbm>> -> memref<128xi32, #tpu.memory_space<hbm>>
      %dma_start3A_409 = arith.constant 0 : i32
      %dma_start3A_410 = tpu.memref_slice %arg8[%dma_start3A_402, %dma_start3A_403, %dma_start3A_409] : memref<2x8x128xi32, #tpu.memory_space<vmem>> -> memref<1x1x128xi32, #tpu.memory_space<vmem>>
      %dma_start3A_411 = tpu.memref_squeeze %dma_start3A_410 : memref<1x1x128xi32, #tpu.memory_space<vmem>> -> memref<128xi32, #tpu.memory_space<vmem>>
      %dma_start3A_412 = tpu.memref_slice %arg3[%dma_start3A_401, %add3A_400] : memref<2x320000xi32, #tpu.memory_space<hbm>> -> memref<1x128xi32, #tpu.memory_space<hbm>>
      %dma_start3A_413 = tpu.memref_squeeze %dma_start3A_412 : memref<1x128xi32, #tpu.memory_space<hbm>> -> memref<128xi32, #tpu.memory_space<hbm>>
      tpu.enqueue_dma source(%dma_start3A_413 : memref<128xi32, #tpu.memory_space<hbm>>) target(%dma_start3A_411 : memref<128xi32, #tpu.memory_space<vmem>>) target_semaphore(%arg16 : memref<!tpu.dma_semaphore, #tpu.memory_space<semaphore_mem>>)
      %add3A_414 = arith.constant 512 : i32
      %add3A_415 = arith.addi %mul3A_188, %add3A_414 : i32
      %dma_start3A_416 = arith.constant 1 : i32
      %dma_start3A_417 = arith.constant 0 : i32
      %dma_start3A_418 = arith.constant 4 : i32
      %dma_start3A_419 = arith.constant 0 : i32
      %dma_start3A_420 = tpu.memref_slice %arg8[%dma_start3A_417, %dma_start3A_418, %dma_start3A_419] : memref<2x8x128xi32, #tpu.memory_space<vmem>> -> memref<1x1x128xi32, #tpu.memory_space<vmem>>
      %dma_start3A_421 = tpu.memref_squeeze %dma_start3A_420 : memref<1x1x128xi32, #tpu.memory_space<vmem>> -> memref<128xi32, #tpu.memory_space<vmem>>
      %dma_start3A_422 = tpu.memref_slice %arg3[%dma_start3A_416, %add3A_415] : memref<2x320000xi32, #tpu.memory_space<hbm>> -> memref<1x128xi32, #tpu.memory_space<hbm>>
      %dma_start3A_423 = tpu.memref_squeeze %dma_start3A_422 : memref<1x128xi32, #tpu.memory_space<hbm>> -> memref<128xi32, #tpu.memory_space<hbm>>
      %dma_start3A_424 = arith.constant 0 : i32
      %dma_start3A_425 = tpu.memref_slice %arg8[%dma_start3A_417, %dma_start3A_418, %dma_start3A_424] : memref<2x8x128xi32, #tpu.memory_space<vmem>> -> memref<1x1x128xi32, #tpu.memory_space<vmem>>
      %dma_start3A_426 = tpu.memref_squeeze %dma_start3A_425 : memref<1x1x128xi32, #tpu.memory_space<vmem>> -> memref<128xi32, #tpu.memory_space<vmem>>
      %dma_start3A_427 = tpu.memref_slice %arg3[%dma_start3A_416, %add3A_415] : memref<2x320000xi32, #tpu.memory_space<hbm>> -> memref<1x128xi32, #tpu.memory_space<hbm>>
      %dma_start3A_428 = tpu.memref_squeeze %dma_start3A_427 : memref<1x128xi32, #tpu.memory_space<hbm>> -> memref<128xi32, #tpu.memory_space<hbm>>
      tpu.enqueue_dma source(%dma_start3A_428 : memref<128xi32, #tpu.memory_space<hbm>>) target(%dma_start3A_426 : memref<128xi32, #tpu.memory_space<vmem>>) target_semaphore(%arg16 : memref<!tpu.dma_semaphore, #tpu.memory_space<semaphore_mem>>)
      %add3A_429 = arith.constant 640 : i32
      %add3A_430 = arith.addi %mul3A_188, %add3A_429 : i32
      %dma_start3A_431 = arith.constant 1 : i32
      %dma_start3A_432 = arith.constant 0 : i32
      %dma_start3A_433 = arith.constant 5 : i32
      %dma_start3A_434 = arith.constant 0 : i32
      %dma_start3A_435 = tpu.memref_slice %arg8[%dma_start3A_432, %dma_start3A_433, %dma_start3A_434] : memref<2x8x128xi32, #tpu.memory_space<vmem>> -> memref<1x1x128xi32, #tpu.memory_space<vmem>>
      %dma_start3A_436 = tpu.memref_squeeze %dma_start3A_435 : memref<1x1x128xi32, #tpu.memory_space<vmem>> -> memref<128xi32, #tpu.memory_space<vmem>>
      %dma_start3A_437 = tpu.memref_slice %arg3[%dma_start3A_431, %add3A_430] : memref<2x320000xi32, #tpu.memory_space<hbm>> -> memref<1x128xi32, #tpu.memory_space<hbm>>
      %dma_start3A_438 = tpu.memref_squeeze %dma_start3A_437 : memref<1x128xi32, #tpu.memory_space<hbm>> -> memref<128xi32, #tpu.memory_space<hbm>>
      %dma_start3A_439 = arith.constant 0 : i32
      %dma_start3A_440 = tpu.memref_slice %arg8[%dma_start3A_432, %dma_start3A_433, %dma_start3A_439] : memref<2x8x128xi32, #tpu.memory_space<vmem>> -> memref<1x1x128xi32, #tpu.memory_space<vmem>>
      %dma_start3A_441 = tpu.memref_squeeze %dma_start3A_440 : memref<1x1x128xi32, #tpu.memory_space<vmem>> -> memref<128xi32, #tpu.memory_space<vmem>>
      %dma_start3A_442 = tpu.memref_slice %arg3[%dma_start3A_431, %add3A_430] : memref<2x320000xi32, #tpu.memory_space<hbm>> -> memref<1x128xi32, #tpu.memory_space<hbm>>
      %dma_start3A_443 = tpu.memref_squeeze %dma_start3A_442 : memref<1x128xi32, #tpu.memory_space<hbm>> -> memref<128xi32, #tpu.memory_space<hbm>>
      tpu.enqueue_dma source(%dma_start3A_443 : memref<128xi32, #tpu.memory_space<hbm>>) target(%dma_start3A_441 : memref<128xi32, #tpu.memory_space<vmem>>) target_semaphore(%arg16 : memref<!tpu.dma_semaphore, #tpu.memory_space<semaphore_mem>>)
      %add3A_444 = arith.constant 768 : i32
      %add3A_445 = arith.addi %mul3A_188, %add3A_444 : i32
      %dma_start3A_446 = arith.constant 1 : i32
      %dma_start3A_447 = arith.constant 0 : i32
      %dma_start3A_448 = arith.constant 6 : i32
      %dma_start3A_449 = arith.constant 0 : i32
      %dma_start3A_450 = tpu.memref_slice %arg8[%dma_start3A_447, %dma_start3A_448, %dma_start3A_449] : memref<2x8x128xi32, #tpu.memory_space<vmem>> -> memref<1x1x128xi32, #tpu.memory_space<vmem>>
      %dma_start3A_451 = tpu.memref_squeeze %dma_start3A_450 : memref<1x1x128xi32, #tpu.memory_space<vmem>> -> memref<128xi32, #tpu.memory_space<vmem>>
      %dma_start3A_452 = tpu.memref_slice %arg3[%dma_start3A_446, %add3A_445] : memref<2x320000xi32, #tpu.memory_space<hbm>> -> memref<1x128xi32, #tpu.memory_space<hbm>>
      %dma_start3A_453 = tpu.memref_squeeze %dma_start3A_452 : memref<1x128xi32, #tpu.memory_space<hbm>> -> memref<128xi32, #tpu.memory_space<hbm>>
      %dma_start3A_454 = arith.constant 0 : i32
      %dma_start3A_455 = tpu.memref_slice %arg8[%dma_start3A_447, %dma_start3A_448, %dma_start3A_454] : memref<2x8x128xi32, #tpu.memory_space<vmem>> -> memref<1x1x128xi32, #tpu.memory_space<vmem>>
      %dma_start3A_456 = tpu.memref_squeeze %dma_start3A_455 : memref<1x1x128xi32, #tpu.memory_space<vmem>> -> memref<128xi32, #tpu.memory_space<vmem>>
      %dma_start3A_457 = tpu.memref_slice %arg3[%dma_start3A_446, %add3A_445] : memref<2x320000xi32, #tpu.memory_space<hbm>> -> memref<1x128xi32, #tpu.memory_space<hbm>>
      %dma_start3A_458 = tpu.memref_squeeze %dma_start3A_457 : memref<1x128xi32, #tpu.memory_space<hbm>> -> memref<128xi32, #tpu.memory_space<hbm>>
      tpu.enqueue_dma source(%dma_start3A_458 : memref<128xi32, #tpu.memory_space<hbm>>) target(%dma_start3A_456 : memref<128xi32, #tpu.memory_space<vmem>>) target_semaphore(%arg16 : memref<!tpu.dma_semaphore, #tpu.memory_space<semaphore_mem>>)
      %add3A_459 = arith.constant 896 : i32
      %add3A_460 = arith.addi %mul3A_188, %add3A_459 : i32
      %dma_start3A_461 = arith.constant 1 : i32
      %dma_start3A_462 = arith.constant 0 : i32
      %dma_start3A_463 = arith.constant 7 : i32
      %dma_start3A_464 = arith.constant 0 : i32
      %dma_start3A_465 = tpu.memref_slice %arg8[%dma_start3A_462, %dma_start3A_463, %dma_start3A_464] : memref<2x8x128xi32, #tpu.memory_space<vmem>> -> memref<1x1x128xi32, #tpu.memory_space<vmem>>
      %dma_start3A_466 = tpu.memref_squeeze %dma_start3A_465 : memref<1x1x128xi32, #tpu.memory_space<vmem>> -> memref<128xi32, #tpu.memory_space<vmem>>
      %dma_start3A_467 = tpu.memref_slice %arg3[%dma_start3A_461, %add3A_460] : memref<2x320000xi32, #tpu.memory_space<hbm>> -> memref<1x128xi32, #tpu.memory_space<hbm>>
      %dma_start3A_468 = tpu.memref_squeeze %dma_start3A_467 : memref<1x128xi32, #tpu.memory_space<hbm>> -> memref<128xi32, #tpu.memory_space<hbm>>
      %dma_start3A_469 = arith.constant 0 : i32
      %dma_start3A_470 = tpu.memref_slice %arg8[%dma_start3A_462, %dma_start3A_463, %dma_start3A_469] : memref<2x8x128xi32, #tpu.memory_space<vmem>> -> memref<1x1x128xi32, #tpu.memory_space<vmem>>
      %dma_start3A_471 = tpu.memref_squeeze %dma_start3A_470 : memref<1x1x128xi32, #tpu.memory_space<vmem>> -> memref<128xi32, #tpu.memory_space<vmem>>
      %dma_start3A_472 = tpu.memref_slice %arg3[%dma_start3A_461, %add3A_460] : memref<2x320000xi32, #tpu.memory_space<hbm>> -> memref<1x128xi32, #tpu.memory_space<hbm>>
      %dma_start3A_473 = tpu.memref_squeeze %dma_start3A_472 : memref<1x128xi32, #tpu.memory_space<hbm>> -> memref<128xi32, #tpu.memory_space<hbm>>
      tpu.enqueue_dma source(%dma_start3A_473 : memref<128xi32, #tpu.memory_space<hbm>>) target(%dma_start3A_471 : memref<128xi32, #tpu.memory_space<vmem>>) target_semaphore(%arg16 : memref<!tpu.dma_semaphore, #tpu.memory_space<semaphore_mem>>)
    } else {
    }
    %ge3A = arith.constant 2496 : i32
    %ge3A_191 = arith.cmpi sge, %add3A_186, %ge3A : i32
    %convert_element_type3A_192 = arith.extui %ge3A_191 : i1 to i32
    %cond3A_193 = arith.constant 0 : i32
    %cond3A_194 = arith.cmpi ne, %convert_element_type3A_192, %cond3A_193 : i32
    scf.if %cond3A_194 {
      %sub3A = arith.constant 319488 : i32
      %sub3A_342 = arith.subi %mul3A_188, %sub3A : i32
      %dma_start3A_343 = arith.constant 0 : i32
      %dma_start3A_344 = arith.constant 0 : i32
      %dma_start3A_345 = arith.constant 0 : i32
      %dma_start3A_346 = tpu.memref_slice %arg7[%dma_start3A_344, %dma_start3A_345] : memref<2x1024xi32, #tpu.memory_space<vmem>> -> memref<1x1024xi32, #tpu.memory_space<vmem>>
      %dma_start3A_347 = tpu.memref_squeeze %dma_start3A_346 : memref<1x1024xi32, #tpu.memory_space<vmem>> -> memref<1024xi32, #tpu.memory_space<vmem>>
      %dma_start3A_348 = tpu.memref_slice %arg4[%dma_start3A_343, %sub3A_342] : memref<2x8192xi32, #tpu.memory_space<hbm>> -> memref<1x1024xi32, #tpu.memory_space<hbm>>
      %dma_start3A_349 = tpu.memref_squeeze %dma_start3A_348 : memref<1x1024xi32, #tpu.memory_space<hbm>> -> memref<1024xi32, #tpu.memory_space<hbm>>
      %dma_start3A_350 = arith.constant 0 : i32
      %dma_start3A_351 = tpu.memref_slice %arg7[%dma_start3A_344, %dma_start3A_350] : memref<2x1024xi32, #tpu.memory_space<vmem>> -> memref<1x1024xi32, #tpu.memory_space<vmem>>
      %dma_start3A_352 = tpu.memref_squeeze %dma_start3A_351 : memref<1x1024xi32, #tpu.memory_space<vmem>> -> memref<1024xi32, #tpu.memory_space<vmem>>
      %dma_start3A_353 = tpu.memref_slice %arg4[%dma_start3A_343, %sub3A_342] : memref<2x8192xi32, #tpu.memory_space<hbm>> -> memref<1x1024xi32, #tpu.memory_space<hbm>>
      %dma_start3A_354 = tpu.memref_squeeze %dma_start3A_353 : memref<1x1024xi32, #tpu.memory_space<hbm>> -> memref<1024xi32, #tpu.memory_space<hbm>>
      tpu.enqueue_dma source(%dma_start3A_354 : memref<1024xi32, #tpu.memory_space<hbm>>) target(%dma_start3A_352 : memref<1024xi32, #tpu.memory_space<vmem>>) target_semaphore(%arg16 : memref<!tpu.dma_semaphore, #tpu.memory_space<semaphore_mem>>)
      %add3A_355 = arith.constant 0 : i32
      %add3A_356 = arith.addi %sub3A_342, %add3A_355 : i32
      %dma_start3A_357 = arith.constant 1 : i32
      %dma_start3A_358 = arith.constant 0 : i32
      %dma_start3A_359 = arith.constant 0 : i32
      %dma_start3A_360 = arith.constant 0 : i32
      %dma_start3A_361 = tpu.memref_slice %arg8[%dma_start3A_358, %dma_start3A_359, %dma_start3A_360] : memref<2x8x128xi32, #tpu.memory_space<vmem>> -> memref<1x1x128xi32, #tpu.memory_space<vmem>>
      %dma_start3A_362 = tpu.memref_squeeze %dma_start3A_361 : memref<1x1x128xi32, #tpu.memory_space<vmem>> -> memref<128xi32, #tpu.memory_space<vmem>>
      %dma_start3A_363 = tpu.memref_slice %arg4[%dma_start3A_357, %add3A_356] : memref<2x8192xi32, #tpu.memory_space<hbm>> -> memref<1x128xi32, #tpu.memory_space<hbm>>
      %dma_start3A_364 = tpu.memref_squeeze %dma_start3A_363 : memref<1x128xi32, #tpu.memory_space<hbm>> -> memref<128xi32, #tpu.memory_space<hbm>>
      %dma_start3A_365 = arith.constant 0 : i32
      %dma_start3A_366 = tpu.memref_slice %arg8[%dma_start3A_358, %dma_start3A_359, %dma_start3A_365] : memref<2x8x128xi32, #tpu.memory_space<vmem>> -> memref<1x1x128xi32, #tpu.memory_space<vmem>>
      %dma_start3A_367 = tpu.memref_squeeze %dma_start3A_366 : memref<1x1x128xi32, #tpu.memory_space<vmem>> -> memref<128xi32, #tpu.memory_space<vmem>>
      %dma_start3A_368 = tpu.memref_slice %arg4[%dma_start3A_357, %add3A_356] : memref<2x8192xi32, #tpu.memory_space<hbm>> -> memref<1x128xi32, #tpu.memory_space<hbm>>
      %dma_start3A_369 = tpu.memref_squeeze %dma_start3A_368 : memref<1x128xi32, #tpu.memory_space<hbm>> -> memref<128xi32, #tpu.memory_space<hbm>>
      tpu.enqueue_dma source(%dma_start3A_369 : memref<128xi32, #tpu.memory_space<hbm>>) target(%dma_start3A_367 : memref<128xi32, #tpu.memory_space<vmem>>) target_semaphore(%arg16 : memref<!tpu.dma_semaphore, #tpu.memory_space<semaphore_mem>>)
      %add3A_370 = arith.constant 128 : i32
      %add3A_371 = arith.addi %sub3A_342, %add3A_370 : i32
      %dma_start3A_372 = arith.constant 1 : i32
      %dma_start3A_373 = arith.constant 0 : i32
      %dma_start3A_374 = arith.constant 1 : i32
      %dma_start3A_375 = arith.constant 0 : i32
      %dma_start3A_376 = tpu.memref_slice %arg8[%dma_start3A_373, %dma_start3A_374, %dma_start3A_375] : memref<2x8x128xi32, #tpu.memory_space<vmem>> -> memref<1x1x128xi32, #tpu.memory_space<vmem>>
      %dma_start3A_377 = tpu.memref_squeeze %dma_start3A_376 : memref<1x1x128xi32, #tpu.memory_space<vmem>> -> memref<128xi32, #tpu.memory_space<vmem>>
      %dma_start3A_378 = tpu.memref_slice %arg4[%dma_start3A_372, %add3A_371] : memref<2x8192xi32, #tpu.memory_space<hbm>> -> memref<1x128xi32, #tpu.memory_space<hbm>>
      %dma_start3A_379 = tpu.memref_squeeze %dma_start3A_378 : memref<1x128xi32, #tpu.memory_space<hbm>> -> memref<128xi32, #tpu.memory_space<hbm>>
      %dma_start3A_380 = arith.constant 0 : i32
      %dma_start3A_381 = tpu.memref_slice %arg8[%dma_start3A_373, %dma_start3A_374, %dma_start3A_380] : memref<2x8x128xi32, #tpu.memory_space<vmem>> -> memref<1x1x128xi32, #tpu.memory_space<vmem>>
      %dma_start3A_382 = tpu.memref_squeeze %dma_start3A_381 : memref<1x1x128xi32, #tpu.memory_space<vmem>> -> memref<128xi32, #tpu.memory_space<vmem>>
      %dma_start3A_383 = tpu.memref_slice %arg4[%dma_start3A_372, %add3A_371] : memref<2x8192xi32, #tpu.memory_space<hbm>> -> memref<1x128xi32, #tpu.memory_space<hbm>>
      %dma_start3A_384 = tpu.memref_squeeze %dma_start3A_383 : memref<1x128xi32, #tpu.memory_space<hbm>> -> memref<128xi32, #tpu.memory_space<hbm>>
      tpu.enqueue_dma source(%dma_start3A_384 : memref<128xi32, #tpu.memory_space<hbm>>) target(%dma_start3A_382 : memref<128xi32, #tpu.memory_space<vmem>>) target_semaphore(%arg16 : memref<!tpu.dma_semaphore, #tpu.memory_space<semaphore_mem>>)
      %add3A_385 = arith.constant 256 : i32
      %add3A_386 = arith.addi %sub3A_342, %add3A_385 : i32
      %dma_start3A_387 = arith.constant 1 : i32
      %dma_start3A_388 = arith.constant 0 : i32
      %dma_start3A_389 = arith.constant 2 : i32
      %dma_start3A_390 = arith.constant 0 : i32
      %dma_start3A_391 = tpu.memref_slice %arg8[%dma_start3A_388, %dma_start3A_389, %dma_start3A_390] : memref<2x8x128xi32, #tpu.memory_space<vmem>> -> memref<1x1x128xi32, #tpu.memory_space<vmem>>
      %dma_start3A_392 = tpu.memref_squeeze %dma_start3A_391 : memref<1x1x128xi32, #tpu.memory_space<vmem>> -> memref<128xi32, #tpu.memory_space<vmem>>
      %dma_start3A_393 = tpu.memref_slice %arg4[%dma_start3A_387, %add3A_386] : memref<2x8192xi32, #tpu.memory_space<hbm>> -> memref<1x128xi32, #tpu.memory_space<hbm>>
      %dma_start3A_394 = tpu.memref_squeeze %dma_start3A_393 : memref<1x128xi32, #tpu.memory_space<hbm>> -> memref<128xi32, #tpu.memory_space<hbm>>
      %dma_start3A_395 = arith.constant 0 : i32
      %dma_start3A_396 = tpu.memref_slice %arg8[%dma_start3A_388, %dma_start3A_389, %dma_start3A_395] : memref<2x8x128xi32, #tpu.memory_space<vmem>> -> memref<1x1x128xi32, #tpu.memory_space<vmem>>
      %dma_start3A_397 = tpu.memref_squeeze %dma_start3A_396 : memref<1x1x128xi32, #tpu.memory_space<vmem>> -> memref<128xi32, #tpu.memory_space<vmem>>
      %dma_start3A_398 = tpu.memref_slice %arg4[%dma_start3A_387, %add3A_386] : memref<2x8192xi32, #tpu.memory_space<hbm>> -> memref<1x128xi32, #tpu.memory_space<hbm>>
      %dma_start3A_399 = tpu.memref_squeeze %dma_start3A_398 : memref<1x128xi32, #tpu.memory_space<hbm>> -> memref<128xi32, #tpu.memory_space<hbm>>
      tpu.enqueue_dma source(%dma_start3A_399 : memref<128xi32, #tpu.memory_space<hbm>>) target(%dma_start3A_397 : memref<128xi32, #tpu.memory_space<vmem>>) target_semaphore(%arg16 : memref<!tpu.dma_semaphore, #tpu.memory_space<semaphore_mem>>)
      %add3A_400 = arith.constant 384 : i32
      %add3A_401 = arith.addi %sub3A_342, %add3A_400 : i32
      %dma_start3A_402 = arith.constant 1 : i32
      %dma_start3A_403 = arith.constant 0 : i32
      %dma_start3A_404 = arith.constant 3 : i32
      %dma_start3A_405 = arith.constant 0 : i32
      %dma_start3A_406 = tpu.memref_slice %arg8[%dma_start3A_403, %dma_start3A_404, %dma_start3A_405] : memref<2x8x128xi32, #tpu.memory_space<vmem>> -> memref<1x1x128xi32, #tpu.memory_space<vmem>>
      %dma_start3A_407 = tpu.memref_squeeze %dma_start3A_406 : memref<1x1x128xi32, #tpu.memory_space<vmem>> -> memref<128xi32, #tpu.memory_space<vmem>>
      %dma_start3A_408 = tpu.memref_slice %arg4[%dma_start3A_402, %add3A_401] : memref<2x8192xi32, #tpu.memory_space<hbm>> -> memref<1x128xi32, #tpu.memory_space<hbm>>
      %dma_start3A_409 = tpu.memref_squeeze %dma_start3A_408 : memref<1x128xi32, #tpu.memory_space<hbm>> -> memref<128xi32, #tpu.memory_space<hbm>>
      %dma_start3A_410 = arith.constant 0 : i32
      %dma_start3A_411 = tpu.memref_slice %arg8[%dma_start3A_403, %dma_start3A_404, %dma_start3A_410] : memref<2x8x128xi32, #tpu.memory_space<vmem>> -> memref<1x1x128xi32, #tpu.memory_space<vmem>>
      %dma_start3A_412 = tpu.memref_squeeze %dma_start3A_411 : memref<1x1x128xi32, #tpu.memory_space<vmem>> -> memref<128xi32, #tpu.memory_space<vmem>>
      %dma_start3A_413 = tpu.memref_slice %arg4[%dma_start3A_402, %add3A_401] : memref<2x8192xi32, #tpu.memory_space<hbm>> -> memref<1x128xi32, #tpu.memory_space<hbm>>
      %dma_start3A_414 = tpu.memref_squeeze %dma_start3A_413 : memref<1x128xi32, #tpu.memory_space<hbm>> -> memref<128xi32, #tpu.memory_space<hbm>>
      tpu.enqueue_dma source(%dma_start3A_414 : memref<128xi32, #tpu.memory_space<hbm>>) target(%dma_start3A_412 : memref<128xi32, #tpu.memory_space<vmem>>) target_semaphore(%arg16 : memref<!tpu.dma_semaphore, #tpu.memory_space<semaphore_mem>>)
      %add3A_415 = arith.constant 512 : i32
      %add3A_416 = arith.addi %sub3A_342, %add3A_415 : i32
      %dma_start3A_417 = arith.constant 1 : i32
      %dma_start3A_418 = arith.constant 0 : i32
      %dma_start3A_419 = arith.constant 4 : i32
      %dma_start3A_420 = arith.constant 0 : i32
      %dma_start3A_421 = tpu.memref_slice %arg8[%dma_start3A_418, %dma_start3A_419, %dma_start3A_420] : memref<2x8x128xi32, #tpu.memory_space<vmem>> -> memref<1x1x128xi32, #tpu.memory_space<vmem>>
      %dma_start3A_422 = tpu.memref_squeeze %dma_start3A_421 : memref<1x1x128xi32, #tpu.memory_space<vmem>> -> memref<128xi32, #tpu.memory_space<vmem>>
      %dma_start3A_423 = tpu.memref_slice %arg4[%dma_start3A_417, %add3A_416] : memref<2x8192xi32, #tpu.memory_space<hbm>> -> memref<1x128xi32, #tpu.memory_space<hbm>>
      %dma_start3A_424 = tpu.memref_squeeze %dma_start3A_423 : memref<1x128xi32, #tpu.memory_space<hbm>> -> memref<128xi32, #tpu.memory_space<hbm>>
      %dma_start3A_425 = arith.constant 0 : i32
      %dma_start3A_426 = tpu.memref_slice %arg8[%dma_start3A_418, %dma_start3A_419, %dma_start3A_425] : memref<2x8x128xi32, #tpu.memory_space<vmem>> -> memref<1x1x128xi32, #tpu.memory_space<vmem>>
      %dma_start3A_427 = tpu.memref_squeeze %dma_start3A_426 : memref<1x1x128xi32, #tpu.memory_space<vmem>> -> memref<128xi32, #tpu.memory_space<vmem>>
      %dma_start3A_428 = tpu.memref_slice %arg4[%dma_start3A_417, %add3A_416] : memref<2x8192xi32, #tpu.memory_space<hbm>> -> memref<1x128xi32, #tpu.memory_space<hbm>>
      %dma_start3A_429 = tpu.memref_squeeze %dma_start3A_428 : memref<1x128xi32, #tpu.memory_space<hbm>> -> memref<128xi32, #tpu.memory_space<hbm>>
      tpu.enqueue_dma source(%dma_start3A_429 : memref<128xi32, #tpu.memory_space<hbm>>) target(%dma_start3A_427 : memref<128xi32, #tpu.memory_space<vmem>>) target_semaphore(%arg16 : memref<!tpu.dma_semaphore, #tpu.memory_space<semaphore_mem>>)
      %add3A_430 = arith.constant 640 : i32
      %add3A_431 = arith.addi %sub3A_342, %add3A_430 : i32
      %dma_start3A_432 = arith.constant 1 : i32
      %dma_start3A_433 = arith.constant 0 : i32
      %dma_start3A_434 = arith.constant 5 : i32
      %dma_start3A_435 = arith.constant 0 : i32
      %dma_start3A_436 = tpu.memref_slice %arg8[%dma_start3A_433, %dma_start3A_434, %dma_start3A_435] : memref<2x8x128xi32, #tpu.memory_space<vmem>> -> memref<1x1x128xi32, #tpu.memory_space<vmem>>
      %dma_start3A_437 = tpu.memref_squeeze %dma_start3A_436 : memref<1x1x128xi32, #tpu.memory_space<vmem>> -> memref<128xi32, #tpu.memory_space<vmem>>
      %dma_start3A_438 = tpu.memref_slice %arg4[%dma_start3A_432, %add3A_431] : memref<2x8192xi32, #tpu.memory_space<hbm>> -> memref<1x128xi32, #tpu.memory_space<hbm>>
      %dma_start3A_439 = tpu.memref_squeeze %dma_start3A_438 : memref<1x128xi32, #tpu.memory_space<hbm>> -> memref<128xi32, #tpu.memory_space<hbm>>
      %dma_start3A_440 = arith.constant 0 : i32
      %dma_start3A_441 = tpu.memref_slice %arg8[%dma_start3A_433, %dma_start3A_434, %dma_start3A_440] : memref<2x8x128xi32, #tpu.memory_space<vmem>> -> memref<1x1x128xi32, #tpu.memory_space<vmem>>
      %dma_start3A_442 = tpu.memref_squeeze %dma_start3A_441 : memref<1x1x128xi32, #tpu.memory_space<vmem>> -> memref<128xi32, #tpu.memory_space<vmem>>
      %dma_start3A_443 = tpu.memref_slice %arg4[%dma_start3A_432, %add3A_431] : memref<2x8192xi32, #tpu.memory_space<hbm>> -> memref<1x128xi32, #tpu.memory_space<hbm>>
      %dma_start3A_444 = tpu.memref_squeeze %dma_start3A_443 : memref<1x128xi32, #tpu.memory_space<hbm>> -> memref<128xi32, #tpu.memory_space<hbm>>
      tpu.enqueue_dma source(%dma_start3A_444 : memref<128xi32, #tpu.memory_space<hbm>>) target(%dma_start3A_442 : memref<128xi32, #tpu.memory_space<vmem>>) target_semaphore(%arg16 : memref<!tpu.dma_semaphore, #tpu.memory_space<semaphore_mem>>)
      %add3A_445 = arith.constant 768 : i32
      %add3A_446 = arith.addi %sub3A_342, %add3A_445 : i32
      %dma_start3A_447 = arith.constant 1 : i32
      %dma_start3A_448 = arith.constant 0 : i32
      %dma_start3A_449 = arith.constant 6 : i32
      %dma_start3A_450 = arith.constant 0 : i32
      %dma_start3A_451 = tpu.memref_slice %arg8[%dma_start3A_448, %dma_start3A_449, %dma_start3A_450] : memref<2x8x128xi32, #tpu.memory_space<vmem>> -> memref<1x1x128xi32, #tpu.memory_space<vmem>>
      %dma_start3A_452 = tpu.memref_squeeze %dma_start3A_451 : memref<1x1x128xi32, #tpu.memory_space<vmem>> -> memref<128xi32, #tpu.memory_space<vmem>>
      %dma_start3A_453 = tpu.memref_slice %arg4[%dma_start3A_447, %add3A_446] : memref<2x8192xi32, #tpu.memory_space<hbm>> -> memref<1x128xi32, #tpu.memory_space<hbm>>
      %dma_start3A_454 = tpu.memref_squeeze %dma_start3A_453 : memref<1x128xi32, #tpu.memory_space<hbm>> -> memref<128xi32, #tpu.memory_space<hbm>>
      %dma_start3A_455 = arith.constant 0 : i32
      %dma_start3A_456 = tpu.memref_slice %arg8[%dma_start3A_448, %dma_start3A_449, %dma_start3A_455] : memref<2x8x128xi32, #tpu.memory_space<vmem>> -> memref<1x1x128xi32, #tpu.memory_space<vmem>>
      %dma_start3A_457 = tpu.memref_squeeze %dma_start3A_456 : memref<1x1x128xi32, #tpu.memory_space<vmem>> -> memref<128xi32, #tpu.memory_space<vmem>>
      %dma_start3A_458 = tpu.memref_slice %arg4[%dma_start3A_447, %add3A_446] : memref<2x8192xi32, #tpu.memory_space<hbm>> -> memref<1x128xi32, #tpu.memory_space<hbm>>
      %dma_start3A_459 = tpu.memref_squeeze %dma_start3A_458 : memref<1x128xi32, #tpu.memory_space<hbm>> -> memref<128xi32, #tpu.memory_space<hbm>>
      tpu.enqueue_dma source(%dma_start3A_459 : memref<128xi32, #tpu.memory_space<hbm>>) target(%dma_start3A_457 : memref<128xi32, #tpu.memory_space<vmem>>) target_semaphore(%arg16 : memref<!tpu.dma_semaphore, #tpu.memory_space<semaphore_mem>>)
      %add3A_460 = arith.constant 896 : i32
      %add3A_461 = arith.addi %sub3A_342, %add3A_460 : i32
      %dma_start3A_462 = arith.constant 1 : i32
      %dma_start3A_463 = arith.constant 0 : i32
      %dma_start3A_464 = arith.constant 7 : i32
      %dma_start3A_465 = arith.constant 0 : i32
      %dma_start3A_466 = tpu.memref_slice %arg8[%dma_start3A_463, %dma_start3A_464, %dma_start3A_465] : memref<2x8x128xi32, #tpu.memory_space<vmem>> -> memref<1x1x128xi32, #tpu.memory_space<vmem>>
      %dma_start3A_467 = tpu.memref_squeeze %dma_start3A_466 : memref<1x1x128xi32, #tpu.memory_space<vmem>> -> memref<128xi32, #tpu.memory_space<vmem>>
      %dma_start3A_468 = tpu.memref_slice %arg4[%dma_start3A_462, %add3A_461] : memref<2x8192xi32, #tpu.memory_space<hbm>> -> memref<1x128xi32, #tpu.memory_space<hbm>>
      %dma_start3A_469 = tpu.memref_squeeze %dma_start3A_468 : memref<1x128xi32, #tpu.memory_space<hbm>> -> memref<128xi32, #tpu.memory_space<hbm>>
      %dma_start3A_470 = arith.constant 0 : i32
      %dma_start3A_471 = tpu.memref_slice %arg8[%dma_start3A_463, %dma_start3A_464, %dma_start3A_470] : memref<2x8x128xi32, #tpu.memory_space<vmem>> -> memref<1x1x128xi32, #tpu.memory_space<vmem>>
      %dma_start3A_472 = tpu.memref_squeeze %dma_start3A_471 : memref<1x1x128xi32, #tpu.memory_space<vmem>> -> memref<128xi32, #tpu.memory_space<vmem>>
      %dma_start3A_473 = tpu.memref_slice %arg4[%dma_start3A_462, %add3A_461] : memref<2x8192xi32, #tpu.memory_space<hbm>> -> memref<1x128xi32, #tpu.memory_space<hbm>>
      %dma_start3A_474 = tpu.memref_squeeze %dma_start3A_473 : memref<1x128xi32, #tpu.memory_space<hbm>> -> memref<128xi32, #tpu.memory_space<hbm>>
      tpu.enqueue_dma source(%dma_start3A_474 : memref<128xi32, #tpu.memory_space<hbm>>) target(%dma_start3A_472 : memref<128xi32, #tpu.memory_space<vmem>>) target_semaphore(%arg16 : memref<!tpu.dma_semaphore, #tpu.memory_space<semaphore_mem>>)
    } else {
    }
    %dma_wait3A_195 = arith.constant 0 : i32
    %dma_wait3A_196 = arith.constant 0 : i32
    %dma_wait3A_197 = arith.constant 0 : i32
    %dma_wait3A_198 = tpu.memref_slice %arg7[%dma_wait3A_196, %dma_wait3A_197] : memref<2x1024xi32, #tpu.memory_space<vmem>> -> memref<1x1024xi32, #tpu.memory_space<vmem>>
    %dma_wait3A_199 = tpu.memref_squeeze %dma_wait3A_198 : memref<1x1024xi32, #tpu.memory_space<vmem>> -> memref<1024xi32, #tpu.memory_space<vmem>>
    %dma_wait3A_200 = arith.constant 0 : i32
    %dma_wait3A_201 = tpu.memref_slice %arg3[%dma_wait3A_195, %dma_wait3A_200] : memref<2x320000xi32, #tpu.memory_space<hbm>> -> memref<1x1024xi32, #tpu.memory_space<hbm>>
    %dma_wait3A_202 = tpu.memref_squeeze %dma_wait3A_201 : memref<1x1024xi32, #tpu.memory_space<hbm>> -> memref<1024xi32, #tpu.memory_space<hbm>>
    %dma_wait3A_203 = arith.constant 0 : i32
    %dma_wait3A_204 = tpu.memref_slice %arg7[%dma_wait3A_196, %dma_wait3A_203] : memref<2x1024xi32, #tpu.memory_space<vmem>> -> memref<1x1024xi32, #tpu.memory_space<vmem>>
    %dma_wait3A_205 = tpu.memref_squeeze %dma_wait3A_204 : memref<1x1024xi32, #tpu.memory_space<vmem>> -> memref<1024xi32, #tpu.memory_space<vmem>>
    %dma_wait3A_206 = arith.constant 0 : i32
    %dma_wait3A_207 = tpu.memref_slice %arg3[%dma_wait3A_195, %dma_wait3A_206] : memref<2x320000xi32, #tpu.memory_space<hbm>> -> memref<1x1024xi32, #tpu.memory_space<hbm>>
    %dma_wait3A_208 = tpu.memref_squeeze %dma_wait3A_207 : memref<1x1024xi32, #tpu.memory_space<hbm>> -> memref<1024xi32, #tpu.memory_space<hbm>>
    tpu.wait_dma2 semaphore(%arg16 : memref<!tpu.dma_semaphore, #tpu.memory_space<semaphore_mem>>) src(%dma_wait3A_208 : memref<1024xi32, #tpu.memory_space<hbm>>) dst(%dma_wait3A_205 : memref<1024xi32, #tpu.memory_space<vmem>>)
    %dma_wait3A_209 = arith.constant 0 : i32
    %dma_wait3A_210 = arith.constant 1 : i32
    %dma_wait3A_211 = arith.constant 0 : i32
    %dma_wait3A_212 = tpu.memref_slice %arg7[%dma_wait3A_210, %dma_wait3A_211] : memref<2x1024xi32, #tpu.memory_space<vmem>> -> memref<1x1024xi32, #tpu.memory_space<vmem>>
    %dma_wait3A_213 = tpu.memref_squeeze %dma_wait3A_212 : memref<1x1024xi32, #tpu.memory_space<vmem>> -> memref<1024xi32, #tpu.memory_space<vmem>>
    %dma_wait3A_214 = arith.constant 0 : i32
    %dma_wait3A_215 = tpu.memref_slice %arg3[%dma_wait3A_209, %dma_wait3A_214] : memref<2x320000xi32, #tpu.memory_space<hbm>> -> memref<1x1024xi32, #tpu.memory_space<hbm>>
    %dma_wait3A_216 = tpu.memref_squeeze %dma_wait3A_215 : memref<1x1024xi32, #tpu.memory_space<hbm>> -> memref<1024xi32, #tpu.memory_space<hbm>>
    %dma_wait3A_217 = arith.constant 0 : i32
    %dma_wait3A_218 = tpu.memref_slice %arg7[%dma_wait3A_210, %dma_wait3A_217] : memref<2x1024xi32, #tpu.memory_space<vmem>> -> memref<1x1024xi32, #tpu.memory_space<vmem>>
    %dma_wait3A_219 = tpu.memref_squeeze %dma_wait3A_218 : memref<1x1024xi32, #tpu.memory_space<vmem>> -> memref<1024xi32, #tpu.memory_space<vmem>>
    %dma_wait3A_220 = arith.constant 0 : i32
    %dma_wait3A_221 = tpu.memref_slice %arg3[%dma_wait3A_209, %dma_wait3A_220] : memref<2x320000xi32, #tpu.memory_space<hbm>> -> memref<1x1024xi32, #tpu.memory_space<hbm>>
    %dma_wait3A_222 = tpu.memref_squeeze %dma_wait3A_221 : memref<1x1024xi32, #tpu.memory_space<hbm>> -> memref<1024xi32, #tpu.memory_space<hbm>>
    tpu.wait_dma2 semaphore(%arg16 : memref<!tpu.dma_semaphore, #tpu.memory_space<semaphore_mem>>) src(%dma_wait3A_222 : memref<1024xi32, #tpu.memory_space<hbm>>) dst(%dma_wait3A_219 : memref<1024xi32, #tpu.memory_space<vmem>>)
    %dma_start3A_223 = arith.constant 0 : i32
    %dma_start3A_224 = arith.constant 0 : i32
    %dma_start3A_225 = arith.constant 0 : i32
    %dma_start3A_226 = arith.constant 0 : i32
    %dma_start3A_227 = tpu.memref_slice %arg9[%dma_start3A_224, %dma_start3A_225, %dma_start3A_226] : memref<2x128x128xf32, #tpu.memory_space<vmem>> -> memref<1x128x128xf32, #tpu.memory_space<vmem>>
    %dma_start3A_228 = tpu.memref_squeeze %dma_start3A_227 : memref<1x128x128xf32, #tpu.memory_space<vmem>> -> memref<128x128xf32, #tpu.memory_space<vmem>>
    %dma_start3A_229 = arith.constant 0 : i32
    %dma_start3A_230 = tpu.memref_slice %arg7[%dma_start3A_223, %dma_start3A_229] : memref<2x1024xi32, #tpu.memory_space<vmem>> -> memref<1x128xi32, #tpu.memory_space<vmem>>
    %dma_start3A_231 = tpu.memref_squeeze %dma_start3A_230 : memref<1x128xi32, #tpu.memory_space<vmem>> -> memref<128xi32, #tpu.memory_space<vmem>>
    %dma_start3A_232 = arith.constant 0 : i32
    %dma_start3A_233 = arith.constant 0 : i32
    %dma_start3A_234 = tpu.memref_slice %arg2[%dma_start3A_232, %dma_start3A_233] : memref<10000x128xf32, #tpu.memory_space<hbm>> -> memref<10000x128xf32, #tpu.memory_space<hbm>>
    tpu.enqueue_indirect_dma source(%dma_start3A_234 : memref<10000x128xf32, #tpu.memory_space<hbm>>) target(%dma_start3A_228 : memref<128x128xf32, #tpu.memory_space<vmem>>) offsets(%dma_start3A_231 : memref<128xi32, #tpu.memory_space<vmem>>) semaphore(%arg14 : memref<!tpu.dma_semaphore, #tpu.memory_space<semaphore_mem>>)
    %dma_start3A_235 = arith.constant 0 : i32
    %dma_start3A_236 = arith.constant 1 : i32
    %dma_start3A_237 = arith.constant 0 : i32
    %dma_start3A_238 = arith.constant 0 : i32
    %dma_start3A_239 = tpu.memref_slice %arg9[%dma_start3A_236, %dma_start3A_237, %dma_start3A_238] : memref<2x128x128xf32, #tpu.memory_space<vmem>> -> memref<1x128x128xf32, #tpu.memory_space<vmem>>
    %dma_start3A_240 = tpu.memref_squeeze %dma_start3A_239 : memref<1x128x128xf32, #tpu.memory_space<vmem>> -> memref<128x128xf32, #tpu.memory_space<vmem>>
    %dma_start3A_241 = arith.constant 128 : i32
    %dma_start3A_242 = tpu.memref_slice %arg7[%dma_start3A_235, %dma_start3A_241] : memref<2x1024xi32, #tpu.memory_space<vmem>> -> memref<1x128xi32, #tpu.memory_space<vmem>>
    %dma_start3A_243 = tpu.memref_squeeze %dma_start3A_242 : memref<1x128xi32, #tpu.memory_space<vmem>> -> memref<128xi32, #tpu.memory_space<vmem>>
    %dma_start3A_244 = arith.constant 0 : i32
    %dma_start3A_245 = arith.constant 0 : i32
    %dma_start3A_246 = tpu.memref_slice %arg2[%dma_start3A_244, %dma_start3A_245] : memref<10000x128xf32, #tpu.memory_space<hbm>> -> memref<10000x128xf32, #tpu.memory_space<hbm>>
    tpu.enqueue_indirect_dma source(%dma_start3A_246 : memref<10000x128xf32, #tpu.memory_space<hbm>>) target(%dma_start3A_240 : memref<128x128xf32, #tpu.memory_space<vmem>>) offsets(%dma_start3A_243 : memref<128xi32, #tpu.memory_space<vmem>>) semaphore(%arg14 : memref<!tpu.dma_semaphore, #tpu.memory_space<semaphore_mem>>)
    %scan3A_247 = arith.constant 0 : i32
    %scan3A_248 = arith.constant 0 : i32
    %scan3A_249 = arith.constant 1 : i32
    %scan3A_250 = arith.constant 0 : i32
    %scan3A_251 = arith.constant 10 : i32
    %scan3A_252 = arith.addi %scan3A_250, %scan3A_251 : i32
    %scan3A_253 = arith.constant 1 : i32
    scf.for %scan3A_342 = %scan3A_250 to %scan3A_252 step %scan3A_253  : i32 {
      %jit3A = arith.constant 2 : i32
      %eq3A = arith.constant 0 : i32
      %eq3A_343 = arith.cmpi eq, %jit3A, %eq3A : i32
      %jit3A_344 = arith.constant 1 : i32
      %select_n3A = arith.select %eq3A_343, %jit3A_344, %jit3A : i32
      %rem3A = arith.remsi %scan3A_342, %select_n3A : i32
      %ne3A = arith.constant 0 : i32
      %ne3A_345 = arith.cmpi ne, %rem3A, %ne3A : i32
      %lt3A_346 = arith.constant 0 : i32
      %lt3A_347 = arith.cmpi slt, %rem3A, %lt3A_346 : i32
      %lt3A_348 = arith.constant 0 : i32
      %lt3A_349 = arith.cmpi slt, %select_n3A, %lt3A_348 : i32
      %ne3A_350 = arith.xori %lt3A_347, %lt3A_349 : i1
      %and3A = arith.andi %ne3A_350, %ne3A_345 : i1
      %add3A_351 = arith.addi %rem3A, %select_n3A : i32
      %select_n3A_352 = arith.select %and3A, %add3A_351, %rem3A : i32
      %add3A_353 = arith.constant 1 : i32
      %add3A_354 = arith.addi %scan3A_342, %add3A_353 : i32
      %jit3A_355 = arith.constant 2 : i32
      %eq3A_356 = arith.constant 0 : i32
      %eq3A_357 = arith.cmpi eq, %jit3A_355, %eq3A_356 : i32
      %jit3A_358 = arith.constant 1 : i32
      %select_n3A_359 = arith.select %eq3A_357, %jit3A_358, %jit3A_355 : i32
      %rem3A_360 = arith.remsi %add3A_354, %select_n3A_359 : i32
      %ne3A_361 = arith.constant 0 : i32
      %ne3A_362 = arith.cmpi ne, %rem3A_360, %ne3A_361 : i32
      %lt3A_363 = arith.constant 0 : i32
      %lt3A_364 = arith.cmpi slt, %rem3A_360, %lt3A_363 : i32
      %lt3A_365 = arith.constant 0 : i32
      %lt3A_366 = arith.cmpi slt, %select_n3A_359, %lt3A_365 : i32
      %ne3A_367 = arith.xori %lt3A_364, %lt3A_366 : i1
      %and3A_368 = arith.andi %ne3A_367, %ne3A_362 : i1
      %add3A_369 = arith.addi %rem3A_360, %select_n3A_359 : i32
      %select_n3A_370 = arith.select %and3A_368, %add3A_369, %rem3A_360 : i32
      %gt3A = arith.constant 0 : i32
      %gt3A_371 = arith.cmpi sgt, %scan3A_342, %gt3A : i32
      %convert_element_type3A_372 = arith.extui %gt3A_371 : i1 to i32
      %cond3A_373 = arith.constant 0 : i32
      %cond3A_374 = arith.cmpi ne, %convert_element_type3A_372, %cond3A_373 : i32
      scf.if %cond3A_374 {
        %dma_wait3A_683 = arith.constant 0 : i32
        %dma_wait3A_684 = arith.constant 0 : i32
        %dma_wait3A_685 = tpu.memref_slice %arg2[%dma_wait3A_683, %dma_wait3A_684] : memref<10000x128xf32, #tpu.memory_space<hbm>> -> memref<1x128xf32, #tpu.memory_space<hbm>>
        %dma_wait3A_686 = tpu.memref_squeeze %dma_wait3A_685 : memref<1x128xf32, #tpu.memory_space<hbm>> -> memref<128xf32, #tpu.memory_space<hbm>>
        %dma_wait3A_687 = arith.constant 0 : i32
        %dma_wait3A_688 = tpu.memref_slice %arg2[%dma_wait3A_683, %dma_wait3A_687] : memref<10000x128xf32, #tpu.memory_space<hbm>> -> memref<1x128xf32, #tpu.memory_space<hbm>>
        %dma_wait3A_689 = tpu.memref_squeeze %dma_wait3A_688 : memref<1x128xf32, #tpu.memory_space<hbm>> -> memref<128xf32, #tpu.memory_space<hbm>>
        tpu.wait_dma2 semaphore(%arg15 : memref<!tpu.dma_semaphore, #tpu.memory_space<semaphore_mem>>) src(%dma_wait3A_689 : memref<128xf32, #tpu.memory_space<hbm>>) dst(%arg11 : memref<128xf32, #tpu.memory_space<vmem>>)
        %dma_wait3A_690 = arith.constant 0 : i32
        %dma_wait3A_691 = arith.constant 0 : i32
        %dma_wait3A_692 = tpu.memref_slice %arg2[%dma_wait3A_690, %dma_wait3A_691] : memref<10000x128xf32, #tpu.memory_space<hbm>> -> memref<1x128xf32, #tpu.memory_space<hbm>>
        %dma_wait3A_693 = tpu.memref_squeeze %dma_wait3A_692 : memref<1x128xf32, #tpu.memory_space<hbm>> -> memref<128xf32, #tpu.memory_space<hbm>>
        %dma_wait3A_694 = arith.constant 0 : i32
        %dma_wait3A_695 = tpu.memref_slice %arg2[%dma_wait3A_690, %dma_wait3A_694] : memref<10000x128xf32, #tpu.memory_space<hbm>> -> memref<1x128xf32, #tpu.memory_space<hbm>>
        %dma_wait3A_696 = tpu.memref_squeeze %dma_wait3A_695 : memref<1x128xf32, #tpu.memory_space<hbm>> -> memref<128xf32, #tpu.memory_space<hbm>>
        tpu.wait_dma2 semaphore(%arg15 : memref<!tpu.dma_semaphore, #tpu.memory_space<semaphore_mem>>) src(%dma_wait3A_696 : memref<128xf32, #tpu.memory_space<hbm>>) dst(%arg11 : memref<128xf32, #tpu.memory_space<vmem>>)
        %dma_wait3A_697 = arith.constant 0 : i32
        %dma_wait3A_698 = arith.constant 0 : i32
        %dma_wait3A_699 = tpu.memref_slice %arg2[%dma_wait3A_697, %dma_wait3A_698] : memref<10000x128xf32, #tpu.memory_space<hbm>> -> memref<1x128xf32, #tpu.memory_space<hbm>>
        %dma_wait3A_700 = tpu.memref_squeeze %dma_wait3A_699 : memref<1x128xf32, #tpu.memory_space<hbm>> -> memref<128xf32, #tpu.memory_space<hbm>>
        %dma_wait3A_701 = arith.constant 0 : i32
        %dma_wait3A_702 = tpu.memref_slice %arg2[%dma_wait3A_697, %dma_wait3A_701] : memref<10000x128xf32, #tpu.memory_space<hbm>> -> memref<1x128xf32, #tpu.memory_space<hbm>>
        %dma_wait3A_703 = tpu.memref_squeeze %dma_wait3A_702 : memref<1x128xf32, #tpu.memory_space<hbm>> -> memref<128xf32, #tpu.memory_space<hbm>>
        tpu.wait_dma2 semaphore(%arg15 : memref<!tpu.dma_semaphore, #tpu.memory_space<semaphore_mem>>) src(%dma_wait3A_703 : memref<128xf32, #tpu.memory_space<hbm>>) dst(%arg11 : memref<128xf32, #tpu.memory_space<vmem>>)
        %dma_wait3A_704 = arith.constant 0 : i32
        %dma_wait3A_705 = arith.constant 0 : i32
        %dma_wait3A_706 = tpu.memref_slice %arg2[%dma_wait3A_704, %dma_wait3A_705] : memref<10000x128xf32, #tpu.memory_space<hbm>> -> memref<1x128xf32, #tpu.memory_space<hbm>>
        %dma_wait3A_707 = tpu.memref_squeeze %dma_wait3A_706 : memref<1x128xf32, #tpu.memory_space<hbm>> -> memref<128xf32, #tpu.memory_space<hbm>>
        %dma_wait3A_708 = arith.constant 0 : i32
        %dma_wait3A_709 = tpu.memref_slice %arg2[%dma_wait3A_704, %dma_wait3A_708] : memref<10000x128xf32, #tpu.memory_space<hbm>> -> memref<1x128xf32, #tpu.memory_space<hbm>>
        %dma_wait3A_710 = tpu.memref_squeeze %dma_wait3A_709 : memref<1x128xf32, #tpu.memory_space<hbm>> -> memref<128xf32, #tpu.memory_space<hbm>>
        tpu.wait_dma2 semaphore(%arg15 : memref<!tpu.dma_semaphore, #tpu.memory_space<semaphore_mem>>) src(%dma_wait3A_710 : memref<128xf32, #tpu.memory_space<hbm>>) dst(%arg11 : memref<128xf32, #tpu.memory_space<vmem>>)
        %dma_wait3A_711 = arith.constant 0 : i32
        %dma_wait3A_712 = arith.constant 0 : i32
        %dma_wait3A_713 = tpu.memref_slice %arg2[%dma_wait3A_711, %dma_wait3A_712] : memref<10000x128xf32, #tpu.memory_space<hbm>> -> memref<1x128xf32, #tpu.memory_space<hbm>>
        %dma_wait3A_714 = tpu.memref_squeeze %dma_wait3A_713 : memref<1x128xf32, #tpu.memory_space<hbm>> -> memref<128xf32, #tpu.memory_space<hbm>>
        %dma_wait3A_715 = arith.constant 0 : i32
        %dma_wait3A_716 = tpu.memref_slice %arg2[%dma_wait3A_711, %dma_wait3A_715] : memref<10000x128xf32, #tpu.memory_space<hbm>> -> memref<1x128xf32, #tpu.memory_space<hbm>>
        %dma_wait3A_717 = tpu.memref_squeeze %dma_wait3A_716 : memref<1x128xf32, #tpu.memory_space<hbm>> -> memref<128xf32, #tpu.memory_space<hbm>>
        tpu.wait_dma2 semaphore(%arg15 : memref<!tpu.dma_semaphore, #tpu.memory_space<semaphore_mem>>) src(%dma_wait3A_717 : memref<128xf32, #tpu.memory_space<hbm>>) dst(%arg11 : memref<128xf32, #tpu.memory_space<vmem>>)
        %dma_wait3A_718 = arith.constant 0 : i32
        %dma_wait3A_719 = arith.constant 0 : i32
        %dma_wait3A_720 = tpu.memref_slice %arg2[%dma_wait3A_718, %dma_wait3A_719] : memref<10000x128xf32, #tpu.memory_space<hbm>> -> memref<1x128xf32, #tpu.memory_space<hbm>>
        %dma_wait3A_721 = tpu.memref_squeeze %dma_wait3A_720 : memref<1x128xf32, #tpu.memory_space<hbm>> -> memref<128xf32, #tpu.memory_space<hbm>>
        %dma_wait3A_722 = arith.constant 0 : i32
        %dma_wait3A_723 = tpu.memref_slice %arg2[%dma_wait3A_718, %dma_wait3A_722] : memref<10000x128xf32, #tpu.memory_space<hbm>> -> memref<1x128xf32, #tpu.memory_space<hbm>>
        %dma_wait3A_724 = tpu.memref_squeeze %dma_wait3A_723 : memref<1x128xf32, #tpu.memory_space<hbm>> -> memref<128xf32, #tpu.memory_space<hbm>>
        tpu.wait_dma2 semaphore(%arg15 : memref<!tpu.dma_semaphore, #tpu.memory_space<semaphore_mem>>) src(%dma_wait3A_724 : memref<128xf32, #tpu.memory_space<hbm>>) dst(%arg11 : memref<128xf32, #tpu.memory_space<vmem>>)
        %dma_wait3A_725 = arith.constant 0 : i32
        %dma_wait3A_726 = arith.constant 0 : i32
        %dma_wait3A_727 = tpu.memref_slice %arg2[%dma_wait3A_725, %dma_wait3A_726] : memref<10000x128xf32, #tpu.memory_space<hbm>> -> memref<1x128xf32, #tpu.memory_space<hbm>>
        %dma_wait3A_728 = tpu.memref_squeeze %dma_wait3A_727 : memref<1x128xf32, #tpu.memory_space<hbm>> -> memref<128xf32, #tpu.memory_space<hbm>>
        %dma_wait3A_729 = arith.constant 0 : i32
        %dma_wait3A_730 = tpu.memref_slice %arg2[%dma_wait3A_725, %dma_wait3A_729] : memref<10000x128xf32, #tpu.memory_space<hbm>> -> memref<1x128xf32, #tpu.memory_space<hbm>>
        %dma_wait3A_731 = tpu.memref_squeeze %dma_wait3A_730 : memref<1x128xf32, #tpu.memory_space<hbm>> -> memref<128xf32, #tpu.memory_space<hbm>>
        tpu.wait_dma2 semaphore(%arg15 : memref<!tpu.dma_semaphore, #tpu.memory_space<semaphore_mem>>) src(%dma_wait3A_731 : memref<128xf32, #tpu.memory_space<hbm>>) dst(%arg11 : memref<128xf32, #tpu.memory_space<vmem>>)
        %dma_wait3A_732 = arith.constant 0 : i32
        %dma_wait3A_733 = arith.constant 0 : i32
        %dma_wait3A_734 = tpu.memref_slice %arg2[%dma_wait3A_732, %dma_wait3A_733] : memref<10000x128xf32, #tpu.memory_space<hbm>> -> memref<1x128xf32, #tpu.memory_space<hbm>>
        %dma_wait3A_735 = tpu.memref_squeeze %dma_wait3A_734 : memref<1x128xf32, #tpu.memory_space<hbm>> -> memref<128xf32, #tpu.memory_space<hbm>>
        %dma_wait3A_736 = arith.constant 0 : i32
        %dma_wait3A_737 = tpu.memref_slice %arg2[%dma_wait3A_732, %dma_wait3A_736] : memref<10000x128xf32, #tpu.memory_space<hbm>> -> memref<1x128xf32, #tpu.memory_space<hbm>>
        %dma_wait3A_738 = tpu.memref_squeeze %dma_wait3A_737 : memref<1x128xf32, #tpu.memory_space<hbm>> -> memref<128xf32, #tpu.memory_space<hbm>>
        tpu.wait_dma2 semaphore(%arg15 : memref<!tpu.dma_semaphore, #tpu.memory_space<semaphore_mem>>) src(%dma_wait3A_738 : memref<128xf32, #tpu.memory_space<hbm>>) dst(%arg11 : memref<128xf32, #tpu.memory_space<vmem>>)
      } else {
      }
      %add3A_375 = arith.constant 1 : i32
      %add3A_376 = arith.addi %scan3A_342, %add3A_375 : i32
      %jit3A_377 = arith.constant 10 : i32
      %eq3A_378 = arith.constant 0 : i32
      %eq3A_379 = arith.cmpi eq, %jit3A_377, %eq3A_378 : i32
      %jit3A_380 = arith.constant 1 : i32
      %select_n3A_381 = arith.select %eq3A_379, %jit3A_380, %jit3A_377 : i32
      %rem3A_382 = arith.remsi %add3A_376, %select_n3A_381 : i32
      %ne3A_383 = arith.constant 0 : i32
      %ne3A_384 = arith.cmpi ne, %rem3A_382, %ne3A_383 : i32
      %lt3A_385 = arith.constant 0 : i32
      %lt3A_386 = arith.cmpi slt, %rem3A_382, %lt3A_385 : i32
      %lt3A_387 = arith.constant 0 : i32
      %lt3A_388 = arith.cmpi slt, %select_n3A_381, %lt3A_387 : i32
      %ne3A_389 = arith.xori %lt3A_386, %lt3A_388 : i1
      %and3A_390 = arith.andi %ne3A_389, %ne3A_384 : i1
      %add3A_391 = arith.addi %rem3A_382, %select_n3A_381 : i32
      %select_n3A_392 = arith.select %and3A_390, %add3A_391, %rem3A_382 : i32
      %mul3A_393 = arith.constant 8 : i32
      %mul3A_394 = arith.muli %select_n3A_392, %mul3A_393 : i32
      %add3A_395 = arith.addi %mul3A_184, %mul3A_394 : i32
      %mul3A_396 = arith.constant 128 : i32
      %mul3A_397 = arith.muli %add3A_395, %mul3A_396 : i32
      %lt3A_398 = arith.constant 2496 : i32
      %lt3A_399 = arith.cmpi slt, %add3A_395, %lt3A_398 : i32
      %convert_element_type3A_400 = arith.extui %lt3A_399 : i1 to i32
      %cond3A_401 = arith.constant 0 : i32
      %cond3A_402 = arith.cmpi ne, %convert_element_type3A_400, %cond3A_401 : i32
      scf.if %cond3A_402 {
        %dma_start3A_683 = arith.constant 0 : i32
        %dma_start3A_684 = arith.constant 0 : i32
        %dma_start3A_685 = tpu.memref_slice %arg7[%select_n3A_370, %dma_start3A_684] : memref<2x1024xi32, #tpu.memory_space<vmem>> -> memref<1x1024xi32, #tpu.memory_space<vmem>>
        %dma_start3A_686 = tpu.memref_squeeze %dma_start3A_685 : memref<1x1024xi32, #tpu.memory_space<vmem>> -> memref<1024xi32, #tpu.memory_space<vmem>>
        %dma_start3A_687 = tpu.memref_slice %arg3[%dma_start3A_683, %mul3A_397] : memref<2x320000xi32, #tpu.memory_space<hbm>> -> memref<1x1024xi32, #tpu.memory_space<hbm>>
        %dma_start3A_688 = tpu.memref_squeeze %dma_start3A_687 : memref<1x1024xi32, #tpu.memory_space<hbm>> -> memref<1024xi32, #tpu.memory_space<hbm>>
        %dma_start3A_689 = arith.constant 0 : i32
        %dma_start3A_690 = tpu.memref_slice %arg7[%select_n3A_370, %dma_start3A_689] : memref<2x1024xi32, #tpu.memory_space<vmem>> -> memref<1x1024xi32, #tpu.memory_space<vmem>>
        %dma_start3A_691 = tpu.memref_squeeze %dma_start3A_690 : memref<1x1024xi32, #tpu.memory_space<vmem>> -> memref<1024xi32, #tpu.memory_space<vmem>>
        %dma_start3A_692 = tpu.memref_slice %arg3[%dma_start3A_683, %mul3A_397] : memref<2x320000xi32, #tpu.memory_space<hbm>> -> memref<1x1024xi32, #tpu.memory_space<hbm>>
        %dma_start3A_693 = tpu.memref_squeeze %dma_start3A_692 : memref<1x1024xi32, #tpu.memory_space<hbm>> -> memref<1024xi32, #tpu.memory_space<hbm>>
        tpu.enqueue_dma source(%dma_start3A_693 : memref<1024xi32, #tpu.memory_space<hbm>>) target(%dma_start3A_691 : memref<1024xi32, #tpu.memory_space<vmem>>) target_semaphore(%arg16 : memref<!tpu.dma_semaphore, #tpu.memory_space<semaphore_mem>>)
        %add3A_694 = arith.constant 0 : i32
        %add3A_695 = arith.addi %mul3A_397, %add3A_694 : i32
        %dma_start3A_696 = arith.constant 1 : i32
        %dma_start3A_697 = arith.constant 0 : i32
        %dma_start3A_698 = arith.constant 0 : i32
        %dma_start3A_699 = tpu.memref_slice %arg8[%select_n3A_370, %dma_start3A_697, %dma_start3A_698] : memref<2x8x128xi32, #tpu.memory_space<vmem>> -> memref<1x1x128xi32, #tpu.memory_space<vmem>>
        %dma_start3A_700 = tpu.memref_squeeze %dma_start3A_699 : memref<1x1x128xi32, #tpu.memory_space<vmem>> -> memref<128xi32, #tpu.memory_space<vmem>>
        %dma_start3A_701 = tpu.memref_slice %arg3[%dma_start3A_696, %add3A_695] : memref<2x320000xi32, #tpu.memory_space<hbm>> -> memref<1x128xi32, #tpu.memory_space<hbm>>
        %dma_start3A_702 = tpu.memref_squeeze %dma_start3A_701 : memref<1x128xi32, #tpu.memory_space<hbm>> -> memref<128xi32, #tpu.memory_space<hbm>>
        %dma_start3A_703 = arith.constant 0 : i32
        %dma_start3A_704 = tpu.memref_slice %arg8[%select_n3A_370, %dma_start3A_697, %dma_start3A_703] : memref<2x8x128xi32, #tpu.memory_space<vmem>> -> memref<1x1x128xi32, #tpu.memory_space<vmem>>
        %dma_start3A_705 = tpu.memref_squeeze %dma_start3A_704 : memref<1x1x128xi32, #tpu.memory_space<vmem>> -> memref<128xi32, #tpu.memory_space<vmem>>
        %dma_start3A_706 = tpu.memref_slice %arg3[%dma_start3A_696, %add3A_695] : memref<2x320000xi32, #tpu.memory_space<hbm>> -> memref<1x128xi32, #tpu.memory_space<hbm>>
        %dma_start3A_707 = tpu.memref_squeeze %dma_start3A_706 : memref<1x128xi32, #tpu.memory_space<hbm>> -> memref<128xi32, #tpu.memory_space<hbm>>
        tpu.enqueue_dma source(%dma_start3A_707 : memref<128xi32, #tpu.memory_space<hbm>>) target(%dma_start3A_705 : memref<128xi32, #tpu.memory_space<vmem>>) target_semaphore(%arg16 : memref<!tpu.dma_semaphore, #tpu.memory_space<semaphore_mem>>)
        %add3A_708 = arith.constant 128 : i32
        %add3A_709 = arith.addi %mul3A_397, %add3A_708 : i32
        %dma_start3A_710 = arith.constant 1 : i32
        %dma_start3A_711 = arith.constant 1 : i32
        %dma_start3A_712 = arith.constant 0 : i32
        %dma_start3A_713 = tpu.memref_slice %arg8[%select_n3A_370, %dma_start3A_711, %dma_start3A_712] : memref<2x8x128xi32, #tpu.memory_space<vmem>> -> memref<1x1x128xi32, #tpu.memory_space<vmem>>
        %dma_start3A_714 = tpu.memref_squeeze %dma_start3A_713 : memref<1x1x128xi32, #tpu.memory_space<vmem>> -> memref<128xi32, #tpu.memory_space<vmem>>
        %dma_start3A_715 = tpu.memref_slice %arg3[%dma_start3A_710, %add3A_709] : memref<2x320000xi32, #tpu.memory_space<hbm>> -> memref<1x128xi32, #tpu.memory_space<hbm>>
        %dma_start3A_716 = tpu.memref_squeeze %dma_start3A_715 : memref<1x128xi32, #tpu.memory_space<hbm>> -> memref<128xi32, #tpu.memory_space<hbm>>
        %dma_start3A_717 = arith.constant 0 : i32
        %dma_start3A_718 = tpu.memref_slice %arg8[%select_n3A_370, %dma_start3A_711, %dma_start3A_717] : memref<2x8x128xi32, #tpu.memory_space<vmem>> -> memref<1x1x128xi32, #tpu.memory_space<vmem>>
        %dma_start3A_719 = tpu.memref_squeeze %dma_start3A_718 : memref<1x1x128xi32, #tpu.memory_space<vmem>> -> memref<128xi32, #tpu.memory_space<vmem>>
        %dma_start3A_720 = tpu.memref_slice %arg3[%dma_start3A_710, %add3A_709] : memref<2x320000xi32, #tpu.memory_space<hbm>> -> memref<1x128xi32, #tpu.memory_space<hbm>>
        %dma_start3A_721 = tpu.memref_squeeze %dma_start3A_720 : memref<1x128xi32, #tpu.memory_space<hbm>> -> memref<128xi32, #tpu.memory_space<hbm>>
        tpu.enqueue_dma source(%dma_start3A_721 : memref<128xi32, #tpu.memory_space<hbm>>) target(%dma_start3A_719 : memref<128xi32, #tpu.memory_space<vmem>>) target_semaphore(%arg16 : memref<!tpu.dma_semaphore, #tpu.memory_space<semaphore_mem>>)
        %add3A_722 = arith.constant 256 : i32
        %add3A_723 = arith.addi %mul3A_397, %add3A_722 : i32
        %dma_start3A_724 = arith.constant 1 : i32
        %dma_start3A_725 = arith.constant 2 : i32
        %dma_start3A_726 = arith.constant 0 : i32
        %dma_start3A_727 = tpu.memref_slice %arg8[%select_n3A_370, %dma_start3A_725, %dma_start3A_726] : memref<2x8x128xi32, #tpu.memory_space<vmem>> -> memref<1x1x128xi32, #tpu.memory_space<vmem>>
        %dma_start3A_728 = tpu.memref_squeeze %dma_start3A_727 : memref<1x1x128xi32, #tpu.memory_space<vmem>> -> memref<128xi32, #tpu.memory_space<vmem>>
        %dma_start3A_729 = tpu.memref_slice %arg3[%dma_start3A_724, %add3A_723] : memref<2x320000xi32, #tpu.memory_space<hbm>> -> memref<1x128xi32, #tpu.memory_space<hbm>>
        %dma_start3A_730 = tpu.memref_squeeze %dma_start3A_729 : memref<1x128xi32, #tpu.memory_space<hbm>> -> memref<128xi32, #tpu.memory_space<hbm>>
        %dma_start3A_731 = arith.constant 0 : i32
        %dma_start3A_732 = tpu.memref_slice %arg8[%select_n3A_370, %dma_start3A_725, %dma_start3A_731] : memref<2x8x128xi32, #tpu.memory_space<vmem>> -> memref<1x1x128xi32, #tpu.memory_space<vmem>>
        %dma_start3A_733 = tpu.memref_squeeze %dma_start3A_732 : memref<1x1x128xi32, #tpu.memory_space<vmem>> -> memref<128xi32, #tpu.memory_space<vmem>>
        %dma_start3A_734 = tpu.memref_slice %arg3[%dma_start3A_724, %add3A_723] : memref<2x320000xi32, #tpu.memory_space<hbm>> -> memref<1x128xi32, #tpu.memory_space<hbm>>
        %dma_start3A_735 = tpu.memref_squeeze %dma_start3A_734 : memref<1x128xi32, #tpu.memory_space<hbm>> -> memref<128xi32, #tpu.memory_space<hbm>>
        tpu.enqueue_dma source(%dma_start3A_735 : memref<128xi32, #tpu.memory_space<hbm>>) target(%dma_start3A_733 : memref<128xi32, #tpu.memory_space<vmem>>) target_semaphore(%arg16 : memref<!tpu.dma_semaphore, #tpu.memory_space<semaphore_mem>>)
        %add3A_736 = arith.constant 384 : i32
        %add3A_737 = arith.addi %mul3A_397, %add3A_736 : i32
        %dma_start3A_738 = arith.constant 1 : i32
        %dma_start3A_739 = arith.constant 3 : i32
        %dma_start3A_740 = arith.constant 0 : i32
        %dma_start3A_741 = tpu.memref_slice %arg8[%select_n3A_370, %dma_start3A_739, %dma_start3A_740] : memref<2x8x128xi32, #tpu.memory_space<vmem>> -> memref<1x1x128xi32, #tpu.memory_space<vmem>>
        %dma_start3A_742 = tpu.memref_squeeze %dma_start3A_741 : memref<1x1x128xi32, #tpu.memory_space<vmem>> -> memref<128xi32, #tpu.memory_space<vmem>>
        %dma_start3A_743 = tpu.memref_slice %arg3[%dma_start3A_738, %add3A_737] : memref<2x320000xi32, #tpu.memory_space<hbm>> -> memref<1x128xi32, #tpu.memory_space<hbm>>
        %dma_start3A_744 = tpu.memref_squeeze %dma_start3A_743 : memref<1x128xi32, #tpu.memory_space<hbm>> -> memref<128xi32, #tpu.memory_space<hbm>>
        %dma_start3A_745 = arith.constant 0 : i32
        %dma_start3A_746 = tpu.memref_slice %arg8[%select_n3A_370, %dma_start3A_739, %dma_start3A_745] : memref<2x8x128xi32, #tpu.memory_space<vmem>> -> memref<1x1x128xi32, #tpu.memory_space<vmem>>
        %dma_start3A_747 = tpu.memref_squeeze %dma_start3A_746 : memref<1x1x128xi32, #tpu.memory_space<vmem>> -> memref<128xi32, #tpu.memory_space<vmem>>
        %dma_start3A_748 = tpu.memref_slice %arg3[%dma_start3A_738, %add3A_737] : memref<2x320000xi32, #tpu.memory_space<hbm>> -> memref<1x128xi32, #tpu.memory_space<hbm>>
        %dma_start3A_749 = tpu.memref_squeeze %dma_start3A_748 : memref<1x128xi32, #tpu.memory_space<hbm>> -> memref<128xi32, #tpu.memory_space<hbm>>
        tpu.enqueue_dma source(%dma_start3A_749 : memref<128xi32, #tpu.memory_space<hbm>>) target(%dma_start3A_747 : memref<128xi32, #tpu.memory_space<vmem>>) target_semaphore(%arg16 : memref<!tpu.dma_semaphore, #tpu.memory_space<semaphore_mem>>)
        %add3A_750 = arith.constant 512 : i32
        %add3A_751 = arith.addi %mul3A_397, %add3A_750 : i32
        %dma_start3A_752 = arith.constant 1 : i32
        %dma_start3A_753 = arith.constant 4 : i32
        %dma_start3A_754 = arith.constant 0 : i32
        %dma_start3A_755 = tpu.memref_slice %arg8[%select_n3A_370, %dma_start3A_753, %dma_start3A_754] : memref<2x8x128xi32, #tpu.memory_space<vmem>> -> memref<1x1x128xi32, #tpu.memory_space<vmem>>
        %dma_start3A_756 = tpu.memref_squeeze %dma_start3A_755 : memref<1x1x128xi32, #tpu.memory_space<vmem>> -> memref<128xi32, #tpu.memory_space<vmem>>
        %dma_start3A_757 = tpu.memref_slice %arg3[%dma_start3A_752, %add3A_751] : memref<2x320000xi32, #tpu.memory_space<hbm>> -> memref<1x128xi32, #tpu.memory_space<hbm>>
        %dma_start3A_758 = tpu.memref_squeeze %dma_start3A_757 : memref<1x128xi32, #tpu.memory_space<hbm>> -> memref<128xi32, #tpu.memory_space<hbm>>
        %dma_start3A_759 = arith.constant 0 : i32
        %dma_start3A_760 = tpu.memref_slice %arg8[%select_n3A_370, %dma_start3A_753, %dma_start3A_759] : memref<2x8x128xi32, #tpu.memory_space<vmem>> -> memref<1x1x128xi32, #tpu.memory_space<vmem>>
        %dma_start3A_761 = tpu.memref_squeeze %dma_start3A_760 : memref<1x1x128xi32, #tpu.memory_space<vmem>> -> memref<128xi32, #tpu.memory_space<vmem>>
        %dma_start3A_762 = tpu.memref_slice %arg3[%dma_start3A_752, %add3A_751] : memref<2x320000xi32, #tpu.memory_space<hbm>> -> memref<1x128xi32, #tpu.memory_space<hbm>>
        %dma_start3A_763 = tpu.memref_squeeze %dma_start3A_762 : memref<1x128xi32, #tpu.memory_space<hbm>> -> memref<128xi32, #tpu.memory_space<hbm>>
        tpu.enqueue_dma source(%dma_start3A_763 : memref<128xi32, #tpu.memory_space<hbm>>) target(%dma_start3A_761 : memref<128xi32, #tpu.memory_space<vmem>>) target_semaphore(%arg16 : memref<!tpu.dma_semaphore, #tpu.memory_space<semaphore_mem>>)
        %add3A_764 = arith.constant 640 : i32
        %add3A_765 = arith.addi %mul3A_397, %add3A_764 : i32
        %dma_start3A_766 = arith.constant 1 : i32
        %dma_start3A_767 = arith.constant 5 : i32
        %dma_start3A_768 = arith.constant 0 : i32
        %dma_start3A_769 = tpu.memref_slice %arg8[%select_n3A_370, %dma_start3A_767, %dma_start3A_768] : memref<2x8x128xi32, #tpu.memory_space<vmem>> -> memref<1x1x128xi32, #tpu.memory_space<vmem>>
        %dma_start3A_770 = tpu.memref_squeeze %dma_start3A_769 : memref<1x1x128xi32, #tpu.memory_space<vmem>> -> memref<128xi32, #tpu.memory_space<vmem>>
        %dma_start3A_771 = tpu.memref_slice %arg3[%dma_start3A_766, %add3A_765] : memref<2x320000xi32, #tpu.memory_space<hbm>> -> memref<1x128xi32, #tpu.memory_space<hbm>>
        %dma_start3A_772 = tpu.memref_squeeze %dma_start3A_771 : memref<1x128xi32, #tpu.memory_space<hbm>> -> memref<128xi32, #tpu.memory_space<hbm>>
        %dma_start3A_773 = arith.constant 0 : i32
        %dma_start3A_774 = tpu.memref_slice %arg8[%select_n3A_370, %dma_start3A_767, %dma_start3A_773] : memref<2x8x128xi32, #tpu.memory_space<vmem>> -> memref<1x1x128xi32, #tpu.memory_space<vmem>>
        %dma_start3A_775 = tpu.memref_squeeze %dma_start3A_774 : memref<1x1x128xi32, #tpu.memory_space<vmem>> -> memref<128xi32, #tpu.memory_space<vmem>>
        %dma_start3A_776 = tpu.memref_slice %arg3[%dma_start3A_766, %add3A_765] : memref<2x320000xi32, #tpu.memory_space<hbm>> -> memref<1x128xi32, #tpu.memory_space<hbm>>
        %dma_start3A_777 = tpu.memref_squeeze %dma_start3A_776 : memref<1x128xi32, #tpu.memory_space<hbm>> -> memref<128xi32, #tpu.memory_space<hbm>>
        tpu.enqueue_dma source(%dma_start3A_777 : memref<128xi32, #tpu.memory_space<hbm>>) target(%dma_start3A_775 : memref<128xi32, #tpu.memory_space<vmem>>) target_semaphore(%arg16 : memref<!tpu.dma_semaphore, #tpu.memory_space<semaphore_mem>>)
        %add3A_778 = arith.constant 768 : i32
        %add3A_779 = arith.addi %mul3A_397, %add3A_778 : i32
        %dma_start3A_780 = arith.constant 1 : i32
        %dma_start3A_781 = arith.constant 6 : i32
        %dma_start3A_782 = arith.constant 0 : i32
        %dma_start3A_783 = tpu.memref_slice %arg8[%select_n3A_370, %dma_start3A_781, %dma_start3A_782] : memref<2x8x128xi32, #tpu.memory_space<vmem>> -> memref<1x1x128xi32, #tpu.memory_space<vmem>>
        %dma_start3A_784 = tpu.memref_squeeze %dma_start3A_783 : memref<1x1x128xi32, #tpu.memory_space<vmem>> -> memref<128xi32, #tpu.memory_space<vmem>>
        %dma_start3A_785 = tpu.memref_slice %arg3[%dma_start3A_780, %add3A_779] : memref<2x320000xi32, #tpu.memory_space<hbm>> -> memref<1x128xi32, #tpu.memory_space<hbm>>
        %dma_start3A_786 = tpu.memref_squeeze %dma_start3A_785 : memref<1x128xi32, #tpu.memory_space<hbm>> -> memref<128xi32, #tpu.memory_space<hbm>>
        %dma_start3A_787 = arith.constant 0 : i32
        %dma_start3A_788 = tpu.memref_slice %arg8[%select_n3A_370, %dma_start3A_781, %dma_start3A_787] : memref<2x8x128xi32, #tpu.memory_space<vmem>> -> memref<1x1x128xi32, #tpu.memory_space<vmem>>
        %dma_start3A_789 = tpu.memref_squeeze %dma_start3A_788 : memref<1x1x128xi32, #tpu.memory_space<vmem>> -> memref<128xi32, #tpu.memory_space<vmem>>
        %dma_start3A_790 = tpu.memref_slice %arg3[%dma_start3A_780, %add3A_779] : memref<2x320000xi32, #tpu.memory_space<hbm>> -> memref<1x128xi32, #tpu.memory_space<hbm>>
        %dma_start3A_791 = tpu.memref_squeeze %dma_start3A_790 : memref<1x128xi32, #tpu.memory_space<hbm>> -> memref<128xi32, #tpu.memory_space<hbm>>
        tpu.enqueue_dma source(%dma_start3A_791 : memref<128xi32, #tpu.memory_space<hbm>>) target(%dma_start3A_789 : memref<128xi32, #tpu.memory_space<vmem>>) target_semaphore(%arg16 : memref<!tpu.dma_semaphore, #tpu.memory_space<semaphore_mem>>)
        %add3A_792 = arith.constant 896 : i32
        %add3A_793 = arith.addi %mul3A_397, %add3A_792 : i32
        %dma_start3A_794 = arith.constant 1 : i32
        %dma_start3A_795 = arith.constant 7 : i32
        %dma_start3A_796 = arith.constant 0 : i32
        %dma_start3A_797 = tpu.memref_slice %arg8[%select_n3A_370, %dma_start3A_795, %dma_start3A_796] : memref<2x8x128xi32, #tpu.memory_space<vmem>> -> memref<1x1x128xi32, #tpu.memory_space<vmem>>
        %dma_start3A_798 = tpu.memref_squeeze %dma_start3A_797 : memref<1x1x128xi32, #tpu.memory_space<vmem>> -> memref<128xi32, #tpu.memory_space<vmem>>
        %dma_start3A_799 = tpu.memref_slice %arg3[%dma_start3A_794, %add3A_793] : memref<2x320000xi32, #tpu.memory_space<hbm>> -> memref<1x128xi32, #tpu.memory_space<hbm>>
        %dma_start3A_800 = tpu.memref_squeeze %dma_start3A_799 : memref<1x128xi32, #tpu.memory_space<hbm>> -> memref<128xi32, #tpu.memory_space<hbm>>
        %dma_start3A_801 = arith.constant 0 : i32
        %dma_start3A_802 = tpu.memref_slice %arg8[%select_n3A_370, %dma_start3A_795, %dma_start3A_801] : memref<2x8x128xi32, #tpu.memory_space<vmem>> -> memref<1x1x128xi32, #tpu.memory_space<vmem>>
        %dma_start3A_803 = tpu.memref_squeeze %dma_start3A_802 : memref<1x1x128xi32, #tpu.memory_space<vmem>> -> memref<128xi32, #tpu.memory_space<vmem>>
        %dma_start3A_804 = tpu.memref_slice %arg3[%dma_start3A_794, %add3A_793] : memref<2x320000xi32, #tpu.memory_space<hbm>> -> memref<1x128xi32, #tpu.memory_space<hbm>>
        %dma_start3A_805 = tpu.memref_squeeze %dma_start3A_804 : memref<1x128xi32, #tpu.memory_space<hbm>> -> memref<128xi32, #tpu.memory_space<hbm>>
        tpu.enqueue_dma source(%dma_start3A_805 : memref<128xi32, #tpu.memory_space<hbm>>) target(%dma_start3A_803 : memref<128xi32, #tpu.memory_space<vmem>>) target_semaphore(%arg16 : memref<!tpu.dma_semaphore, #tpu.memory_space<semaphore_mem>>)
      } else {
      }
      %ge3A_403 = arith.constant 2496 : i32
      %ge3A_404 = arith.cmpi sge, %add3A_395, %ge3A_403 : i32
      %convert_element_type3A_405 = arith.extui %ge3A_404 : i1 to i32
      %cond3A_406 = arith.constant 0 : i32
      %cond3A_407 = arith.cmpi ne, %convert_element_type3A_405, %cond3A_406 : i32
      scf.if %cond3A_407 {
        %sub3A = arith.constant 319488 : i32
        %sub3A_683 = arith.subi %mul3A_397, %sub3A : i32
        %dma_start3A_684 = arith.constant 0 : i32
        %dma_start3A_685 = arith.constant 0 : i32
        %dma_start3A_686 = tpu.memref_slice %arg7[%select_n3A_370, %dma_start3A_685] : memref<2x1024xi32, #tpu.memory_space<vmem>> -> memref<1x1024xi32, #tpu.memory_space<vmem>>
        %dma_start3A_687 = tpu.memref_squeeze %dma_start3A_686 : memref<1x1024xi32, #tpu.memory_space<vmem>> -> memref<1024xi32, #tpu.memory_space<vmem>>
        %dma_start3A_688 = tpu.memref_slice %arg4[%dma_start3A_684, %sub3A_683] : memref<2x8192xi32, #tpu.memory_space<hbm>> -> memref<1x1024xi32, #tpu.memory_space<hbm>>
        %dma_start3A_689 = tpu.memref_squeeze %dma_start3A_688 : memref<1x1024xi32, #tpu.memory_space<hbm>> -> memref<1024xi32, #tpu.memory_space<hbm>>
        %dma_start3A_690 = arith.constant 0 : i32
        %dma_start3A_691 = tpu.memref_slice %arg7[%select_n3A_370, %dma_start3A_690] : memref<2x1024xi32, #tpu.memory_space<vmem>> -> memref<1x1024xi32, #tpu.memory_space<vmem>>
        %dma_start3A_692 = tpu.memref_squeeze %dma_start3A_691 : memref<1x1024xi32, #tpu.memory_space<vmem>> -> memref<1024xi32, #tpu.memory_space<vmem>>
        %dma_start3A_693 = tpu.memref_slice %arg4[%dma_start3A_684, %sub3A_683] : memref<2x8192xi32, #tpu.memory_space<hbm>> -> memref<1x1024xi32, #tpu.memory_space<hbm>>
        %dma_start3A_694 = tpu.memref_squeeze %dma_start3A_693 : memref<1x1024xi32, #tpu.memory_space<hbm>> -> memref<1024xi32, #tpu.memory_space<hbm>>
        tpu.enqueue_dma source(%dma_start3A_694 : memref<1024xi32, #tpu.memory_space<hbm>>) target(%dma_start3A_692 : memref<1024xi32, #tpu.memory_space<vmem>>) target_semaphore(%arg16 : memref<!tpu.dma_semaphore, #tpu.memory_space<semaphore_mem>>)
        %add3A_695 = arith.constant 0 : i32
        %add3A_696 = arith.addi %sub3A_683, %add3A_695 : i32
        %dma_start3A_697 = arith.constant 1 : i32
        %dma_start3A_698 = arith.constant 0 : i32
        %dma_start3A_699 = arith.constant 0 : i32
        %dma_start3A_700 = tpu.memref_slice %arg8[%select_n3A_370, %dma_start3A_698, %dma_start3A_699] : memref<2x8x128xi32, #tpu.memory_space<vmem>> -> memref<1x1x128xi32, #tpu.memory_space<vmem>>
        %dma_start3A_701 = tpu.memref_squeeze %dma_start3A_700 : memref<1x1x128xi32, #tpu.memory_space<vmem>> -> memref<128xi32, #tpu.memory_space<vmem>>
        %dma_start3A_702 = tpu.memref_slice %arg4[%dma_start3A_697, %add3A_696] : memref<2x8192xi32, #tpu.memory_space<hbm>> -> memref<1x128xi32, #tpu.memory_space<hbm>>
        %dma_start3A_703 = tpu.memref_squeeze %dma_start3A_702 : memref<1x128xi32, #tpu.memory_space<hbm>> -> memref<128xi32, #tpu.memory_space<hbm>>
        %dma_start3A_704 = arith.constant 0 : i32
        %dma_start3A_705 = tpu.memref_slice %arg8[%select_n3A_370, %dma_start3A_698, %dma_start3A_704] : memref<2x8x128xi32, #tpu.memory_space<vmem>> -> memref<1x1x128xi32, #tpu.memory_space<vmem>>
        %dma_start3A_706 = tpu.memref_squeeze %dma_start3A_705 : memref<1x1x128xi32, #tpu.memory_space<vmem>> -> memref<128xi32, #tpu.memory_space<vmem>>
        %dma_start3A_707 = tpu.memref_slice %arg4[%dma_start3A_697, %add3A_696] : memref<2x8192xi32, #tpu.memory_space<hbm>> -> memref<1x128xi32, #tpu.memory_space<hbm>>
        %dma_start3A_708 = tpu.memref_squeeze %dma_start3A_707 : memref<1x128xi32, #tpu.memory_space<hbm>> -> memref<128xi32, #tpu.memory_space<hbm>>
        tpu.enqueue_dma source(%dma_start3A_708 : memref<128xi32, #tpu.memory_space<hbm>>) target(%dma_start3A_706 : memref<128xi32, #tpu.memory_space<vmem>>) target_semaphore(%arg16 : memref<!tpu.dma_semaphore, #tpu.memory_space<semaphore_mem>>)
        %add3A_709 = arith.constant 128 : i32
        %add3A_710 = arith.addi %sub3A_683, %add3A_709 : i32
        %dma_start3A_711 = arith.constant 1 : i32
        %dma_start3A_712 = arith.constant 1 : i32
        %dma_start3A_713 = arith.constant 0 : i32
        %dma_start3A_714 = tpu.memref_slice %arg8[%select_n3A_370, %dma_start3A_712, %dma_start3A_713] : memref<2x8x128xi32, #tpu.memory_space<vmem>> -> memref<1x1x128xi32, #tpu.memory_space<vmem>>
        %dma_start3A_715 = tpu.memref_squeeze %dma_start3A_714 : memref<1x1x128xi32, #tpu.memory_space<vmem>> -> memref<128xi32, #tpu.memory_space<vmem>>
        %dma_start3A_716 = tpu.memref_slice %arg4[%dma_start3A_711, %add3A_710] : memref<2x8192xi32, #tpu.memory_space<hbm>> -> memref<1x128xi32, #tpu.memory_space<hbm>>
        %dma_start3A_717 = tpu.memref_squeeze %dma_start3A_716 : memref<1x128xi32, #tpu.memory_space<hbm>> -> memref<128xi32, #tpu.memory_space<hbm>>
        %dma_start3A_718 = arith.constant 0 : i32
        %dma_start3A_719 = tpu.memref_slice %arg8[%select_n3A_370, %dma_start3A_712, %dma_start3A_718] : memref<2x8x128xi32, #tpu.memory_space<vmem>> -> memref<1x1x128xi32, #tpu.memory_space<vmem>>
        %dma_start3A_720 = tpu.memref_squeeze %dma_start3A_719 : memref<1x1x128xi32, #tpu.memory_space<vmem>> -> memref<128xi32, #tpu.memory_space<vmem>>
        %dma_start3A_721 = tpu.memref_slice %arg4[%dma_start3A_711, %add3A_710] : memref<2x8192xi32, #tpu.memory_space<hbm>> -> memref<1x128xi32, #tpu.memory_space<hbm>>
        %dma_start3A_722 = tpu.memref_squeeze %dma_start3A_721 : memref<1x128xi32, #tpu.memory_space<hbm>> -> memref<128xi32, #tpu.memory_space<hbm>>
        tpu.enqueue_dma source(%dma_start3A_722 : memref<128xi32, #tpu.memory_space<hbm>>) target(%dma_start3A_720 : memref<128xi32, #tpu.memory_space<vmem>>) target_semaphore(%arg16 : memref<!tpu.dma_semaphore, #tpu.memory_space<semaphore_mem>>)
        %add3A_723 = arith.constant 256 : i32
        %add3A_724 = arith.addi %sub3A_683, %add3A_723 : i32
        %dma_start3A_725 = arith.constant 1 : i32
        %dma_start3A_726 = arith.constant 2 : i32
        %dma_start3A_727 = arith.constant 0 : i32
        %dma_start3A_728 = tpu.memref_slice %arg8[%select_n3A_370, %dma_start3A_726, %dma_start3A_727] : memref<2x8x128xi32, #tpu.memory_space<vmem>> -> memref<1x1x128xi32, #tpu.memory_space<vmem>>
        %dma_start3A_729 = tpu.memref_squeeze %dma_start3A_728 : memref<1x1x128xi32, #tpu.memory_space<vmem>> -> memref<128xi32, #tpu.memory_space<vmem>>
        %dma_start3A_730 = tpu.memref_slice %arg4[%dma_start3A_725, %add3A_724] : memref<2x8192xi32, #tpu.memory_space<hbm>> -> memref<1x128xi32, #tpu.memory_space<hbm>>
        %dma_start3A_731 = tpu.memref_squeeze %dma_start3A_730 : memref<1x128xi32, #tpu.memory_space<hbm>> -> memref<128xi32, #tpu.memory_space<hbm>>
        %dma_start3A_732 = arith.constant 0 : i32
        %dma_start3A_733 = tpu.memref_slice %arg8[%select_n3A_370, %dma_start3A_726, %dma_start3A_732] : memref<2x8x128xi32, #tpu.memory_space<vmem>> -> memref<1x1x128xi32, #tpu.memory_space<vmem>>
        %dma_start3A_734 = tpu.memref_squeeze %dma_start3A_733 : memref<1x1x128xi32, #tpu.memory_space<vmem>> -> memref<128xi32, #tpu.memory_space<vmem>>
        %dma_start3A_735 = tpu.memref_slice %arg4[%dma_start3A_725, %add3A_724] : memref<2x8192xi32, #tpu.memory_space<hbm>> -> memref<1x128xi32, #tpu.memory_space<hbm>>
        %dma_start3A_736 = tpu.memref_squeeze %dma_start3A_735 : memref<1x128xi32, #tpu.memory_space<hbm>> -> memref<128xi32, #tpu.memory_space<hbm>>
        tpu.enqueue_dma source(%dma_start3A_736 : memref<128xi32, #tpu.memory_space<hbm>>) target(%dma_start3A_734 : memref<128xi32, #tpu.memory_space<vmem>>) target_semaphore(%arg16 : memref<!tpu.dma_semaphore, #tpu.memory_space<semaphore_mem>>)
        %add3A_737 = arith.constant 384 : i32
        %add3A_738 = arith.addi %sub3A_683, %add3A_737 : i32
        %dma_start3A_739 = arith.constant 1 : i32
        %dma_start3A_740 = arith.constant 3 : i32
        %dma_start3A_741 = arith.constant 0 : i32
        %dma_start3A_742 = tpu.memref_slice %arg8[%select_n3A_370, %dma_start3A_740, %dma_start3A_741] : memref<2x8x128xi32, #tpu.memory_space<vmem>> -> memref<1x1x128xi32, #tpu.memory_space<vmem>>
        %dma_start3A_743 = tpu.memref_squeeze %dma_start3A_742 : memref<1x1x128xi32, #tpu.memory_space<vmem>> -> memref<128xi32, #tpu.memory_space<vmem>>
        %dma_start3A_744 = tpu.memref_slice %arg4[%dma_start3A_739, %add3A_738] : memref<2x8192xi32, #tpu.memory_space<hbm>> -> memref<1x128xi32, #tpu.memory_space<hbm>>
        %dma_start3A_745 = tpu.memref_squeeze %dma_start3A_744 : memref<1x128xi32, #tpu.memory_space<hbm>> -> memref<128xi32, #tpu.memory_space<hbm>>
        %dma_start3A_746 = arith.constant 0 : i32
        %dma_start3A_747 = tpu.memref_slice %arg8[%select_n3A_370, %dma_start3A_740, %dma_start3A_746] : memref<2x8x128xi32, #tpu.memory_space<vmem>> -> memref<1x1x128xi32, #tpu.memory_space<vmem>>
        %dma_start3A_748 = tpu.memref_squeeze %dma_start3A_747 : memref<1x1x128xi32, #tpu.memory_space<vmem>> -> memref<128xi32, #tpu.memory_space<vmem>>
        %dma_start3A_749 = tpu.memref_slice %arg4[%dma_start3A_739, %add3A_738] : memref<2x8192xi32, #tpu.memory_space<hbm>> -> memref<1x128xi32, #tpu.memory_space<hbm>>
        %dma_start3A_750 = tpu.memref_squeeze %dma_start3A_749 : memref<1x128xi32, #tpu.memory_space<hbm>> -> memref<128xi32, #tpu.memory_space<hbm>>
        tpu.enqueue_dma source(%dma_start3A_750 : memref<128xi32, #tpu.memory_space<hbm>>) target(%dma_start3A_748 : memref<128xi32, #tpu.memory_space<vmem>>) target_semaphore(%arg16 : memref<!tpu.dma_semaphore, #tpu.memory_space<semaphore_mem>>)
        %add3A_751 = arith.constant 512 : i32
        %add3A_752 = arith.addi %sub3A_683, %add3A_751 : i32
        %dma_start3A_753 = arith.constant 1 : i32
        %dma_start3A_754 = arith.constant 4 : i32
        %dma_start3A_755 = arith.constant 0 : i32
        %dma_start3A_756 = tpu.memref_slice %arg8[%select_n3A_370, %dma_start3A_754, %dma_start3A_755] : memref<2x8x128xi32, #tpu.memory_space<vmem>> -> memref<1x1x128xi32, #tpu.memory_space<vmem>>
        %dma_start3A_757 = tpu.memref_squeeze %dma_start3A_756 : memref<1x1x128xi32, #tpu.memory_space<vmem>> -> memref<128xi32, #tpu.memory_space<vmem>>
        %dma_start3A_758 = tpu.memref_slice %arg4[%dma_start3A_753, %add3A_752] : memref<2x8192xi32, #tpu.memory_space<hbm>> -> memref<1x128xi32, #tpu.memory_space<hbm>>
        %dma_start3A_759 = tpu.memref_squeeze %dma_start3A_758 : memref<1x128xi32, #tpu.memory_space<hbm>> -> memref<128xi32, #tpu.memory_space<hbm>>
        %dma_start3A_760 = arith.constant 0 : i32
        %dma_start3A_761 = tpu.memref_slice %arg8[%select_n3A_370, %dma_start3A_754, %dma_start3A_760] : memref<2x8x128xi32, #tpu.memory_space<vmem>> -> memref<1x1x128xi32, #tpu.memory_space<vmem>>
        %dma_start3A_762 = tpu.memref_squeeze %dma_start3A_761 : memref<1x1x128xi32, #tpu.memory_space<vmem>> -> memref<128xi32, #tpu.memory_space<vmem>>
        %dma_start3A_763 = tpu.memref_slice %arg4[%dma_start3A_753, %add3A_752] : memref<2x8192xi32, #tpu.memory_space<hbm>> -> memref<1x128xi32, #tpu.memory_space<hbm>>
        %dma_start3A_764 = tpu.memref_squeeze %dma_start3A_763 : memref<1x128xi32, #tpu.memory_space<hbm>> -> memref<128xi32, #tpu.memory_space<hbm>>
        tpu.enqueue_dma source(%dma_start3A_764 : memref<128xi32, #tpu.memory_space<hbm>>) target(%dma_start3A_762 : memref<128xi32, #tpu.memory_space<vmem>>) target_semaphore(%arg16 : memref<!tpu.dma_semaphore, #tpu.memory_space<semaphore_mem>>)
        %add3A_765 = arith.constant 640 : i32
        %add3A_766 = arith.addi %sub3A_683, %add3A_765 : i32
        %dma_start3A_767 = arith.constant 1 : i32
        %dma_start3A_768 = arith.constant 5 : i32
        %dma_start3A_769 = arith.constant 0 : i32
        %dma_start3A_770 = tpu.memref_slice %arg8[%select_n3A_370, %dma_start3A_768, %dma_start3A_769] : memref<2x8x128xi32, #tpu.memory_space<vmem>> -> memref<1x1x128xi32, #tpu.memory_space<vmem>>
        %dma_start3A_771 = tpu.memref_squeeze %dma_start3A_770 : memref<1x1x128xi32, #tpu.memory_space<vmem>> -> memref<128xi32, #tpu.memory_space<vmem>>
        %dma_start3A_772 = tpu.memref_slice %arg4[%dma_start3A_767, %add3A_766] : memref<2x8192xi32, #tpu.memory_space<hbm>> -> memref<1x128xi32, #tpu.memory_space<hbm>>
        %dma_start3A_773 = tpu.memref_squeeze %dma_start3A_772 : memref<1x128xi32, #tpu.memory_space<hbm>> -> memref<128xi32, #tpu.memory_space<hbm>>
        %dma_start3A_774 = arith.constant 0 : i32
        %dma_start3A_775 = tpu.memref_slice %arg8[%select_n3A_370, %dma_start3A_768, %dma_start3A_774] : memref<2x8x128xi32, #tpu.memory_space<vmem>> -> memref<1x1x128xi32, #tpu.memory_space<vmem>>
        %dma_start3A_776 = tpu.memref_squeeze %dma_start3A_775 : memref<1x1x128xi32, #tpu.memory_space<vmem>> -> memref<128xi32, #tpu.memory_space<vmem>>
        %dma_start3A_777 = tpu.memref_slice %arg4[%dma_start3A_767, %add3A_766] : memref<2x8192xi32, #tpu.memory_space<hbm>> -> memref<1x128xi32, #tpu.memory_space<hbm>>
        %dma_start3A_778 = tpu.memref_squeeze %dma_start3A_777 : memref<1x128xi32, #tpu.memory_space<hbm>> -> memref<128xi32, #tpu.memory_space<hbm>>
        tpu.enqueue_dma source(%dma_start3A_778 : memref<128xi32, #tpu.memory_space<hbm>>) target(%dma_start3A_776 : memref<128xi32, #tpu.memory_space<vmem>>) target_semaphore(%arg16 : memref<!tpu.dma_semaphore, #tpu.memory_space<semaphore_mem>>)
        %add3A_779 = arith.constant 768 : i32
        %add3A_780 = arith.addi %sub3A_683, %add3A_779 : i32
        %dma_start3A_781 = arith.constant 1 : i32
        %dma_start3A_782 = arith.constant 6 : i32
        %dma_start3A_783 = arith.constant 0 : i32
        %dma_start3A_784 = tpu.memref_slice %arg8[%select_n3A_370, %dma_start3A_782, %dma_start3A_783] : memref<2x8x128xi32, #tpu.memory_space<vmem>> -> memref<1x1x128xi32, #tpu.memory_space<vmem>>
        %dma_start3A_785 = tpu.memref_squeeze %dma_start3A_784 : memref<1x1x128xi32, #tpu.memory_space<vmem>> -> memref<128xi32, #tpu.memory_space<vmem>>
        %dma_start3A_786 = tpu.memref_slice %arg4[%dma_start3A_781, %add3A_780] : memref<2x8192xi32, #tpu.memory_space<hbm>> -> memref<1x128xi32, #tpu.memory_space<hbm>>
        %dma_start3A_787 = tpu.memref_squeeze %dma_start3A_786 : memref<1x128xi32, #tpu.memory_space<hbm>> -> memref<128xi32, #tpu.memory_space<hbm>>
        %dma_start3A_788 = arith.constant 0 : i32
        %dma_start3A_789 = tpu.memref_slice %arg8[%select_n3A_370, %dma_start3A_782, %dma_start3A_788] : memref<2x8x128xi32, #tpu.memory_space<vmem>> -> memref<1x1x128xi32, #tpu.memory_space<vmem>>
        %dma_start3A_790 = tpu.memref_squeeze %dma_start3A_789 : memref<1x1x128xi32, #tpu.memory_space<vmem>> -> memref<128xi32, #tpu.memory_space<vmem>>
        %dma_start3A_791 = tpu.memref_slice %arg4[%dma_start3A_781, %add3A_780] : memref<2x8192xi32, #tpu.memory_space<hbm>> -> memref<1x128xi32, #tpu.memory_space<hbm>>
        %dma_start3A_792 = tpu.memref_squeeze %dma_start3A_791 : memref<1x128xi32, #tpu.memory_space<hbm>> -> memref<128xi32, #tpu.memory_space<hbm>>
        tpu.enqueue_dma source(%dma_start3A_792 : memref<128xi32, #tpu.memory_space<hbm>>) target(%dma_start3A_790 : memref<128xi32, #tpu.memory_space<vmem>>) target_semaphore(%arg16 : memref<!tpu.dma_semaphore, #tpu.memory_space<semaphore_mem>>)
        %add3A_793 = arith.constant 896 : i32
        %add3A_794 = arith.addi %sub3A_683, %add3A_793 : i32
        %dma_start3A_795 = arith.constant 1 : i32
        %dma_start3A_796 = arith.constant 7 : i32
        %dma_start3A_797 = arith.constant 0 : i32
        %dma_start3A_798 = tpu.memref_slice %arg8[%select_n3A_370, %dma_start3A_796, %dma_start3A_797] : memref<2x8x128xi32, #tpu.memory_space<vmem>> -> memref<1x1x128xi32, #tpu.memory_space<vmem>>
        %dma_start3A_799 = tpu.memref_squeeze %dma_start3A_798 : memref<1x1x128xi32, #tpu.memory_space<vmem>> -> memref<128xi32, #tpu.memory_space<vmem>>
        %dma_start3A_800 = tpu.memref_slice %arg4[%dma_start3A_795, %add3A_794] : memref<2x8192xi32, #tpu.memory_space<hbm>> -> memref<1x128xi32, #tpu.memory_space<hbm>>
        %dma_start3A_801 = tpu.memref_squeeze %dma_start3A_800 : memref<1x128xi32, #tpu.memory_space<hbm>> -> memref<128xi32, #tpu.memory_space<hbm>>
        %dma_start3A_802 = arith.constant 0 : i32
        %dma_start3A_803 = tpu.memref_slice %arg8[%select_n3A_370, %dma_start3A_796, %dma_start3A_802] : memref<2x8x128xi32, #tpu.memory_space<vmem>> -> memref<1x1x128xi32, #tpu.memory_space<vmem>>
        %dma_start3A_804 = tpu.memref_squeeze %dma_start3A_803 : memref<1x1x128xi32, #tpu.memory_space<vmem>> -> memref<128xi32, #tpu.memory_space<vmem>>
        %dma_start3A_805 = tpu.memref_slice %arg4[%dma_start3A_795, %add3A_794] : memref<2x8192xi32, #tpu.memory_space<hbm>> -> memref<1x128xi32, #tpu.memory_space<hbm>>
        %dma_start3A_806 = tpu.memref_squeeze %dma_start3A_805 : memref<1x128xi32, #tpu.memory_space<hbm>> -> memref<128xi32, #tpu.memory_space<hbm>>
        tpu.enqueue_dma source(%dma_start3A_806 : memref<128xi32, #tpu.memory_space<hbm>>) target(%dma_start3A_804 : memref<128xi32, #tpu.memory_space<vmem>>) target_semaphore(%arg16 : memref<!tpu.dma_semaphore, #tpu.memory_space<semaphore_mem>>)
      } else {
      }
      %dma_wait3A_408 = arith.constant 0 : i32
      %dma_wait3A_409 = arith.constant 0 : i32
      %dma_wait3A_410 = tpu.memref_slice %arg9[%scan3A_248, %dma_wait3A_408, %dma_wait3A_409] : memref<2x128x128xf32, #tpu.memory_space<vmem>> -> memref<1x128x128xf32, #tpu.memory_space<vmem>>
      %dma_wait3A_411 = tpu.memref_squeeze %dma_wait3A_410 : memref<1x128x128xf32, #tpu.memory_space<vmem>> -> memref<128x128xf32, #tpu.memory_space<vmem>>
      %dma_wait3A_412 = arith.constant 0 : i32
      %dma_wait3A_413 = arith.constant 0 : i32
      %dma_wait3A_414 = tpu.memref_slice %arg2[%dma_wait3A_412, %dma_wait3A_413] : memref<10000x128xf32, #tpu.memory_space<hbm>> -> memref<128x128xf32, #tpu.memory_space<hbm>>
      %dma_wait3A_415 = arith.constant 0 : i32
      %dma_wait3A_416 = arith.constant 0 : i32
      %dma_wait3A_417 = tpu.memref_slice %arg9[%scan3A_248, %dma_wait3A_415, %dma_wait3A_416] : memref<2x128x128xf32, #tpu.memory_space<vmem>> -> memref<1x128x128xf32, #tpu.memory_space<vmem>>
      %dma_wait3A_418 = tpu.memref_squeeze %dma_wait3A_417 : memref<1x128x128xf32, #tpu.memory_space<vmem>> -> memref<128x128xf32, #tpu.memory_space<vmem>>
      %dma_wait3A_419 = arith.constant 0 : i32
      %dma_wait3A_420 = arith.constant 0 : i32
      %dma_wait3A_421 = tpu.memref_slice %arg2[%dma_wait3A_419, %dma_wait3A_420] : memref<10000x128xf32, #tpu.memory_space<hbm>> -> memref<128x128xf32, #tpu.memory_space<hbm>>
      tpu.wait_dma2 semaphore(%arg14 : memref<!tpu.dma_semaphore, #tpu.memory_space<semaphore_mem>>) src(%dma_wait3A_421 : memref<128x128xf32, #tpu.memory_space<hbm>>) dst(%dma_wait3A_418 : memref<128x128xf32, #tpu.memory_space<vmem>>)
      %run_scoped3A = arith.constant 0 : i32
      "tpu.region"() ({
        %run_scoped3A_683 = tpu.sem_alloc : memref<!tpu.dma_semaphore, #tpu.memory_space<semaphore_mem>>
        %dma_start3A_684 = arith.constant 0 : i32
        %dma_start3A_685 = arith.constant 0 : i32
        %dma_start3A_686 = tpu.memref_slice %arg9[%scan3A_248, %dma_start3A_684, %dma_start3A_685] : memref<2x128x128xf32, #tpu.memory_space<vmem>> -> memref<1x128x128xf32, #tpu.memory_space<vmem>>
        %dma_start3A_687 = tpu.memref_squeeze %dma_start3A_686 : memref<1x128x128xf32, #tpu.memory_space<vmem>> -> memref<128x128xf32, #tpu.memory_space<vmem>>
        %dma_start3A_688 = arith.constant 0 : i32
        %dma_start3A_689 = tpu.memref_slice %arg8[%select_n3A_352, %run_scoped3A, %dma_start3A_688] : memref<2x8x128xi32, #tpu.memory_space<vmem>> -> memref<1x1x128xi32, #tpu.memory_space<vmem>>
        %dma_start3A_690 = tpu.memref_squeeze %dma_start3A_689 : memref<1x1x128xi32, #tpu.memory_space<vmem>> -> memref<128xi32, #tpu.memory_space<vmem>>
        %dma_start3A_691 = arith.constant 0 : i32
        %dma_start3A_692 = arith.constant 0 : i32
        %dma_start3A_693 = tpu.memref_slice %arg12[%dma_start3A_691, %dma_start3A_692] : memref<10240x128xf32, #tpu.memory_space<vmem_shared>> -> memref<10240x128xf32, #tpu.memory_space<vmem_shared>>
        tpu.enqueue_indirect_dma source(%dma_start3A_687 : memref<128x128xf32, #tpu.memory_space<vmem>>) target(%dma_start3A_693 : memref<10240x128xf32, #tpu.memory_space<vmem_shared>>) offsets(%dma_start3A_690 : memref<128xi32, #tpu.memory_space<vmem>>) semaphore(%run_scoped3A_683 : memref<!tpu.dma_semaphore, #tpu.memory_space<semaphore_mem>>) {add = true}
        %dma_wait3A_694 = arith.constant 0 : i32
        %dma_wait3A_695 = arith.constant 0 : i32
        %dma_wait3A_696 = tpu.memref_slice %arg9[%scan3A_248, %dma_wait3A_694, %dma_wait3A_695] : memref<2x128x128xf32, #tpu.memory_space<vmem>> -> memref<1x128x128xf32, #tpu.memory_space<vmem>>
        %dma_wait3A_697 = tpu.memref_squeeze %dma_wait3A_696 : memref<1x128x128xf32, #tpu.memory_space<vmem>> -> memref<128x128xf32, #tpu.memory_space<vmem>>
        %dma_wait3A_698 = arith.constant 0 : i32
        %dma_wait3A_699 = tpu.memref_slice %arg8[%select_n3A_352, %run_scoped3A, %dma_wait3A_698] : memref<2x8x128xi32, #tpu.memory_space<vmem>> -> memref<1x1x128xi32, #tpu.memory_space<vmem>>
        %dma_wait3A_700 = tpu.memref_squeeze %dma_wait3A_699 : memref<1x1x128xi32, #tpu.memory_space<vmem>> -> memref<128xi32, #tpu.memory_space<vmem>>
        %dma_wait3A_701 = arith.constant 0 : i32
        %dma_wait3A_702 = arith.constant 0 : i32
        %dma_wait3A_703 = tpu.memref_slice %arg12[%dma_wait3A_701, %dma_wait3A_702] : memref<10240x128xf32, #tpu.memory_space<vmem_shared>> -> memref<10240x128xf32, #tpu.memory_space<vmem_shared>>
        tpu.wait_indirect_dma semaphore(%run_scoped3A_683 : memref<!tpu.dma_semaphore, #tpu.memory_space<semaphore_mem>>) src(%dma_wait3A_697 : memref<128x128xf32, #tpu.memory_space<vmem>>) dst(%dma_wait3A_703 : memref<10240x128xf32, #tpu.memory_space<vmem_shared>>)
        tpu.yield
      }) : () -> ()
      %dma_start3A_422 = arith.constant 0 : i32
      %dma_start3A_423 = arith.constant 0 : i32
      %dma_start3A_424 = tpu.memref_slice %arg8[%select_n3A_352, %dma_start3A_422, %dma_start3A_423] : memref<2x8x128xi32, #tpu.memory_space<vmem>> -> memref<1x1x128xi32, #tpu.memory_space<vmem>>
      %dma_start3A_425 = tpu.memref_squeeze %dma_start3A_424 : memref<1x1x128xi32, #tpu.memory_space<vmem>> -> memref<128xi32, #tpu.memory_space<vmem>>
      %dma_start3A_426 = arith.constant 0 : i32
      %dma_start3A_427 = tpu.memref_slice %arg13[%dma_start3A_426] : memref<10240xf32, #tpu.memory_space<vmem_shared>> -> memref<10240xf32, #tpu.memory_space<vmem_shared>>
      tpu.enqueue_indirect_dma source(%arg10 : memref<128xf32, #tpu.memory_space<vmem>>) target(%dma_start3A_427 : memref<10240xf32, #tpu.memory_space<vmem_shared>>) offsets(%dma_start3A_425 : memref<128xi32, #tpu.memory_space<vmem>>) semaphore(%arg15 : memref<!tpu.dma_semaphore, #tpu.memory_space<semaphore_mem>>) {add = true}
      %dma_start3A_428 = arith.constant 0 : i32
      %dma_start3A_429 = arith.constant 0 : i32
      %dma_start3A_430 = tpu.memref_slice %arg9[%scan3A_248, %dma_start3A_428, %dma_start3A_429] : memref<2x128x128xf32, #tpu.memory_space<vmem>> -> memref<1x128x128xf32, #tpu.memory_space<vmem>>
      %dma_start3A_431 = tpu.memref_squeeze %dma_start3A_430 : memref<1x128x128xf32, #tpu.memory_space<vmem>> -> memref<128x128xf32, #tpu.memory_space<vmem>>
      %dma_start3A_432 = arith.constant 256 : i32
      %dma_start3A_433 = tpu.memref_slice %arg7[%select_n3A_352, %dma_start3A_432] : memref<2x1024xi32, #tpu.memory_space<vmem>> -> memref<1x128xi32, #tpu.memory_space<vmem>>
      %dma_start3A_434 = tpu.memref_squeeze %dma_start3A_433 : memref<1x128xi32, #tpu.memory_space<vmem>> -> memref<128xi32, #tpu.memory_space<vmem>>
      %dma_start3A_435 = arith.constant 0 : i32
      %dma_start3A_436 = arith.constant 0 : i32
      %dma_start3A_437 = tpu.memref_slice %arg2[%dma_start3A_435, %dma_start3A_436] : memref<10000x128xf32, #tpu.memory_space<hbm>> -> memref<10000x128xf32, #tpu.memory_space<hbm>>
      tpu.enqueue_indirect_dma source(%dma_start3A_437 : memref<10000x128xf32, #tpu.memory_space<hbm>>) target(%dma_start3A_431 : memref<128x128xf32, #tpu.memory_space<vmem>>) offsets(%dma_start3A_434 : memref<128xi32, #tpu.memory_space<vmem>>) semaphore(%arg14 : memref<!tpu.dma_semaphore, #tpu.memory_space<semaphore_mem>>)
      %dma_wait3A_438 = arith.constant 0 : i32
      %dma_wait3A_439 = arith.constant 0 : i32
      %dma_wait3A_440 = tpu.memref_slice %arg9[%scan3A_248, %dma_wait3A_438, %dma_wait3A_439] : memref<2x128x128xf32, #tpu.memory_space<vmem>> -> memref<1x128x128xf32, #tpu.memory_space<vmem>>
      %dma_wait3A_441 = tpu.memref_squeeze %dma_wait3A_440 : memref<1x128x128xf32, #tpu.memory_space<vmem>> -> memref<128x128xf32, #tpu.memory_space<vmem>>
      %dma_wait3A_442 = arith.constant 0 : i32
      %dma_wait3A_443 = arith.constant 0 : i32
      %dma_wait3A_444 = tpu.memref_slice %arg2[%dma_wait3A_442, %dma_wait3A_443] : memref<10000x128xf32, #tpu.memory_space<hbm>> -> memref<128x128xf32, #tpu.memory_space<hbm>>
      %dma_wait3A_445 = arith.constant 0 : i32
      %dma_wait3A_446 = arith.constant 0 : i32
      %dma_wait3A_447 = tpu.memref_slice %arg9[%scan3A_248, %dma_wait3A_445, %dma_wait3A_446] : memref<2x128x128xf32, #tpu.memory_space<vmem>> -> memref<1x128x128xf32, #tpu.memory_space<vmem>>
      %dma_wait3A_448 = tpu.memref_squeeze %dma_wait3A_447 : memref<1x128x128xf32, #tpu.memory_space<vmem>> -> memref<128x128xf32, #tpu.memory_space<vmem>>
      %dma_wait3A_449 = arith.constant 0 : i32
      %dma_wait3A_450 = arith.constant 0 : i32
      %dma_wait3A_451 = tpu.memref_slice %arg2[%dma_wait3A_449, %dma_wait3A_450] : memref<10000x128xf32, #tpu.memory_space<hbm>> -> memref<128x128xf32, #tpu.memory_space<hbm>>
      tpu.wait_dma2 semaphore(%arg14 : memref<!tpu.dma_semaphore, #tpu.memory_space<semaphore_mem>>) src(%dma_wait3A_451 : memref<128x128xf32, #tpu.memory_space<hbm>>) dst(%dma_wait3A_448 : memref<128x128xf32, #tpu.memory_space<vmem>>)
      %run_scoped3A_452 = arith.constant 1 : i32
      "tpu.region"() ({
        %run_scoped3A_683 = tpu.sem_alloc : memref<!tpu.dma_semaphore, #tpu.memory_space<semaphore_mem>>
        %dma_start3A_684 = arith.constant 0 : i32
        %dma_start3A_685 = arith.constant 0 : i32
        %dma_start3A_686 = tpu.memref_slice %arg9[%scan3A_249, %dma_start3A_684, %dma_start3A_685] : memref<2x128x128xf32, #tpu.memory_space<vmem>> -> memref<1x128x128xf32, #tpu.memory_space<vmem>>
        %dma_start3A_687 = tpu.memref_squeeze %dma_start3A_686 : memref<1x128x128xf32, #tpu.memory_space<vmem>> -> memref<128x128xf32, #tpu.memory_space<vmem>>
        %dma_start3A_688 = arith.constant 0 : i32
        %dma_start3A_689 = tpu.memref_slice %arg8[%select_n3A_352, %run_scoped3A_452, %dma_start3A_688] : memref<2x8x128xi32, #tpu.memory_space<vmem>> -> memref<1x1x128xi32, #tpu.memory_space<vmem>>
        %dma_start3A_690 = tpu.memref_squeeze %dma_start3A_689 : memref<1x1x128xi32, #tpu.memory_space<vmem>> -> memref<128xi32, #tpu.memory_space<vmem>>
        %dma_start3A_691 = arith.constant 0 : i32
        %dma_start3A_692 = arith.constant 0 : i32
        %dma_start3A_693 = tpu.memref_slice %arg12[%dma_start3A_691, %dma_start3A_692] : memref<10240x128xf32, #tpu.memory_space<vmem_shared>> -> memref<10240x128xf32, #tpu.memory_space<vmem_shared>>
        tpu.enqueue_indirect_dma source(%dma_start3A_687 : memref<128x128xf32, #tpu.memory_space<vmem>>) target(%dma_start3A_693 : memref<10240x128xf32, #tpu.memory_space<vmem_shared>>) offsets(%dma_start3A_690 : memref<128xi32, #tpu.memory_space<vmem>>) semaphore(%run_scoped3A_683 : memref<!tpu.dma_semaphore, #tpu.memory_space<semaphore_mem>>) {add = true}
        %dma_wait3A_694 = arith.constant 0 : i32
        %dma_wait3A_695 = arith.constant 0 : i32
        %dma_wait3A_696 = tpu.memref_slice %arg9[%scan3A_249, %dma_wait3A_694, %dma_wait3A_695] : memref<2x128x128xf32, #tpu.memory_space<vmem>> -> memref<1x128x128xf32, #tpu.memory_space<vmem>>
        %dma_wait3A_697 = tpu.memref_squeeze %dma_wait3A_696 : memref<1x128x128xf32, #tpu.memory_space<vmem>> -> memref<128x128xf32, #tpu.memory_space<vmem>>
        %dma_wait3A_698 = arith.constant 0 : i32
        %dma_wait3A_699 = tpu.memref_slice %arg8[%select_n3A_352, %run_scoped3A_452, %dma_wait3A_698] : memref<2x8x128xi32, #tpu.memory_space<vmem>> -> memref<1x1x128xi32, #tpu.memory_space<vmem>>
        %dma_wait3A_700 = tpu.memref_squeeze %dma_wait3A_699 : memref<1x1x128xi32, #tpu.memory_space<vmem>> -> memref<128xi32, #tpu.memory_space<vmem>>
        %dma_wait3A_701 = arith.constant 0 : i32
        %dma_wait3A_702 = arith.constant 0 : i32
        %dma_wait3A_703 = tpu.memref_slice %arg12[%dma_wait3A_701, %dma_wait3A_702] : memref<10240x128xf32, #tpu.memory_space<vmem_shared>> -> memref<10240x128xf32, #tpu.memory_space<vmem_shared>>
        tpu.wait_indirect_dma semaphore(%run_scoped3A_683 : memref<!tpu.dma_semaphore, #tpu.memory_space<semaphore_mem>>) src(%dma_wait3A_697 : memref<128x128xf32, #tpu.memory_space<vmem>>) dst(%dma_wait3A_703 : memref<10240x128xf32, #tpu.memory_space<vmem_shared>>)
        tpu.yield
      }) : () -> ()
      %dma_start3A_453 = arith.constant 1 : i32
      %dma_start3A_454 = arith.constant 0 : i32
      %dma_start3A_455 = tpu.memref_slice %arg8[%select_n3A_352, %dma_start3A_453, %dma_start3A_454] : memref<2x8x128xi32, #tpu.memory_space<vmem>> -> memref<1x1x128xi32, #tpu.memory_space<vmem>>
      %dma_start3A_456 = tpu.memref_squeeze %dma_start3A_455 : memref<1x1x128xi32, #tpu.memory_space<vmem>> -> memref<128xi32, #tpu.memory_space<vmem>>
      %dma_start3A_457 = arith.constant 0 : i32
      %dma_start3A_458 = tpu.memref_slice %arg13[%dma_start3A_457] : memref<10240xf32, #tpu.memory_space<vmem_shared>> -> memref<10240xf32, #tpu.memory_space<vmem_shared>>
      tpu.enqueue_indirect_dma source(%arg10 : memref<128xf32, #tpu.memory_space<vmem>>) target(%dma_start3A_458 : memref<10240xf32, #tpu.memory_space<vmem_shared>>) offsets(%dma_start3A_456 : memref<128xi32, #tpu.memory_space<vmem>>) semaphore(%arg15 : memref<!tpu.dma_semaphore, #tpu.memory_space<semaphore_mem>>) {add = true}
      %dma_start3A_459 = arith.constant 0 : i32
      %dma_start3A_460 = arith.constant 0 : i32
      %dma_start3A_461 = tpu.memref_slice %arg9[%scan3A_249, %dma_start3A_459, %dma_start3A_460] : memref<2x128x128xf32, #tpu.memory_space<vmem>> -> memref<1x128x128xf32, #tpu.memory_space<vmem>>
      %dma_start3A_462 = tpu.memref_squeeze %dma_start3A_461 : memref<1x128x128xf32, #tpu.memory_space<vmem>> -> memref<128x128xf32, #tpu.memory_space<vmem>>
      %dma_start3A_463 = arith.constant 384 : i32
      %dma_start3A_464 = tpu.memref_slice %arg7[%select_n3A_352, %dma_start3A_463] : memref<2x1024xi32, #tpu.memory_space<vmem>> -> memref<1x128xi32, #tpu.memory_space<vmem>>
      %dma_start3A_465 = tpu.memref_squeeze %dma_start3A_464 : memref<1x128xi32, #tpu.memory_space<vmem>> -> memref<128xi32, #tpu.memory_space<vmem>>
      %dma_start3A_466 = arith.constant 0 : i32
      %dma_start3A_467 = arith.constant 0 : i32
      %dma_start3A_468 = tpu.memref_slice %arg2[%dma_start3A_466, %dma_start3A_467] : memref<10000x128xf32, #tpu.memory_space<hbm>> -> memref<10000x128xf32, #tpu.memory_space<hbm>>
      tpu.enqueue_indirect_dma source(%dma_start3A_468 : memref<10000x128xf32, #tpu.memory_space<hbm>>) target(%dma_start3A_462 : memref<128x128xf32, #tpu.memory_space<vmem>>) offsets(%dma_start3A_465 : memref<128xi32, #tpu.memory_space<vmem>>) semaphore(%arg14 : memref<!tpu.dma_semaphore, #tpu.memory_space<semaphore_mem>>)
      %dma_wait3A_469 = arith.constant 0 : i32
      %dma_wait3A_470 = arith.constant 0 : i32
      %dma_wait3A_471 = tpu.memref_slice %arg9[%scan3A_248, %dma_wait3A_469, %dma_wait3A_470] : memref<2x128x128xf32, #tpu.memory_space<vmem>> -> memref<1x128x128xf32, #tpu.memory_space<vmem>>
      %dma_wait3A_472 = tpu.memref_squeeze %dma_wait3A_471 : memref<1x128x128xf32, #tpu.memory_space<vmem>> -> memref<128x128xf32, #tpu.memory_space<vmem>>
      %dma_wait3A_473 = arith.constant 0 : i32
      %dma_wait3A_474 = arith.constant 0 : i32
      %dma_wait3A_475 = tpu.memref_slice %arg2[%dma_wait3A_473, %dma_wait3A_474] : memref<10000x128xf32, #tpu.memory_space<hbm>> -> memref<128x128xf32, #tpu.memory_space<hbm>>
      %dma_wait3A_476 = arith.constant 0 : i32
      %dma_wait3A_477 = arith.constant 0 : i32
      %dma_wait3A_478 = tpu.memref_slice %arg9[%scan3A_248, %dma_wait3A_476, %dma_wait3A_477] : memref<2x128x128xf32, #tpu.memory_space<vmem>> -> memref<1x128x128xf32, #tpu.memory_space<vmem>>
      %dma_wait3A_479 = tpu.memref_squeeze %dma_wait3A_478 : memref<1x128x128xf32, #tpu.memory_space<vmem>> -> memref<128x128xf32, #tpu.memory_space<vmem>>
      %dma_wait3A_480 = arith.constant 0 : i32
      %dma_wait3A_481 = arith.constant 0 : i32
      %dma_wait3A_482 = tpu.memref_slice %arg2[%dma_wait3A_480, %dma_wait3A_481] : memref<10000x128xf32, #tpu.memory_space<hbm>> -> memref<128x128xf32, #tpu.memory_space<hbm>>
      tpu.wait_dma2 semaphore(%arg14 : memref<!tpu.dma_semaphore, #tpu.memory_space<semaphore_mem>>) src(%dma_wait3A_482 : memref<128x128xf32, #tpu.memory_space<hbm>>) dst(%dma_wait3A_479 : memref<128x128xf32, #tpu.memory_space<vmem>>)
      %run_scoped3A_483 = arith.constant 2 : i32
      "tpu.region"() ({
        %run_scoped3A_683 = tpu.sem_alloc : memref<!tpu.dma_semaphore, #tpu.memory_space<semaphore_mem>>
        %dma_start3A_684 = arith.constant 0 : i32
        %dma_start3A_685 = arith.constant 0 : i32
        %dma_start3A_686 = tpu.memref_slice %arg9[%scan3A_248, %dma_start3A_684, %dma_start3A_685] : memref<2x128x128xf32, #tpu.memory_space<vmem>> -> memref<1x128x128xf32, #tpu.memory_space<vmem>>
        %dma_start3A_687 = tpu.memref_squeeze %dma_start3A_686 : memref<1x128x128xf32, #tpu.memory_space<vmem>> -> memref<128x128xf32, #tpu.memory_space<vmem>>
        %dma_start3A_688 = arith.constant 0 : i32
        %dma_start3A_689 = tpu.memref_slice %arg8[%select_n3A_352, %run_scoped3A_483, %dma_start3A_688] : memref<2x8x128xi32, #tpu.memory_space<vmem>> -> memref<1x1x128xi32, #tpu.memory_space<vmem>>
        %dma_start3A_690 = tpu.memref_squeeze %dma_start3A_689 : memref<1x1x128xi32, #tpu.memory_space<vmem>> -> memref<128xi32, #tpu.memory_space<vmem>>
        %dma_start3A_691 = arith.constant 0 : i32
        %dma_start3A_692 = arith.constant 0 : i32
        %dma_start3A_693 = tpu.memref_slice %arg12[%dma_start3A_691, %dma_start3A_692] : memref<10240x128xf32, #tpu.memory_space<vmem_shared>> -> memref<10240x128xf32, #tpu.memory_space<vmem_shared>>
        tpu.enqueue_indirect_dma source(%dma_start3A_687 : memref<128x128xf32, #tpu.memory_space<vmem>>) target(%dma_start3A_693 : memref<10240x128xf32, #tpu.memory_space<vmem_shared>>) offsets(%dma_start3A_690 : memref<128xi32, #tpu.memory_space<vmem>>) semaphore(%run_scoped3A_683 : memref<!tpu.dma_semaphore, #tpu.memory_space<semaphore_mem>>) {add = true}
        %dma_wait3A_694 = arith.constant 0 : i32
        %dma_wait3A_695 = arith.constant 0 : i32
        %dma_wait3A_696 = tpu.memref_slice %arg9[%scan3A_248, %dma_wait3A_694, %dma_wait3A_695] : memref<2x128x128xf32, #tpu.memory_space<vmem>> -> memref<1x128x128xf32, #tpu.memory_space<vmem>>
        %dma_wait3A_697 = tpu.memref_squeeze %dma_wait3A_696 : memref<1x128x128xf32, #tpu.memory_space<vmem>> -> memref<128x128xf32, #tpu.memory_space<vmem>>
        %dma_wait3A_698 = arith.constant 0 : i32
        %dma_wait3A_699 = tpu.memref_slice %arg8[%select_n3A_352, %run_scoped3A_483, %dma_wait3A_698] : memref<2x8x128xi32, #tpu.memory_space<vmem>> -> memref<1x1x128xi32, #tpu.memory_space<vmem>>
        %dma_wait3A_700 = tpu.memref_squeeze %dma_wait3A_699 : memref<1x1x128xi32, #tpu.memory_space<vmem>> -> memref<128xi32, #tpu.memory_space<vmem>>
        %dma_wait3A_701 = arith.constant 0 : i32
        %dma_wait3A_702 = arith.constant 0 : i32
        %dma_wait3A_703 = tpu.memref_slice %arg12[%dma_wait3A_701, %dma_wait3A_702] : memref<10240x128xf32, #tpu.memory_space<vmem_shared>> -> memref<10240x128xf32, #tpu.memory_space<vmem_shared>>
        tpu.wait_indirect_dma semaphore(%run_scoped3A_683 : memref<!tpu.dma_semaphore, #tpu.memory_space<semaphore_mem>>) src(%dma_wait3A_697 : memref<128x128xf32, #tpu.memory_space<vmem>>) dst(%dma_wait3A_703 : memref<10240x128xf32, #tpu.memory_space<vmem_shared>>)
        tpu.yield
      }) : () -> ()
      %dma_start3A_484 = arith.constant 2 : i32
      %dma_start3A_485 = arith.constant 0 : i32
      %dma_start3A_486 = tpu.memref_slice %arg8[%select_n3A_352, %dma_start3A_484, %dma_start3A_485] : memref<2x8x128xi32, #tpu.memory_space<vmem>> -> memref<1x1x128xi32, #tpu.memory_space<vmem>>
      %dma_start3A_487 = tpu.memref_squeeze %dma_start3A_486 : memref<1x1x128xi32, #tpu.memory_space<vmem>> -> memref<128xi32, #tpu.memory_space<vmem>>
      %dma_start3A_488 = arith.constant 0 : i32
      %dma_start3A_489 = tpu.memref_slice %arg13[%dma_start3A_488] : memref<10240xf32, #tpu.memory_space<vmem_shared>> -> memref<10240xf32, #tpu.memory_space<vmem_shared>>
      tpu.enqueue_indirect_dma source(%arg10 : memref<128xf32, #tpu.memory_space<vmem>>) target(%dma_start3A_489 : memref<10240xf32, #tpu.memory_space<vmem_shared>>) offsets(%dma_start3A_487 : memref<128xi32, #tpu.memory_space<vmem>>) semaphore(%arg15 : memref<!tpu.dma_semaphore, #tpu.memory_space<semaphore_mem>>) {add = true}
      %dma_start3A_490 = arith.constant 0 : i32
      %dma_start3A_491 = arith.constant 0 : i32
      %dma_start3A_492 = tpu.memref_slice %arg9[%scan3A_248, %dma_start3A_490, %dma_start3A_491] : memref<2x128x128xf32, #tpu.memory_space<vmem>> -> memref<1x128x128xf32, #tpu.memory_space<vmem>>
      %dma_start3A_493 = tpu.memref_squeeze %dma_start3A_492 : memref<1x128x128xf32, #tpu.memory_space<vmem>> -> memref<128x128xf32, #tpu.memory_space<vmem>>
      %dma_start3A_494 = arith.constant 512 : i32
      %dma_start3A_495 = tpu.memref_slice %arg7[%select_n3A_352, %dma_start3A_494] : memref<2x1024xi32, #tpu.memory_space<vmem>> -> memref<1x128xi32, #tpu.memory_space<vmem>>
      %dma_start3A_496 = tpu.memref_squeeze %dma_start3A_495 : memref<1x128xi32, #tpu.memory_space<vmem>> -> memref<128xi32, #tpu.memory_space<vmem>>
      %dma_start3A_497 = arith.constant 0 : i32
      %dma_start3A_498 = arith.constant 0 : i32
      %dma_start3A_499 = tpu.memref_slice %arg2[%dma_start3A_497, %dma_start3A_498] : memref<10000x128xf32, #tpu.memory_space<hbm>> -> memref<10000x128xf32, #tpu.memory_space<hbm>>
      tpu.enqueue_indirect_dma source(%dma_start3A_499 : memref<10000x128xf32, #tpu.memory_space<hbm>>) target(%dma_start3A_493 : memref<128x128xf32, #tpu.memory_space<vmem>>) offsets(%dma_start3A_496 : memref<128xi32, #tpu.memory_space<vmem>>) semaphore(%arg14 : memref<!tpu.dma_semaphore, #tpu.memory_space<semaphore_mem>>)
      %dma_wait3A_500 = arith.constant 0 : i32
      %dma_wait3A_501 = arith.constant 0 : i32
      %dma_wait3A_502 = tpu.memref_slice %arg9[%scan3A_248, %dma_wait3A_500, %dma_wait3A_501] : memref<2x128x128xf32, #tpu.memory_space<vmem>> -> memref<1x128x128xf32, #tpu.memory_space<vmem>>
      %dma_wait3A_503 = tpu.memref_squeeze %dma_wait3A_502 : memref<1x128x128xf32, #tpu.memory_space<vmem>> -> memref<128x128xf32, #tpu.memory_space<vmem>>
      %dma_wait3A_504 = arith.constant 0 : i32
      %dma_wait3A_505 = arith.constant 0 : i32
      %dma_wait3A_506 = tpu.memref_slice %arg2[%dma_wait3A_504, %dma_wait3A_505] : memref<10000x128xf32, #tpu.memory_space<hbm>> -> memref<128x128xf32, #tpu.memory_space<hbm>>
      %dma_wait3A_507 = arith.constant 0 : i32
      %dma_wait3A_508 = arith.constant 0 : i32
      %dma_wait3A_509 = tpu.memref_slice %arg9[%scan3A_248, %dma_wait3A_507, %dma_wait3A_508] : memref<2x128x128xf32, #tpu.memory_space<vmem>> -> memref<1x128x128xf32, #tpu.memory_space<vmem>>
      %dma_wait3A_510 = tpu.memref_squeeze %dma_wait3A_509 : memref<1x128x128xf32, #tpu.memory_space<vmem>> -> memref<128x128xf32, #tpu.memory_space<vmem>>
      %dma_wait3A_511 = arith.constant 0 : i32
      %dma_wait3A_512 = arith.constant 0 : i32
      %dma_wait3A_513 = tpu.memref_slice %arg2[%dma_wait3A_511, %dma_wait3A_512] : memref<10000x128xf32, #tpu.memory_space<hbm>> -> memref<128x128xf32, #tpu.memory_space<hbm>>
      tpu.wait_dma2 semaphore(%arg14 : memref<!tpu.dma_semaphore, #tpu.memory_space<semaphore_mem>>) src(%dma_wait3A_513 : memref<128x128xf32, #tpu.memory_space<hbm>>) dst(%dma_wait3A_510 : memref<128x128xf32, #tpu.memory_space<vmem>>)
      %run_scoped3A_514 = arith.constant 3 : i32
      "tpu.region"() ({
        %run_scoped3A_683 = tpu.sem_alloc : memref<!tpu.dma_semaphore, #tpu.memory_space<semaphore_mem>>
        %dma_start3A_684 = arith.constant 0 : i32
        %dma_start3A_685 = arith.constant 0 : i32
        %dma_start3A_686 = tpu.memref_slice %arg9[%scan3A_249, %dma_start3A_684, %dma_start3A_685] : memref<2x128x128xf32, #tpu.memory_space<vmem>> -> memref<1x128x128xf32, #tpu.memory_space<vmem>>
        %dma_start3A_687 = tpu.memref_squeeze %dma_start3A_686 : memref<1x128x128xf32, #tpu.memory_space<vmem>> -> memref<128x128xf32, #tpu.memory_space<vmem>>
        %dma_start3A_688 = arith.constant 0 : i32
        %dma_start3A_689 = tpu.memref_slice %arg8[%select_n3A_352, %run_scoped3A_514, %dma_start3A_688] : memref<2x8x128xi32, #tpu.memory_space<vmem>> -> memref<1x1x128xi32, #tpu.memory_space<vmem>>
        %dma_start3A_690 = tpu.memref_squeeze %dma_start3A_689 : memref<1x1x128xi32, #tpu.memory_space<vmem>> -> memref<128xi32, #tpu.memory_space<vmem>>
        %dma_start3A_691 = arith.constant 0 : i32
        %dma_start3A_692 = arith.constant 0 : i32
        %dma_start3A_693 = tpu.memref_slice %arg12[%dma_start3A_691, %dma_start3A_692] : memref<10240x128xf32, #tpu.memory_space<vmem_shared>> -> memref<10240x128xf32, #tpu.memory_space<vmem_shared>>
        tpu.enqueue_indirect_dma source(%dma_start3A_687 : memref<128x128xf32, #tpu.memory_space<vmem>>) target(%dma_start3A_693 : memref<10240x128xf32, #tpu.memory_space<vmem_shared>>) offsets(%dma_start3A_690 : memref<128xi32, #tpu.memory_space<vmem>>) semaphore(%run_scoped3A_683 : memref<!tpu.dma_semaphore, #tpu.memory_space<semaphore_mem>>) {add = true}
        %dma_wait3A_694 = arith.constant 0 : i32
        %dma_wait3A_695 = arith.constant 0 : i32
        %dma_wait3A_696 = tpu.memref_slice %arg9[%scan3A_249, %dma_wait3A_694, %dma_wait3A_695] : memref<2x128x128xf32, #tpu.memory_space<vmem>> -> memref<1x128x128xf32, #tpu.memory_space<vmem>>
        %dma_wait3A_697 = tpu.memref_squeeze %dma_wait3A_696 : memref<1x128x128xf32, #tpu.memory_space<vmem>> -> memref<128x128xf32, #tpu.memory_space<vmem>>
        %dma_wait3A_698 = arith.constant 0 : i32
        %dma_wait3A_699 = tpu.memref_slice %arg8[%select_n3A_352, %run_scoped3A_514, %dma_wait3A_698] : memref<2x8x128xi32, #tpu.memory_space<vmem>> -> memref<1x1x128xi32, #tpu.memory_space<vmem>>
        %dma_wait3A_700 = tpu.memref_squeeze %dma_wait3A_699 : memref<1x1x128xi32, #tpu.memory_space<vmem>> -> memref<128xi32, #tpu.memory_space<vmem>>
        %dma_wait3A_701 = arith.constant 0 : i32
        %dma_wait3A_702 = arith.constant 0 : i32
        %dma_wait3A_703 = tpu.memref_slice %arg12[%dma_wait3A_701, %dma_wait3A_702] : memref<10240x128xf32, #tpu.memory_space<vmem_shared>> -> memref<10240x128xf32, #tpu.memory_space<vmem_shared>>
        tpu.wait_indirect_dma semaphore(%run_scoped3A_683 : memref<!tpu.dma_semaphore, #tpu.memory_space<semaphore_mem>>) src(%dma_wait3A_697 : memref<128x128xf32, #tpu.memory_space<vmem>>) dst(%dma_wait3A_703 : memref<10240x128xf32, #tpu.memory_space<vmem_shared>>)
        tpu.yield
      }) : () -> ()
      %dma_start3A_515 = arith.constant 3 : i32
      %dma_start3A_516 = arith.constant 0 : i32
      %dma_start3A_517 = tpu.memref_slice %arg8[%select_n3A_352, %dma_start3A_515, %dma_start3A_516] : memref<2x8x128xi32, #tpu.memory_space<vmem>> -> memref<1x1x128xi32, #tpu.memory_space<vmem>>
      %dma_start3A_518 = tpu.memref_squeeze %dma_start3A_517 : memref<1x1x128xi32, #tpu.memory_space<vmem>> -> memref<128xi32, #tpu.memory_space<vmem>>
      %dma_start3A_519 = arith.constant 0 : i32
      %dma_start3A_520 = tpu.memref_slice %arg13[%dma_start3A_519] : memref<10240xf32, #tpu.memory_space<vmem_shared>> -> memref<10240xf32, #tpu.memory_space<vmem_shared>>
      tpu.enqueue_indirect_dma source(%arg10 : memref<128xf32, #tpu.memory_space<vmem>>) target(%dma_start3A_520 : memref<10240xf32, #tpu.memory_space<vmem_shared>>) offsets(%dma_start3A_518 : memref<128xi32, #tpu.memory_space<vmem>>) semaphore(%arg15 : memref<!tpu.dma_semaphore, #tpu.memory_space<semaphore_mem>>) {add = true}
      %dma_start3A_521 = arith.constant 0 : i32
      %dma_start3A_522 = arith.constant 0 : i32
      %dma_start3A_523 = tpu.memref_slice %arg9[%scan3A_249, %dma_start3A_521, %dma_start3A_522] : memref<2x128x128xf32, #tpu.memory_space<vmem>> -> memref<1x128x128xf32, #tpu.memory_space<vmem>>
      %dma_start3A_524 = tpu.memref_squeeze %dma_start3A_523 : memref<1x128x128xf32, #tpu.memory_space<vmem>> -> memref<128x128xf32, #tpu.memory_space<vmem>>
      %dma_start3A_525 = arith.constant 640 : i32
      %dma_start3A_526 = tpu.memref_slice %arg7[%select_n3A_352, %dma_start3A_525] : memref<2x1024xi32, #tpu.memory_space<vmem>> -> memref<1x128xi32, #tpu.memory_space<vmem>>
      %dma_start3A_527 = tpu.memref_squeeze %dma_start3A_526 : memref<1x128xi32, #tpu.memory_space<vmem>> -> memref<128xi32, #tpu.memory_space<vmem>>
      %dma_start3A_528 = arith.constant 0 : i32
      %dma_start3A_529 = arith.constant 0 : i32
      %dma_start3A_530 = tpu.memref_slice %arg2[%dma_start3A_528, %dma_start3A_529] : memref<10000x128xf32, #tpu.memory_space<hbm>> -> memref<10000x128xf32, #tpu.memory_space<hbm>>
      tpu.enqueue_indirect_dma source(%dma_start3A_530 : memref<10000x128xf32, #tpu.memory_space<hbm>>) target(%dma_start3A_524 : memref<128x128xf32, #tpu.memory_space<vmem>>) offsets(%dma_start3A_527 : memref<128xi32, #tpu.memory_space<vmem>>) semaphore(%arg14 : memref<!tpu.dma_semaphore, #tpu.memory_space<semaphore_mem>>)
      %dma_wait3A_531 = arith.constant 0 : i32
      %dma_wait3A_532 = arith.constant 0 : i32
      %dma_wait3A_533 = tpu.memref_slice %arg9[%scan3A_248, %dma_wait3A_531, %dma_wait3A_532] : memref<2x128x128xf32, #tpu.memory_space<vmem>> -> memref<1x128x128xf32, #tpu.memory_space<vmem>>
      %dma_wait3A_534 = tpu.memref_squeeze %dma_wait3A_533 : memref<1x128x128xf32, #tpu.memory_space<vmem>> -> memref<128x128xf32, #tpu.memory_space<vmem>>
      %dma_wait3A_535 = arith.constant 0 : i32
      %dma_wait3A_536 = arith.constant 0 : i32
      %dma_wait3A_537 = tpu.memref_slice %arg2[%dma_wait3A_535, %dma_wait3A_536] : memref<10000x128xf32, #tpu.memory_space<hbm>> -> memref<128x128xf32, #tpu.memory_space<hbm>>
      %dma_wait3A_538 = arith.constant 0 : i32
      %dma_wait3A_539 = arith.constant 0 : i32
      %dma_wait3A_540 = tpu.memref_slice %arg9[%scan3A_248, %dma_wait3A_538, %dma_wait3A_539] : memref<2x128x128xf32, #tpu.memory_space<vmem>> -> memref<1x128x128xf32, #tpu.memory_space<vmem>>
      %dma_wait3A_541 = tpu.memref_squeeze %dma_wait3A_540 : memref<1x128x128xf32, #tpu.memory_space<vmem>> -> memref<128x128xf32, #tpu.memory_space<vmem>>
      %dma_wait3A_542 = arith.constant 0 : i32
      %dma_wait3A_543 = arith.constant 0 : i32
      %dma_wait3A_544 = tpu.memref_slice %arg2[%dma_wait3A_542, %dma_wait3A_543] : memref<10000x128xf32, #tpu.memory_space<hbm>> -> memref<128x128xf32, #tpu.memory_space<hbm>>
      tpu.wait_dma2 semaphore(%arg14 : memref<!tpu.dma_semaphore, #tpu.memory_space<semaphore_mem>>) src(%dma_wait3A_544 : memref<128x128xf32, #tpu.memory_space<hbm>>) dst(%dma_wait3A_541 : memref<128x128xf32, #tpu.memory_space<vmem>>)
      %run_scoped3A_545 = arith.constant 4 : i32
      "tpu.region"() ({
        %run_scoped3A_683 = tpu.sem_alloc : memref<!tpu.dma_semaphore, #tpu.memory_space<semaphore_mem>>
        %dma_start3A_684 = arith.constant 0 : i32
        %dma_start3A_685 = arith.constant 0 : i32
        %dma_start3A_686 = tpu.memref_slice %arg9[%scan3A_248, %dma_start3A_684, %dma_start3A_685] : memref<2x128x128xf32, #tpu.memory_space<vmem>> -> memref<1x128x128xf32, #tpu.memory_space<vmem>>
        %dma_start3A_687 = tpu.memref_squeeze %dma_start3A_686 : memref<1x128x128xf32, #tpu.memory_space<vmem>> -> memref<128x128xf32, #tpu.memory_space<vmem>>
        %dma_start3A_688 = arith.constant 0 : i32
        %dma_start3A_689 = tpu.memref_slice %arg8[%select_n3A_352, %run_scoped3A_545, %dma_start3A_688] : memref<2x8x128xi32, #tpu.memory_space<vmem>> -> memref<1x1x128xi32, #tpu.memory_space<vmem>>
        %dma_start3A_690 = tpu.memref_squeeze %dma_start3A_689 : memref<1x1x128xi32, #tpu.memory_space<vmem>> -> memref<128xi32, #tpu.memory_space<vmem>>
        %dma_start3A_691 = arith.constant 0 : i32
        %dma_start3A_692 = arith.constant 0 : i32
        %dma_start3A_693 = tpu.memref_slice %arg12[%dma_start3A_691, %dma_start3A_692] : memref<10240x128xf32, #tpu.memory_space<vmem_shared>> -> memref<10240x128xf32, #tpu.memory_space<vmem_shared>>
        tpu.enqueue_indirect_dma source(%dma_start3A_687 : memref<128x128xf32, #tpu.memory_space<vmem>>) target(%dma_start3A_693 : memref<10240x128xf32, #tpu.memory_space<vmem_shared>>) offsets(%dma_start3A_690 : memref<128xi32, #tpu.memory_space<vmem>>) semaphore(%run_scoped3A_683 : memref<!tpu.dma_semaphore, #tpu.memory_space<semaphore_mem>>) {add = true}
        %dma_wait3A_694 = arith.constant 0 : i32
        %dma_wait3A_695 = arith.constant 0 : i32
        %dma_wait3A_696 = tpu.memref_slice %arg9[%scan3A_248, %dma_wait3A_694, %dma_wait3A_695] : memref<2x128x128xf32, #tpu.memory_space<vmem>> -> memref<1x128x128xf32, #tpu.memory_space<vmem>>
        %dma_wait3A_697 = tpu.memref_squeeze %dma_wait3A_696 : memref<1x128x128xf32, #tpu.memory_space<vmem>> -> memref<128x128xf32, #tpu.memory_space<vmem>>
        %dma_wait3A_698 = arith.constant 0 : i32
        %dma_wait3A_699 = tpu.memref_slice %arg8[%select_n3A_352, %run_scoped3A_545, %dma_wait3A_698] : memref<2x8x128xi32, #tpu.memory_space<vmem>> -> memref<1x1x128xi32, #tpu.memory_space<vmem>>
        %dma_wait3A_700 = tpu.memref_squeeze %dma_wait3A_699 : memref<1x1x128xi32, #tpu.memory_space<vmem>> -> memref<128xi32, #tpu.memory_space<vmem>>
        %dma_wait3A_701 = arith.constant 0 : i32
        %dma_wait3A_702 = arith.constant 0 : i32
        %dma_wait3A_703 = tpu.memref_slice %arg12[%dma_wait3A_701, %dma_wait3A_702] : memref<10240x128xf32, #tpu.memory_space<vmem_shared>> -> memref<10240x128xf32, #tpu.memory_space<vmem_shared>>
        tpu.wait_indirect_dma semaphore(%run_scoped3A_683 : memref<!tpu.dma_semaphore, #tpu.memory_space<semaphore_mem>>) src(%dma_wait3A_697 : memref<128x128xf32, #tpu.memory_space<vmem>>) dst(%dma_wait3A_703 : memref<10240x128xf32, #tpu.memory_space<vmem_shared>>)
        tpu.yield
      }) : () -> ()
      %dma_start3A_546 = arith.constant 4 : i32
      %dma_start3A_547 = arith.constant 0 : i32
      %dma_start3A_548 = tpu.memref_slice %arg8[%select_n3A_352, %dma_start3A_546, %dma_start3A_547] : memref<2x8x128xi32, #tpu.memory_space<vmem>> -> memref<1x1x128xi32, #tpu.memory_space<vmem>>
      %dma_start3A_549 = tpu.memref_squeeze %dma_start3A_548 : memref<1x1x128xi32, #tpu.memory_space<vmem>> -> memref<128xi32, #tpu.memory_space<vmem>>
      %dma_start3A_550 = arith.constant 0 : i32
      %dma_start3A_551 = tpu.memref_slice %arg13[%dma_start3A_550] : memref<10240xf32, #tpu.memory_space<vmem_shared>> -> memref<10240xf32, #tpu.memory_space<vmem_shared>>
      tpu.enqueue_indirect_dma source(%arg10 : memref<128xf32, #tpu.memory_space<vmem>>) target(%dma_start3A_551 : memref<10240xf32, #tpu.memory_space<vmem_shared>>) offsets(%dma_start3A_549 : memref<128xi32, #tpu.memory_space<vmem>>) semaphore(%arg15 : memref<!tpu.dma_semaphore, #tpu.memory_space<semaphore_mem>>) {add = true}
      %dma_start3A_552 = arith.constant 0 : i32
      %dma_start3A_553 = arith.constant 0 : i32
      %dma_start3A_554 = tpu.memref_slice %arg9[%scan3A_248, %dma_start3A_552, %dma_start3A_553] : memref<2x128x128xf32, #tpu.memory_space<vmem>> -> memref<1x128x128xf32, #tpu.memory_space<vmem>>
      %dma_start3A_555 = tpu.memref_squeeze %dma_start3A_554 : memref<1x128x128xf32, #tpu.memory_space<vmem>> -> memref<128x128xf32, #tpu.memory_space<vmem>>
      %dma_start3A_556 = arith.constant 768 : i32
      %dma_start3A_557 = tpu.memref_slice %arg7[%select_n3A_352, %dma_start3A_556] : memref<2x1024xi32, #tpu.memory_space<vmem>> -> memref<1x128xi32, #tpu.memory_space<vmem>>
      %dma_start3A_558 = tpu.memref_squeeze %dma_start3A_557 : memref<1x128xi32, #tpu.memory_space<vmem>> -> memref<128xi32, #tpu.memory_space<vmem>>
      %dma_start3A_559 = arith.constant 0 : i32
      %dma_start3A_560 = arith.constant 0 : i32
      %dma_start3A_561 = tpu.memref_slice %arg2[%dma_start3A_559, %dma_start3A_560] : memref<10000x128xf32, #tpu.memory_space<hbm>> -> memref<10000x128xf32, #tpu.memory_space<hbm>>
      tpu.enqueue_indirect_dma source(%dma_start3A_561 : memref<10000x128xf32, #tpu.memory_space<hbm>>) target(%dma_start3A_555 : memref<128x128xf32, #tpu.memory_space<vmem>>) offsets(%dma_start3A_558 : memref<128xi32, #tpu.memory_space<vmem>>) semaphore(%arg14 : memref<!tpu.dma_semaphore, #tpu.memory_space<semaphore_mem>>)
      %dma_wait3A_562 = arith.constant 0 : i32
      %dma_wait3A_563 = arith.constant 0 : i32
      %dma_wait3A_564 = tpu.memref_slice %arg9[%scan3A_248, %dma_wait3A_562, %dma_wait3A_563] : memref<2x128x128xf32, #tpu.memory_space<vmem>> -> memref<1x128x128xf32, #tpu.memory_space<vmem>>
      %dma_wait3A_565 = tpu.memref_squeeze %dma_wait3A_564 : memref<1x128x128xf32, #tpu.memory_space<vmem>> -> memref<128x128xf32, #tpu.memory_space<vmem>>
      %dma_wait3A_566 = arith.constant 0 : i32
      %dma_wait3A_567 = arith.constant 0 : i32
      %dma_wait3A_568 = tpu.memref_slice %arg2[%dma_wait3A_566, %dma_wait3A_567] : memref<10000x128xf32, #tpu.memory_space<hbm>> -> memref<128x128xf32, #tpu.memory_space<hbm>>
      %dma_wait3A_569 = arith.constant 0 : i32
      %dma_wait3A_570 = arith.constant 0 : i32
      %dma_wait3A_571 = tpu.memref_slice %arg9[%scan3A_248, %dma_wait3A_569, %dma_wait3A_570] : memref<2x128x128xf32, #tpu.memory_space<vmem>> -> memref<1x128x128xf32, #tpu.memory_space<vmem>>
      %dma_wait3A_572 = tpu.memref_squeeze %dma_wait3A_571 : memref<1x128x128xf32, #tpu.memory_space<vmem>> -> memref<128x128xf32, #tpu.memory_space<vmem>>
      %dma_wait3A_573 = arith.constant 0 : i32
      %dma_wait3A_574 = arith.constant 0 : i32
      %dma_wait3A_575 = tpu.memref_slice %arg2[%dma_wait3A_573, %dma_wait3A_574] : memref<10000x128xf32, #tpu.memory_space<hbm>> -> memref<128x128xf32, #tpu.memory_space<hbm>>
      tpu.wait_dma2 semaphore(%arg14 : memref<!tpu.dma_semaphore, #tpu.memory_space<semaphore_mem>>) src(%dma_wait3A_575 : memref<128x128xf32, #tpu.memory_space<hbm>>) dst(%dma_wait3A_572 : memref<128x128xf32, #tpu.memory_space<vmem>>)
      %run_scoped3A_576 = arith.constant 5 : i32
      "tpu.region"() ({
        %run_scoped3A_683 = tpu.sem_alloc : memref<!tpu.dma_semaphore, #tpu.memory_space<semaphore_mem>>
        %dma_start3A_684 = arith.constant 0 : i32
        %dma_start3A_685 = arith.constant 0 : i32
        %dma_start3A_686 = tpu.memref_slice %arg9[%scan3A_249, %dma_start3A_684, %dma_start3A_685] : memref<2x128x128xf32, #tpu.memory_space<vmem>> -> memref<1x128x128xf32, #tpu.memory_space<vmem>>
        %dma_start3A_687 = tpu.memref_squeeze %dma_start3A_686 : memref<1x128x128xf32, #tpu.memory_space<vmem>> -> memref<128x128xf32, #tpu.memory_space<vmem>>
        %dma_start3A_688 = arith.constant 0 : i32
        %dma_start3A_689 = tpu.memref_slice %arg8[%select_n3A_352, %run_scoped3A_576, %dma_start3A_688] : memref<2x8x128xi32, #tpu.memory_space<vmem>> -> memref<1x1x128xi32, #tpu.memory_space<vmem>>
        %dma_start3A_690 = tpu.memref_squeeze %dma_start3A_689 : memref<1x1x128xi32, #tpu.memory_space<vmem>> -> memref<128xi32, #tpu.memory_space<vmem>>
        %dma_start3A_691 = arith.constant 0 : i32
        %dma_start3A_692 = arith.constant 0 : i32
        %dma_start3A_693 = tpu.memref_slice %arg12[%dma_start3A_691, %dma_start3A_692] : memref<10240x128xf32, #tpu.memory_space<vmem_shared>> -> memref<10240x128xf32, #tpu.memory_space<vmem_shared>>
        tpu.enqueue_indirect_dma source(%dma_start3A_687 : memref<128x128xf32, #tpu.memory_space<vmem>>) target(%dma_start3A_693 : memref<10240x128xf32, #tpu.memory_space<vmem_shared>>) offsets(%dma_start3A_690 : memref<128xi32, #tpu.memory_space<vmem>>) semaphore(%run_scoped3A_683 : memref<!tpu.dma_semaphore, #tpu.memory_space<semaphore_mem>>) {add = true}
        %dma_wait3A_694 = arith.constant 0 : i32
        %dma_wait3A_695 = arith.constant 0 : i32
        %dma_wait3A_696 = tpu.memref_slice %arg9[%scan3A_249, %dma_wait3A_694, %dma_wait3A_695] : memref<2x128x128xf32, #tpu.memory_space<vmem>> -> memref<1x128x128xf32, #tpu.memory_space<vmem>>
        %dma_wait3A_697 = tpu.memref_squeeze %dma_wait3A_696 : memref<1x128x128xf32, #tpu.memory_space<vmem>> -> memref<128x128xf32, #tpu.memory_space<vmem>>
        %dma_wait3A_698 = arith.constant 0 : i32
        %dma_wait3A_699 = tpu.memref_slice %arg8[%select_n3A_352, %run_scoped3A_576, %dma_wait3A_698] : memref<2x8x128xi32, #tpu.memory_space<vmem>> -> memref<1x1x128xi32, #tpu.memory_space<vmem>>
        %dma_wait3A_700 = tpu.memref_squeeze %dma_wait3A_699 : memref<1x1x128xi32, #tpu.memory_space<vmem>> -> memref<128xi32, #tpu.memory_space<vmem>>
        %dma_wait3A_701 = arith.constant 0 : i32
        %dma_wait3A_702 = arith.constant 0 : i32
        %dma_wait3A_703 = tpu.memref_slice %arg12[%dma_wait3A_701, %dma_wait3A_702] : memref<10240x128xf32, #tpu.memory_space<vmem_shared>> -> memref<10240x128xf32, #tpu.memory_space<vmem_shared>>
        tpu.wait_indirect_dma semaphore(%run_scoped3A_683 : memref<!tpu.dma_semaphore, #tpu.memory_space<semaphore_mem>>) src(%dma_wait3A_697 : memref<128x128xf32, #tpu.memory_space<vmem>>) dst(%dma_wait3A_703 : memref<10240x128xf32, #tpu.memory_space<vmem_shared>>)
        tpu.yield
      }) : () -> ()
      %dma_start3A_577 = arith.constant 5 : i32
      %dma_start3A_578 = arith.constant 0 : i32
      %dma_start3A_579 = tpu.memref_slice %arg8[%select_n3A_352, %dma_start3A_577, %dma_start3A_578] : memref<2x8x128xi32, #tpu.memory_space<vmem>> -> memref<1x1x128xi32, #tpu.memory_space<vmem>>
      %dma_start3A_580 = tpu.memref_squeeze %dma_start3A_579 : memref<1x1x128xi32, #tpu.memory_space<vmem>> -> memref<128xi32, #tpu.memory_space<vmem>>
      %dma_start3A_581 = arith.constant 0 : i32
      %dma_start3A_582 = tpu.memref_slice %arg13[%dma_start3A_581] : memref<10240xf32, #tpu.memory_space<vmem_shared>> -> memref<10240xf32, #tpu.memory_space<vmem_shared>>
      tpu.enqueue_indirect_dma source(%arg10 : memref<128xf32, #tpu.memory_space<vmem>>) target(%dma_start3A_582 : memref<10240xf32, #tpu.memory_space<vmem_shared>>) offsets(%dma_start3A_580 : memref<128xi32, #tpu.memory_space<vmem>>) semaphore(%arg15 : memref<!tpu.dma_semaphore, #tpu.memory_space<semaphore_mem>>) {add = true}
      %dma_start3A_583 = arith.constant 0 : i32
      %dma_start3A_584 = arith.constant 0 : i32
      %dma_start3A_585 = tpu.memref_slice %arg9[%scan3A_249, %dma_start3A_583, %dma_start3A_584] : memref<2x128x128xf32, #tpu.memory_space<vmem>> -> memref<1x128x128xf32, #tpu.memory_space<vmem>>
      %dma_start3A_586 = tpu.memref_squeeze %dma_start3A_585 : memref<1x128x128xf32, #tpu.memory_space<vmem>> -> memref<128x128xf32, #tpu.memory_space<vmem>>
      %dma_start3A_587 = arith.constant 896 : i32
      %dma_start3A_588 = tpu.memref_slice %arg7[%select_n3A_352, %dma_start3A_587] : memref<2x1024xi32, #tpu.memory_space<vmem>> -> memref<1x128xi32, #tpu.memory_space<vmem>>
      %dma_start3A_589 = tpu.memref_squeeze %dma_start3A_588 : memref<1x128xi32, #tpu.memory_space<vmem>> -> memref<128xi32, #tpu.memory_space<vmem>>
      %dma_start3A_590 = arith.constant 0 : i32
      %dma_start3A_591 = arith.constant 0 : i32
      %dma_start3A_592 = tpu.memref_slice %arg2[%dma_start3A_590, %dma_start3A_591] : memref<10000x128xf32, #tpu.memory_space<hbm>> -> memref<10000x128xf32, #tpu.memory_space<hbm>>
      tpu.enqueue_indirect_dma source(%dma_start3A_592 : memref<10000x128xf32, #tpu.memory_space<hbm>>) target(%dma_start3A_586 : memref<128x128xf32, #tpu.memory_space<vmem>>) offsets(%dma_start3A_589 : memref<128xi32, #tpu.memory_space<vmem>>) semaphore(%arg14 : memref<!tpu.dma_semaphore, #tpu.memory_space<semaphore_mem>>)
      %dma_wait3A_593 = arith.constant 0 : i32
      %dma_wait3A_594 = arith.constant 0 : i32
      %dma_wait3A_595 = tpu.memref_slice %arg9[%scan3A_248, %dma_wait3A_593, %dma_wait3A_594] : memref<2x128x128xf32, #tpu.memory_space<vmem>> -> memref<1x128x128xf32, #tpu.memory_space<vmem>>
      %dma_wait3A_596 = tpu.memref_squeeze %dma_wait3A_595 : memref<1x128x128xf32, #tpu.memory_space<vmem>> -> memref<128x128xf32, #tpu.memory_space<vmem>>
      %dma_wait3A_597 = arith.constant 0 : i32
      %dma_wait3A_598 = arith.constant 0 : i32
      %dma_wait3A_599 = tpu.memref_slice %arg2[%dma_wait3A_597, %dma_wait3A_598] : memref<10000x128xf32, #tpu.memory_space<hbm>> -> memref<128x128xf32, #tpu.memory_space<hbm>>
      %dma_wait3A_600 = arith.constant 0 : i32
      %dma_wait3A_601 = arith.constant 0 : i32
      %dma_wait3A_602 = tpu.memref_slice %arg9[%scan3A_248, %dma_wait3A_600, %dma_wait3A_601] : memref<2x128x128xf32, #tpu.memory_space<vmem>> -> memref<1x128x128xf32, #tpu.memory_space<vmem>>
      %dma_wait3A_603 = tpu.memref_squeeze %dma_wait3A_602 : memref<1x128x128xf32, #tpu.memory_space<vmem>> -> memref<128x128xf32, #tpu.memory_space<vmem>>
      %dma_wait3A_604 = arith.constant 0 : i32
      %dma_wait3A_605 = arith.constant 0 : i32
      %dma_wait3A_606 = tpu.memref_slice %arg2[%dma_wait3A_604, %dma_wait3A_605] : memref<10000x128xf32, #tpu.memory_space<hbm>> -> memref<128x128xf32, #tpu.memory_space<hbm>>
      tpu.wait_dma2 semaphore(%arg14 : memref<!tpu.dma_semaphore, #tpu.memory_space<semaphore_mem>>) src(%dma_wait3A_606 : memref<128x128xf32, #tpu.memory_space<hbm>>) dst(%dma_wait3A_603 : memref<128x128xf32, #tpu.memory_space<vmem>>)
      %run_scoped3A_607 = arith.constant 6 : i32
      "tpu.region"() ({
        %run_scoped3A_683 = tpu.sem_alloc : memref<!tpu.dma_semaphore, #tpu.memory_space<semaphore_mem>>
        %dma_start3A_684 = arith.constant 0 : i32
        %dma_start3A_685 = arith.constant 0 : i32
        %dma_start3A_686 = tpu.memref_slice %arg9[%scan3A_248, %dma_start3A_684, %dma_start3A_685] : memref<2x128x128xf32, #tpu.memory_space<vmem>> -> memref<1x128x128xf32, #tpu.memory_space<vmem>>
        %dma_start3A_687 = tpu.memref_squeeze %dma_start3A_686 : memref<1x128x128xf32, #tpu.memory_space<vmem>> -> memref<128x128xf32, #tpu.memory_space<vmem>>
        %dma_start3A_688 = arith.constant 0 : i32
        %dma_start3A_689 = tpu.memref_slice %arg8[%select_n3A_352, %run_scoped3A_607, %dma_start3A_688] : memref<2x8x128xi32, #tpu.memory_space<vmem>> -> memref<1x1x128xi32, #tpu.memory_space<vmem>>
        %dma_start3A_690 = tpu.memref_squeeze %dma_start3A_689 : memref<1x1x128xi32, #tpu.memory_space<vmem>> -> memref<128xi32, #tpu.memory_space<vmem>>
        %dma_start3A_691 = arith.constant 0 : i32
        %dma_start3A_692 = arith.constant 0 : i32
        %dma_start3A_693 = tpu.memref_slice %arg12[%dma_start3A_691, %dma_start3A_692] : memref<10240x128xf32, #tpu.memory_space<vmem_shared>> -> memref<10240x128xf32, #tpu.memory_space<vmem_shared>>
        tpu.enqueue_indirect_dma source(%dma_start3A_687 : memref<128x128xf32, #tpu.memory_space<vmem>>) target(%dma_start3A_693 : memref<10240x128xf32, #tpu.memory_space<vmem_shared>>) offsets(%dma_start3A_690 : memref<128xi32, #tpu.memory_space<vmem>>) semaphore(%run_scoped3A_683 : memref<!tpu.dma_semaphore, #tpu.memory_space<semaphore_mem>>) {add = true}
        %dma_wait3A_694 = arith.constant 0 : i32
        %dma_wait3A_695 = arith.constant 0 : i32
        %dma_wait3A_696 = tpu.memref_slice %arg9[%scan3A_248, %dma_wait3A_694, %dma_wait3A_695] : memref<2x128x128xf32, #tpu.memory_space<vmem>> -> memref<1x128x128xf32, #tpu.memory_space<vmem>>
        %dma_wait3A_697 = tpu.memref_squeeze %dma_wait3A_696 : memref<1x128x128xf32, #tpu.memory_space<vmem>> -> memref<128x128xf32, #tpu.memory_space<vmem>>
        %dma_wait3A_698 = arith.constant 0 : i32
        %dma_wait3A_699 = tpu.memref_slice %arg8[%select_n3A_352, %run_scoped3A_607, %dma_wait3A_698] : memref<2x8x128xi32, #tpu.memory_space<vmem>> -> memref<1x1x128xi32, #tpu.memory_space<vmem>>
        %dma_wait3A_700 = tpu.memref_squeeze %dma_wait3A_699 : memref<1x1x128xi32, #tpu.memory_space<vmem>> -> memref<128xi32, #tpu.memory_space<vmem>>
        %dma_wait3A_701 = arith.constant 0 : i32
        %dma_wait3A_702 = arith.constant 0 : i32
        %dma_wait3A_703 = tpu.memref_slice %arg12[%dma_wait3A_701, %dma_wait3A_702] : memref<10240x128xf32, #tpu.memory_space<vmem_shared>> -> memref<10240x128xf32, #tpu.memory_space<vmem_shared>>
        tpu.wait_indirect_dma semaphore(%run_scoped3A_683 : memref<!tpu.dma_semaphore, #tpu.memory_space<semaphore_mem>>) src(%dma_wait3A_697 : memref<128x128xf32, #tpu.memory_space<vmem>>) dst(%dma_wait3A_703 : memref<10240x128xf32, #tpu.memory_space<vmem_shared>>)
        tpu.yield
      }) : () -> ()
      %dma_start3A_608 = arith.constant 6 : i32
      %dma_start3A_609 = arith.constant 0 : i32
      %dma_start3A_610 = tpu.memref_slice %arg8[%select_n3A_352, %dma_start3A_608, %dma_start3A_609] : memref<2x8x128xi32, #tpu.memory_space<vmem>> -> memref<1x1x128xi32, #tpu.memory_space<vmem>>
      %dma_start3A_611 = tpu.memref_squeeze %dma_start3A_610 : memref<1x1x128xi32, #tpu.memory_space<vmem>> -> memref<128xi32, #tpu.memory_space<vmem>>
      %dma_start3A_612 = arith.constant 0 : i32
      %dma_start3A_613 = tpu.memref_slice %arg13[%dma_start3A_612] : memref<10240xf32, #tpu.memory_space<vmem_shared>> -> memref<10240xf32, #tpu.memory_space<vmem_shared>>
      tpu.enqueue_indirect_dma source(%arg10 : memref<128xf32, #tpu.memory_space<vmem>>) target(%dma_start3A_613 : memref<10240xf32, #tpu.memory_space<vmem_shared>>) offsets(%dma_start3A_611 : memref<128xi32, #tpu.memory_space<vmem>>) semaphore(%arg15 : memref<!tpu.dma_semaphore, #tpu.memory_space<semaphore_mem>>) {add = true}
      %dma_wait3A_614 = arith.constant 0 : i32
      %dma_wait3A_615 = arith.constant 0 : i32
      %dma_wait3A_616 = arith.constant 0 : i32
      %dma_wait3A_617 = tpu.memref_slice %arg7[%dma_wait3A_615, %dma_wait3A_616] : memref<2x1024xi32, #tpu.memory_space<vmem>> -> memref<1x1024xi32, #tpu.memory_space<vmem>>
      %dma_wait3A_618 = tpu.memref_squeeze %dma_wait3A_617 : memref<1x1024xi32, #tpu.memory_space<vmem>> -> memref<1024xi32, #tpu.memory_space<vmem>>
      %dma_wait3A_619 = arith.constant 0 : i32
      %dma_wait3A_620 = tpu.memref_slice %arg3[%dma_wait3A_614, %dma_wait3A_619] : memref<2x320000xi32, #tpu.memory_space<hbm>> -> memref<1x1024xi32, #tpu.memory_space<hbm>>
      %dma_wait3A_621 = tpu.memref_squeeze %dma_wait3A_620 : memref<1x1024xi32, #tpu.memory_space<hbm>> -> memref<1024xi32, #tpu.memory_space<hbm>>
      %dma_wait3A_622 = arith.constant 0 : i32
      %dma_wait3A_623 = tpu.memref_slice %arg7[%dma_wait3A_615, %dma_wait3A_622] : memref<2x1024xi32, #tpu.memory_space<vmem>> -> memref<1x1024xi32, #tpu.memory_space<vmem>>
      %dma_wait3A_624 = tpu.memref_squeeze %dma_wait3A_623 : memref<1x1024xi32, #tpu.memory_space<vmem>> -> memref<1024xi32, #tpu.memory_space<vmem>>
      %dma_wait3A_625 = arith.constant 0 : i32
      %dma_wait3A_626 = tpu.memref_slice %arg3[%dma_wait3A_614, %dma_wait3A_625] : memref<2x320000xi32, #tpu.memory_space<hbm>> -> memref<1x1024xi32, #tpu.memory_space<hbm>>
      %dma_wait3A_627 = tpu.memref_squeeze %dma_wait3A_626 : memref<1x1024xi32, #tpu.memory_space<hbm>> -> memref<1024xi32, #tpu.memory_space<hbm>>
      tpu.wait_dma2 semaphore(%arg16 : memref<!tpu.dma_semaphore, #tpu.memory_space<semaphore_mem>>) src(%dma_wait3A_627 : memref<1024xi32, #tpu.memory_space<hbm>>) dst(%dma_wait3A_624 : memref<1024xi32, #tpu.memory_space<vmem>>)
      %dma_wait3A_628 = arith.constant 0 : i32
      %dma_wait3A_629 = arith.constant 1 : i32
      %dma_wait3A_630 = arith.constant 0 : i32
      %dma_wait3A_631 = tpu.memref_slice %arg7[%dma_wait3A_629, %dma_wait3A_630] : memref<2x1024xi32, #tpu.memory_space<vmem>> -> memref<1x1024xi32, #tpu.memory_space<vmem>>
      %dma_wait3A_632 = tpu.memref_squeeze %dma_wait3A_631 : memref<1x1024xi32, #tpu.memory_space<vmem>> -> memref<1024xi32, #tpu.memory_space<vmem>>
      %dma_wait3A_633 = arith.constant 0 : i32
      %dma_wait3A_634 = tpu.memref_slice %arg3[%dma_wait3A_628, %dma_wait3A_633] : memref<2x320000xi32, #tpu.memory_space<hbm>> -> memref<1x1024xi32, #tpu.memory_space<hbm>>
      %dma_wait3A_635 = tpu.memref_squeeze %dma_wait3A_634 : memref<1x1024xi32, #tpu.memory_space<hbm>> -> memref<1024xi32, #tpu.memory_space<hbm>>
      %dma_wait3A_636 = arith.constant 0 : i32
      %dma_wait3A_637 = tpu.memref_slice %arg7[%dma_wait3A_629, %dma_wait3A_636] : memref<2x1024xi32, #tpu.memory_space<vmem>> -> memref<1x1024xi32, #tpu.memory_space<vmem>>
      %dma_wait3A_638 = tpu.memref_squeeze %dma_wait3A_637 : memref<1x1024xi32, #tpu.memory_space<vmem>> -> memref<1024xi32, #tpu.memory_space<vmem>>
      %dma_wait3A_639 = arith.constant 0 : i32
      %dma_wait3A_640 = tpu.memref_slice %arg3[%dma_wait3A_628, %dma_wait3A_639] : memref<2x320000xi32, #tpu.memory_space<hbm>> -> memref<1x1024xi32, #tpu.memory_space<hbm>>
      %dma_wait3A_641 = tpu.memref_squeeze %dma_wait3A_640 : memref<1x1024xi32, #tpu.memory_space<hbm>> -> memref<1024xi32, #tpu.memory_space<hbm>>
      tpu.wait_dma2 semaphore(%arg16 : memref<!tpu.dma_semaphore, #tpu.memory_space<semaphore_mem>>) src(%dma_wait3A_641 : memref<1024xi32, #tpu.memory_space<hbm>>) dst(%dma_wait3A_638 : memref<1024xi32, #tpu.memory_space<vmem>>)
      %dma_start3A_642 = arith.constant 0 : i32
      %dma_start3A_643 = arith.constant 0 : i32
      %dma_start3A_644 = tpu.memref_slice %arg9[%scan3A_248, %dma_start3A_642, %dma_start3A_643] : memref<2x128x128xf32, #tpu.memory_space<vmem>> -> memref<1x128x128xf32, #tpu.memory_space<vmem>>
      %dma_start3A_645 = tpu.memref_squeeze %dma_start3A_644 : memref<1x128x128xf32, #tpu.memory_space<vmem>> -> memref<128x128xf32, #tpu.memory_space<vmem>>
      %dma_start3A_646 = arith.constant 0 : i32
      %dma_start3A_647 = tpu.memref_slice %arg7[%select_n3A_370, %dma_start3A_646] : memref<2x1024xi32, #tpu.memory_space<vmem>> -> memref<1x128xi32, #tpu.memory_space<vmem>>
      %dma_start3A_648 = tpu.memref_squeeze %dma_start3A_647 : memref<1x128xi32, #tpu.memory_space<vmem>> -> memref<128xi32, #tpu.memory_space<vmem>>
      %dma_start3A_649 = arith.constant 0 : i32
      %dma_start3A_650 = arith.constant 0 : i32
      %dma_start3A_651 = tpu.memref_slice %arg2[%dma_start3A_649, %dma_start3A_650] : memref<10000x128xf32, #tpu.memory_space<hbm>> -> memref<10000x128xf32, #tpu.memory_space<hbm>>
      tpu.enqueue_indirect_dma source(%dma_start3A_651 : memref<10000x128xf32, #tpu.memory_space<hbm>>) target(%dma_start3A_645 : memref<128x128xf32, #tpu.memory_space<vmem>>) offsets(%dma_start3A_648 : memref<128xi32, #tpu.memory_space<vmem>>) semaphore(%arg14 : memref<!tpu.dma_semaphore, #tpu.memory_space<semaphore_mem>>)
      %dma_wait3A_652 = arith.constant 0 : i32
      %dma_wait3A_653 = arith.constant 0 : i32
      %dma_wait3A_654 = tpu.memref_slice %arg9[%scan3A_248, %dma_wait3A_652, %dma_wait3A_653] : memref<2x128x128xf32, #tpu.memory_space<vmem>> -> memref<1x128x128xf32, #tpu.memory_space<vmem>>
      %dma_wait3A_655 = tpu.memref_squeeze %dma_wait3A_654 : memref<1x128x128xf32, #tpu.memory_space<vmem>> -> memref<128x128xf32, #tpu.memory_space<vmem>>
      %dma_wait3A_656 = arith.constant 0 : i32
      %dma_wait3A_657 = arith.constant 0 : i32
      %dma_wait3A_658 = tpu.memref_slice %arg2[%dma_wait3A_656, %dma_wait3A_657] : memref<10000x128xf32, #tpu.memory_space<hbm>> -> memref<128x128xf32, #tpu.memory_space<hbm>>
      %dma_wait3A_659 = arith.constant 0 : i32
      %dma_wait3A_660 = arith.constant 0 : i32
      %dma_wait3A_661 = tpu.memref_slice %arg9[%scan3A_248, %dma_wait3A_659, %dma_wait3A_660] : memref<2x128x128xf32, #tpu.memory_space<vmem>> -> memref<1x128x128xf32, #tpu.memory_space<vmem>>
      %dma_wait3A_662 = tpu.memref_squeeze %dma_wait3A_661 : memref<1x128x128xf32, #tpu.memory_space<vmem>> -> memref<128x128xf32, #tpu.memory_space<vmem>>
      %dma_wait3A_663 = arith.constant 0 : i32
      %dma_wait3A_664 = arith.constant 0 : i32
      %dma_wait3A_665 = tpu.memref_slice %arg2[%dma_wait3A_663, %dma_wait3A_664] : memref<10000x128xf32, #tpu.memory_space<hbm>> -> memref<128x128xf32, #tpu.memory_space<hbm>>
      tpu.wait_dma2 semaphore(%arg14 : memref<!tpu.dma_semaphore, #tpu.memory_space<semaphore_mem>>) src(%dma_wait3A_665 : memref<128x128xf32, #tpu.memory_space<hbm>>) dst(%dma_wait3A_662 : memref<128x128xf32, #tpu.memory_space<vmem>>)
      %run_scoped3A_666 = arith.constant 7 : i32
      "tpu.region"() ({
        %run_scoped3A_683 = tpu.sem_alloc : memref<!tpu.dma_semaphore, #tpu.memory_space<semaphore_mem>>
        %dma_start3A_684 = arith.constant 0 : i32
        %dma_start3A_685 = arith.constant 0 : i32
        %dma_start3A_686 = tpu.memref_slice %arg9[%scan3A_249, %dma_start3A_684, %dma_start3A_685] : memref<2x128x128xf32, #tpu.memory_space<vmem>> -> memref<1x128x128xf32, #tpu.memory_space<vmem>>
        %dma_start3A_687 = tpu.memref_squeeze %dma_start3A_686 : memref<1x128x128xf32, #tpu.memory_space<vmem>> -> memref<128x128xf32, #tpu.memory_space<vmem>>
        %dma_start3A_688 = arith.constant 0 : i32
        %dma_start3A_689 = tpu.memref_slice %arg8[%select_n3A_352, %run_scoped3A_666, %dma_start3A_688] : memref<2x8x128xi32, #tpu.memory_space<vmem>> -> memref<1x1x128xi32, #tpu.memory_space<vmem>>
        %dma_start3A_690 = tpu.memref_squeeze %dma_start3A_689 : memref<1x1x128xi32, #tpu.memory_space<vmem>> -> memref<128xi32, #tpu.memory_space<vmem>>
        %dma_start3A_691 = arith.constant 0 : i32
        %dma_start3A_692 = arith.constant 0 : i32
        %dma_start3A_693 = tpu.memref_slice %arg12[%dma_start3A_691, %dma_start3A_692] : memref<10240x128xf32, #tpu.memory_space<vmem_shared>> -> memref<10240x128xf32, #tpu.memory_space<vmem_shared>>
        tpu.enqueue_indirect_dma source(%dma_start3A_687 : memref<128x128xf32, #tpu.memory_space<vmem>>) target(%dma_start3A_693 : memref<10240x128xf32, #tpu.memory_space<vmem_shared>>) offsets(%dma_start3A_690 : memref<128xi32, #tpu.memory_space<vmem>>) semaphore(%run_scoped3A_683 : memref<!tpu.dma_semaphore, #tpu.memory_space<semaphore_mem>>) {add = true}
        %dma_wait3A_694 = arith.constant 0 : i32
        %dma_wait3A_695 = arith.constant 0 : i32
        %dma_wait3A_696 = tpu.memref_slice %arg9[%scan3A_249, %dma_wait3A_694, %dma_wait3A_695] : memref<2x128x128xf32, #tpu.memory_space<vmem>> -> memref<1x128x128xf32, #tpu.memory_space<vmem>>
        %dma_wait3A_697 = tpu.memref_squeeze %dma_wait3A_696 : memref<1x128x128xf32, #tpu.memory_space<vmem>> -> memref<128x128xf32, #tpu.memory_space<vmem>>
        %dma_wait3A_698 = arith.constant 0 : i32
        %dma_wait3A_699 = tpu.memref_slice %arg8[%select_n3A_352, %run_scoped3A_666, %dma_wait3A_698] : memref<2x8x128xi32, #tpu.memory_space<vmem>> -> memref<1x1x128xi32, #tpu.memory_space<vmem>>
        %dma_wait3A_700 = tpu.memref_squeeze %dma_wait3A_699 : memref<1x1x128xi32, #tpu.memory_space<vmem>> -> memref<128xi32, #tpu.memory_space<vmem>>
        %dma_wait3A_701 = arith.constant 0 : i32
        %dma_wait3A_702 = arith.constant 0 : i32
        %dma_wait3A_703 = tpu.memref_slice %arg12[%dma_wait3A_701, %dma_wait3A_702] : memref<10240x128xf32, #tpu.memory_space<vmem_shared>> -> memref<10240x128xf32, #tpu.memory_space<vmem_shared>>
        tpu.wait_indirect_dma semaphore(%run_scoped3A_683 : memref<!tpu.dma_semaphore, #tpu.memory_space<semaphore_mem>>) src(%dma_wait3A_697 : memref<128x128xf32, #tpu.memory_space<vmem>>) dst(%dma_wait3A_703 : memref<10240x128xf32, #tpu.memory_space<vmem_shared>>)
        tpu.yield
      }) : () -> ()
      %dma_start3A_667 = arith.constant 7 : i32
      %dma_start3A_668 = arith.constant 0 : i32
      %dma_start3A_669 = tpu.memref_slice %arg8[%select_n3A_352, %dma_start3A_667, %dma_start3A_668] : memref<2x8x128xi32, #tpu.memory_space<vmem>> -> memref<1x1x128xi32, #tpu.memory_space<vmem>>
      %dma_start3A_670 = tpu.memref_squeeze %dma_start3A_669 : memref<1x1x128xi32, #tpu.memory_space<vmem>> -> memref<128xi32, #tpu.memory_space<vmem>>
      %dma_start3A_671 = arith.constant 0 : i32
      %dma_start3A_672 = tpu.memref_slice %arg13[%dma_start3A_671] : memref<10240xf32, #tpu.memory_space<vmem_shared>> -> memref<10240xf32, #tpu.memory_space<vmem_shared>>
      tpu.enqueue_indirect_dma source(%arg10 : memref<128xf32, #tpu.memory_space<vmem>>) target(%dma_start3A_672 : memref<10240xf32, #tpu.memory_space<vmem_shared>>) offsets(%dma_start3A_670 : memref<128xi32, #tpu.memory_space<vmem>>) semaphore(%arg15 : memref<!tpu.dma_semaphore, #tpu.memory_space<semaphore_mem>>) {add = true}
      %dma_start3A_673 = arith.constant 0 : i32
      %dma_start3A_674 = arith.constant 0 : i32
      %dma_start3A_675 = tpu.memref_slice %arg9[%scan3A_249, %dma_start3A_673, %dma_start3A_674] : memref<2x128x128xf32, #tpu.memory_space<vmem>> -> memref<1x128x128xf32, #tpu.memory_space<vmem>>
      %dma_start3A_676 = tpu.memref_squeeze %dma_start3A_675 : memref<1x128x128xf32, #tpu.memory_space<vmem>> -> memref<128x128xf32, #tpu.memory_space<vmem>>
      %dma_start3A_677 = arith.constant 128 : i32
      %dma_start3A_678 = tpu.memref_slice %arg7[%select_n3A_370, %dma_start3A_677] : memref<2x1024xi32, #tpu.memory_space<vmem>> -> memref<1x128xi32, #tpu.memory_space<vmem>>
      %dma_start3A_679 = tpu.memref_squeeze %dma_start3A_678 : memref<1x128xi32, #tpu.memory_space<vmem>> -> memref<128xi32, #tpu.memory_space<vmem>>
      %dma_start3A_680 = arith.constant 0 : i32
      %dma_start3A_681 = arith.constant 0 : i32
      %dma_start3A_682 = tpu.memref_slice %arg2[%dma_start3A_680, %dma_start3A_681] : memref<10000x128xf32, #tpu.memory_space<hbm>> -> memref<10000x128xf32, #tpu.memory_space<hbm>>
      tpu.enqueue_indirect_dma source(%dma_start3A_682 : memref<10000x128xf32, #tpu.memory_space<hbm>>) target(%dma_start3A_676 : memref<128x128xf32, #tpu.memory_space<vmem>>) offsets(%dma_start3A_679 : memref<128xi32, #tpu.memory_space<vmem>>) semaphore(%arg14 : memref<!tpu.dma_semaphore, #tpu.memory_space<semaphore_mem>>)
    }
    %scan3A_254 = arith.constant 10 : i32
    %dma_wait3A_255 = arith.constant 0 : i32
    %dma_wait3A_256 = arith.constant 0 : i32
    %dma_wait3A_257 = arith.constant 0 : i32
    %dma_wait3A_258 = tpu.memref_slice %arg9[%dma_wait3A_255, %dma_wait3A_256, %dma_wait3A_257] : memref<2x128x128xf32, #tpu.memory_space<vmem>> -> memref<1x128x128xf32, #tpu.memory_space<vmem>>
    %dma_wait3A_259 = tpu.memref_squeeze %dma_wait3A_258 : memref<1x128x128xf32, #tpu.memory_space<vmem>> -> memref<128x128xf32, #tpu.memory_space<vmem>>
    %dma_wait3A_260 = arith.constant 0 : i32
    %dma_wait3A_261 = arith.constant 0 : i32
    %dma_wait3A_262 = tpu.memref_slice %arg2[%dma_wait3A_260, %dma_wait3A_261] : memref<10000x128xf32, #tpu.memory_space<hbm>> -> memref<128x128xf32, #tpu.memory_space<hbm>>
    %dma_wait3A_263 = arith.constant 0 : i32
    %dma_wait3A_264 = arith.constant 0 : i32
    %dma_wait3A_265 = tpu.memref_slice %arg9[%dma_wait3A_255, %dma_wait3A_263, %dma_wait3A_264] : memref<2x128x128xf32, #tpu.memory_space<vmem>> -> memref<1x128x128xf32, #tpu.memory_space<vmem>>
    %dma_wait3A_266 = tpu.memref_squeeze %dma_wait3A_265 : memref<1x128x128xf32, #tpu.memory_space<vmem>> -> memref<128x128xf32, #tpu.memory_space<vmem>>
    %dma_wait3A_267 = arith.constant 0 : i32
    %dma_wait3A_268 = arith.constant 0 : i32
    %dma_wait3A_269 = tpu.memref_slice %arg2[%dma_wait3A_267, %dma_wait3A_268] : memref<10000x128xf32, #tpu.memory_space<hbm>> -> memref<128x128xf32, #tpu.memory_space<hbm>>
    tpu.wait_dma2 semaphore(%arg14 : memref<!tpu.dma_semaphore, #tpu.memory_space<semaphore_mem>>) src(%dma_wait3A_269 : memref<128x128xf32, #tpu.memory_space<hbm>>) dst(%dma_wait3A_266 : memref<128x128xf32, #tpu.memory_space<vmem>>)
    %dma_wait3A_270 = arith.constant 0 : i32
    %dma_wait3A_271 = arith.constant 0 : i32
    %dma_wait3A_272 = arith.constant 0 : i32
    %dma_wait3A_273 = tpu.memref_slice %arg9[%dma_wait3A_270, %dma_wait3A_271, %dma_wait3A_272] : memref<2x128x128xf32, #tpu.memory_space<vmem>> -> memref<1x128x128xf32, #tpu.memory_space<vmem>>
    %dma_wait3A_274 = tpu.memref_squeeze %dma_wait3A_273 : memref<1x128x128xf32, #tpu.memory_space<vmem>> -> memref<128x128xf32, #tpu.memory_space<vmem>>
    %dma_wait3A_275 = arith.constant 0 : i32
    %dma_wait3A_276 = arith.constant 0 : i32
    %dma_wait3A_277 = tpu.memref_slice %arg2[%dma_wait3A_275, %dma_wait3A_276] : memref<10000x128xf32, #tpu.memory_space<hbm>> -> memref<128x128xf32, #tpu.memory_space<hbm>>
    %dma_wait3A_278 = arith.constant 0 : i32
    %dma_wait3A_279 = arith.constant 0 : i32
    %dma_wait3A_280 = tpu.memref_slice %arg9[%dma_wait3A_270, %dma_wait3A_278, %dma_wait3A_279] : memref<2x128x128xf32, #tpu.memory_space<vmem>> -> memref<1x128x128xf32, #tpu.memory_space<vmem>>
    %dma_wait3A_281 = tpu.memref_squeeze %dma_wait3A_280 : memref<1x128x128xf32, #tpu.memory_space<vmem>> -> memref<128x128xf32, #tpu.memory_space<vmem>>
    %dma_wait3A_282 = arith.constant 0 : i32
    %dma_wait3A_283 = arith.constant 0 : i32
    %dma_wait3A_284 = tpu.memref_slice %arg2[%dma_wait3A_282, %dma_wait3A_283] : memref<10000x128xf32, #tpu.memory_space<hbm>> -> memref<128x128xf32, #tpu.memory_space<hbm>>
    tpu.wait_dma2 semaphore(%arg14 : memref<!tpu.dma_semaphore, #tpu.memory_space<semaphore_mem>>) src(%dma_wait3A_284 : memref<128x128xf32, #tpu.memory_space<hbm>>) dst(%dma_wait3A_281 : memref<128x128xf32, #tpu.memory_space<vmem>>)
    %dma_wait3A_285 = arith.constant 0 : i32
    %dma_wait3A_286 = arith.constant 0 : i32
    %dma_wait3A_287 = tpu.memref_slice %arg2[%dma_wait3A_285, %dma_wait3A_286] : memref<10000x128xf32, #tpu.memory_space<hbm>> -> memref<1x128xf32, #tpu.memory_space<hbm>>
    %dma_wait3A_288 = tpu.memref_squeeze %dma_wait3A_287 : memref<1x128xf32, #tpu.memory_space<hbm>> -> memref<128xf32, #tpu.memory_space<hbm>>
    %dma_wait3A_289 = arith.constant 0 : i32
    %dma_wait3A_290 = tpu.memref_slice %arg2[%dma_wait3A_285, %dma_wait3A_289] : memref<10000x128xf32, #tpu.memory_space<hbm>> -> memref<1x128xf32, #tpu.memory_space<hbm>>
    %dma_wait3A_291 = tpu.memref_squeeze %dma_wait3A_290 : memref<1x128xf32, #tpu.memory_space<hbm>> -> memref<128xf32, #tpu.memory_space<hbm>>
    tpu.wait_dma2 semaphore(%arg15 : memref<!tpu.dma_semaphore, #tpu.memory_space<semaphore_mem>>) src(%dma_wait3A_291 : memref<128xf32, #tpu.memory_space<hbm>>) dst(%arg11 : memref<128xf32, #tpu.memory_space<vmem>>)
    %dma_wait3A_292 = arith.constant 0 : i32
    %dma_wait3A_293 = arith.constant 0 : i32
    %dma_wait3A_294 = tpu.memref_slice %arg2[%dma_wait3A_292, %dma_wait3A_293] : memref<10000x128xf32, #tpu.memory_space<hbm>> -> memref<1x128xf32, #tpu.memory_space<hbm>>
    %dma_wait3A_295 = tpu.memref_squeeze %dma_wait3A_294 : memref<1x128xf32, #tpu.memory_space<hbm>> -> memref<128xf32, #tpu.memory_space<hbm>>
    %dma_wait3A_296 = arith.constant 0 : i32
    %dma_wait3A_297 = tpu.memref_slice %arg2[%dma_wait3A_292, %dma_wait3A_296] : memref<10000x128xf32, #tpu.memory_space<hbm>> -> memref<1x128xf32, #tpu.memory_space<hbm>>
    %dma_wait3A_298 = tpu.memref_squeeze %dma_wait3A_297 : memref<1x128xf32, #tpu.memory_space<hbm>> -> memref<128xf32, #tpu.memory_space<hbm>>
    tpu.wait_dma2 semaphore(%arg15 : memref<!tpu.dma_semaphore, #tpu.memory_space<semaphore_mem>>) src(%dma_wait3A_298 : memref<128xf32, #tpu.memory_space<hbm>>) dst(%arg11 : memref<128xf32, #tpu.memory_space<vmem>>)
    %dma_wait3A_299 = arith.constant 0 : i32
    %dma_wait3A_300 = arith.constant 0 : i32
    %dma_wait3A_301 = tpu.memref_slice %arg2[%dma_wait3A_299, %dma_wait3A_300] : memref<10000x128xf32, #tpu.memory_space<hbm>> -> memref<1x128xf32, #tpu.memory_space<hbm>>
    %dma_wait3A_302 = tpu.memref_squeeze %dma_wait3A_301 : memref<1x128xf32, #tpu.memory_space<hbm>> -> memref<128xf32, #tpu.memory_space<hbm>>
    %dma_wait3A_303 = arith.constant 0 : i32
    %dma_wait3A_304 = tpu.memref_slice %arg2[%dma_wait3A_299, %dma_wait3A_303] : memref<10000x128xf32, #tpu.memory_space<hbm>> -> memref<1x128xf32, #tpu.memory_space<hbm>>
    %dma_wait3A_305 = tpu.memref_squeeze %dma_wait3A_304 : memref<1x128xf32, #tpu.memory_space<hbm>> -> memref<128xf32, #tpu.memory_space<hbm>>
    tpu.wait_dma2 semaphore(%arg15 : memref<!tpu.dma_semaphore, #tpu.memory_space<semaphore_mem>>) src(%dma_wait3A_305 : memref<128xf32, #tpu.memory_space<hbm>>) dst(%arg11 : memref<128xf32, #tpu.memory_space<vmem>>)
    %dma_wait3A_306 = arith.constant 0 : i32
    %dma_wait3A_307 = arith.constant 0 : i32
    %dma_wait3A_308 = tpu.memref_slice %arg2[%dma_wait3A_306, %dma_wait3A_307] : memref<10000x128xf32, #tpu.memory_space<hbm>> -> memref<1x128xf32, #tpu.memory_space<hbm>>
    %dma_wait3A_309 = tpu.memref_squeeze %dma_wait3A_308 : memref<1x128xf32, #tpu.memory_space<hbm>> -> memref<128xf32, #tpu.memory_space<hbm>>
    %dma_wait3A_310 = arith.constant 0 : i32
    %dma_wait3A_311 = tpu.memref_slice %arg2[%dma_wait3A_306, %dma_wait3A_310] : memref<10000x128xf32, #tpu.memory_space<hbm>> -> memref<1x128xf32, #tpu.memory_space<hbm>>
    %dma_wait3A_312 = tpu.memref_squeeze %dma_wait3A_311 : memref<1x128xf32, #tpu.memory_space<hbm>> -> memref<128xf32, #tpu.memory_space<hbm>>
    tpu.wait_dma2 semaphore(%arg15 : memref<!tpu.dma_semaphore, #tpu.memory_space<semaphore_mem>>) src(%dma_wait3A_312 : memref<128xf32, #tpu.memory_space<hbm>>) dst(%arg11 : memref<128xf32, #tpu.memory_space<vmem>>)
    %dma_wait3A_313 = arith.constant 0 : i32
    %dma_wait3A_314 = arith.constant 0 : i32
    %dma_wait3A_315 = tpu.memref_slice %arg2[%dma_wait3A_313, %dma_wait3A_314] : memref<10000x128xf32, #tpu.memory_space<hbm>> -> memref<1x128xf32, #tpu.memory_space<hbm>>
    %dma_wait3A_316 = tpu.memref_squeeze %dma_wait3A_315 : memref<1x128xf32, #tpu.memory_space<hbm>> -> memref<128xf32, #tpu.memory_space<hbm>>
    %dma_wait3A_317 = arith.constant 0 : i32
    %dma_wait3A_318 = tpu.memref_slice %arg2[%dma_wait3A_313, %dma_wait3A_317] : memref<10000x128xf32, #tpu.memory_space<hbm>> -> memref<1x128xf32, #tpu.memory_space<hbm>>
    %dma_wait3A_319 = tpu.memref_squeeze %dma_wait3A_318 : memref<1x128xf32, #tpu.memory_space<hbm>> -> memref<128xf32, #tpu.memory_space<hbm>>
    tpu.wait_dma2 semaphore(%arg15 : memref<!tpu.dma_semaphore, #tpu.memory_space<semaphore_mem>>) src(%dma_wait3A_319 : memref<128xf32, #tpu.memory_space<hbm>>) dst(%arg11 : memref<128xf32, #tpu.memory_space<vmem>>)
    %dma_wait3A_320 = arith.constant 0 : i32
    %dma_wait3A_321 = arith.constant 0 : i32
    %dma_wait3A_322 = tpu.memref_slice %arg2[%dma_wait3A_320, %dma_wait3A_321] : memref<10000x128xf32, #tpu.memory_space<hbm>> -> memref<1x128xf32, #tpu.memory_space<hbm>>
    %dma_wait3A_323 = tpu.memref_squeeze %dma_wait3A_322 : memref<1x128xf32, #tpu.memory_space<hbm>> -> memref<128xf32, #tpu.memory_space<hbm>>
    %dma_wait3A_324 = arith.constant 0 : i32
    %dma_wait3A_325 = tpu.memref_slice %arg2[%dma_wait3A_320, %dma_wait3A_324] : memref<10000x128xf32, #tpu.memory_space<hbm>> -> memref<1x128xf32, #tpu.memory_space<hbm>>
    %dma_wait3A_326 = tpu.memref_squeeze %dma_wait3A_325 : memref<1x128xf32, #tpu.memory_space<hbm>> -> memref<128xf32, #tpu.memory_space<hbm>>
    tpu.wait_dma2 semaphore(%arg15 : memref<!tpu.dma_semaphore, #tpu.memory_space<semaphore_mem>>) src(%dma_wait3A_326 : memref<128xf32, #tpu.memory_space<hbm>>) dst(%arg11 : memref<128xf32, #tpu.memory_space<vmem>>)
    %dma_wait3A_327 = arith.constant 0 : i32
    %dma_wait3A_328 = arith.constant 0 : i32
    %dma_wait3A_329 = tpu.memref_slice %arg2[%dma_wait3A_327, %dma_wait3A_328] : memref<10000x128xf32, #tpu.memory_space<hbm>> -> memref<1x128xf32, #tpu.memory_space<hbm>>
    %dma_wait3A_330 = tpu.memref_squeeze %dma_wait3A_329 : memref<1x128xf32, #tpu.memory_space<hbm>> -> memref<128xf32, #tpu.memory_space<hbm>>
    %dma_wait3A_331 = arith.constant 0 : i32
    %dma_wait3A_332 = tpu.memref_slice %arg2[%dma_wait3A_327, %dma_wait3A_331] : memref<10000x128xf32, #tpu.memory_space<hbm>> -> memref<1x128xf32, #tpu.memory_space<hbm>>
    %dma_wait3A_333 = tpu.memref_squeeze %dma_wait3A_332 : memref<1x128xf32, #tpu.memory_space<hbm>> -> memref<128xf32, #tpu.memory_space<hbm>>
    tpu.wait_dma2 semaphore(%arg15 : memref<!tpu.dma_semaphore, #tpu.memory_space<semaphore_mem>>) src(%dma_wait3A_333 : memref<128xf32, #tpu.memory_space<hbm>>) dst(%arg11 : memref<128xf32, #tpu.memory_space<vmem>>)
    %dma_wait3A_334 = arith.constant 0 : i32
    %dma_wait3A_335 = arith.constant 0 : i32
    %dma_wait3A_336 = tpu.memref_slice %arg2[%dma_wait3A_334, %dma_wait3A_335] : memref<10000x128xf32, #tpu.memory_space<hbm>> -> memref<1x128xf32, #tpu.memory_space<hbm>>
    %dma_wait3A_337 = tpu.memref_squeeze %dma_wait3A_336 : memref<1x128xf32, #tpu.memory_space<hbm>> -> memref<128xf32, #tpu.memory_space<hbm>>
    %dma_wait3A_338 = arith.constant 0 : i32
    %dma_wait3A_339 = tpu.memref_slice %arg2[%dma_wait3A_334, %dma_wait3A_338] : memref<10000x128xf32, #tpu.memory_space<hbm>> -> memref<1x128xf32, #tpu.memory_space<hbm>>
    %dma_wait3A_340 = tpu.memref_squeeze %dma_wait3A_339 : memref<1x128xf32, #tpu.memory_space<hbm>> -> memref<128xf32, #tpu.memory_space<hbm>>
    tpu.wait_dma2 semaphore(%arg15 : memref<!tpu.dma_semaphore, #tpu.memory_space<semaphore_mem>>) src(%dma_wait3A_340 : memref<128xf32, #tpu.memory_space<hbm>>) dst(%arg11 : memref<128xf32, #tpu.memory_space<vmem>>)
    %barrier3A_341 = arith.constant 0 : index
    tpu.barrier barrier_id(%barrier3A_341)
    "tpu.region"() ({
      %run_scoped3A = tpu.sem_alloc : memref<!tpu.dma_semaphore, #tpu.memory_space<semaphore_mem>>
      %dma_start3A_342 = arith.constant 0 : i32
      %dma_start3A_343 = tpu.memref_slice %arg5[%arg0, %mul3A_12, %dma_start3A_342] : memref<2x10240x128xf32, #tpu.memory_space<hbm>> -> memref<1x640x128xf32, #tpu.memory_space<hbm>>
      %dma_start3A_344 = tpu.memref_squeeze %dma_start3A_343 : memref<1x640x128xf32, #tpu.memory_space<hbm>> -> memref<640x128xf32, #tpu.memory_space<hbm>>
      %dma_start3A_345 = arith.constant 0 : i32
      %dma_start3A_346 = tpu.memref_slice %arg12[%mul3A_12, %dma_start3A_345] : memref<10240x128xf32, #tpu.memory_space<vmem_shared>> -> memref<640x128xf32, #tpu.memory_space<vmem_shared>>
      tpu.enqueue_dma source(%dma_start3A_346 : memref<640x128xf32, #tpu.memory_space<vmem_shared>>) target(%dma_start3A_344 : memref<640x128xf32, #tpu.memory_space<hbm>>) target_semaphore(%run_scoped3A : memref<!tpu.dma_semaphore, #tpu.memory_space<semaphore_mem>>)
      %dma_wait3A_347 = arith.constant 0 : i32
      %dma_wait3A_348 = tpu.memref_slice %arg5[%arg0, %mul3A_12, %dma_wait3A_347] : memref<2x10240x128xf32, #tpu.memory_space<hbm>> -> memref<1x640x128xf32, #tpu.memory_space<hbm>>
      %dma_wait3A_349 = tpu.memref_squeeze %dma_wait3A_348 : memref<1x640x128xf32, #tpu.memory_space<hbm>> -> memref<640x128xf32, #tpu.memory_space<hbm>>
      %dma_wait3A_350 = arith.constant 0 : i32
      %dma_wait3A_351 = tpu.memref_slice %arg12[%mul3A_12, %dma_wait3A_350] : memref<10240x128xf32, #tpu.memory_space<vmem_shared>> -> memref<640x128xf32, #tpu.memory_space<vmem_shared>>
      tpu.wait_dma2 semaphore(%run_scoped3A : memref<!tpu.dma_semaphore, #tpu.memory_space<semaphore_mem>>) src(%dma_wait3A_351 : memref<640x128xf32, #tpu.memory_space<vmem_shared>>) dst(%dma_wait3A_349 : memref<640x128xf32, #tpu.memory_space<hbm>>)
      tpu.yield
    }) : () -> ()
    "tpu.region"() ({
      %run_scoped3A = tpu.sem_alloc : memref<!tpu.dma_semaphore, #tpu.memory_space<semaphore_mem>>
      %dma_start3A_342 = tpu.memref_slice %arg6[%arg0, %mul3A_12] : memref<2x10240xf32, #tpu.memory_space<hbm>> -> memref<1x640xf32, #tpu.memory_space<hbm>>
      %dma_start3A_343 = tpu.memref_squeeze %dma_start3A_342 : memref<1x640xf32, #tpu.memory_space<hbm>> -> memref<640xf32, #tpu.memory_space<hbm>>
      %dma_start3A_344 = tpu.memref_slice %arg13[%mul3A_12] : memref<10240xf32, #tpu.memory_space<vmem_shared>> -> memref<640xf32, #tpu.memory_space<vmem_shared>>
      tpu.enqueue_dma source(%dma_start3A_344 : memref<640xf32, #tpu.memory_space<vmem_shared>>) target(%dma_start3A_343 : memref<640xf32, #tpu.memory_space<hbm>>) target_semaphore(%run_scoped3A : memref<!tpu.dma_semaphore, #tpu.memory_space<semaphore_mem>>)
      %dma_wait3A_345 = tpu.memref_slice %arg6[%arg0, %mul3A_12] : memref<2x10240xf32, #tpu.memory_space<hbm>> -> memref<1x640xf32, #tpu.memory_space<hbm>>
      %dma_wait3A_346 = tpu.memref_squeeze %dma_wait3A_345 : memref<1x640xf32, #tpu.memory_space<hbm>> -> memref<640xf32, #tpu.memory_space<hbm>>
      %dma_wait3A_347 = tpu.memref_slice %arg13[%mul3A_12] : memref<10240xf32, #tpu.memory_space<vmem_shared>> -> memref<640xf32, #tpu.memory_space<vmem_shared>>
      tpu.wait_dma2 semaphore(%run_scoped3A : memref<!tpu.dma_semaphore, #tpu.memory_space<semaphore_mem>>) src(%dma_wait3A_347 : memref<640xf32, #tpu.memory_space<vmem_shared>>) dst(%dma_wait3A_346 : memref<640xf32, #tpu.memory_space<hbm>>)
      tpu.yield
    }) : () -> ()
    return
  }
}

module attributes {stable_mosaic.version = 14 : i64} {
  func.func @_tc_body(%arg0: memref<2x10240x128xf32, #tpu.memory_space<vmem>>, %arg1: memref<2x10240xf32, #tpu.memory_space<vmem>>, %arg2: memref<10000x128xf32, #tpu.memory_space<vmem>>, %arg3: memref<128x128xf32, #tpu.memory_space<vmem>>, %arg4: memref<1x128xf32, #tpu.memory_space<vmem>>, %arg5: memref<1x128xf32, #tpu.memory_space<vmem>>, %arg6: memref<1x128xf32, #tpu.memory_space<vmem>>, %arg7: memref<10000x128xf32, #tpu.memory_space<vmem>>) attributes {dimension_semantics = [], scalar_prefetch = 0 : i64, scratch_operands = 0 : i64, tpu.core_type = #tpu.core_type<tc>} {
    %get3A = arith.constant 0 : index
    %get3A_0 = arith.constant 0 : index
    %get3A_1 = arith.constant 0 : index
    %get3A_2 = vector.load %arg0[%get3A, %get3A_0, %get3A_1] : memref<2x10240x128xf32, #tpu.memory_space<vmem>>, vector<1x10240x128xf32>
    %get3A_3 = vector.shape_cast %get3A_2 : vector<1x10240x128xf32> to vector<10240x128xf32>
    %get3A_4 = arith.constant 1 : index
    %get3A_5 = arith.constant 0 : index
    %get3A_6 = arith.constant 0 : index
    %get3A_7 = vector.load %arg0[%get3A_4, %get3A_5, %get3A_6] : memref<2x10240x128xf32, #tpu.memory_space<vmem>>, vector<1x10240x128xf32>
    %get3A_8 = vector.shape_cast %get3A_7 : vector<1x10240x128xf32> to vector<10240x128xf32>
    %add3A = arith.addf %get3A_3, %get3A_8 : vector<10240x128xf32>
    %get3A_9 = arith.constant 0 : index
    %get3A_10 = arith.constant 0 : index
    %get3A_11 = vector.load %arg1[%get3A_9, %get3A_10] : memref<2x10240xf32, #tpu.memory_space<vmem>>, vector<1x10240xf32>
    %get3A_12 = vector.shape_cast %get3A_11 : vector<1x10240xf32> to vector<10240xf32>
    %get3A_13 = arith.constant 1 : index
    %get3A_14 = arith.constant 0 : index
    %get3A_15 = vector.load %arg1[%get3A_13, %get3A_14] : memref<2x10240xf32, #tpu.memory_space<vmem>>, vector<1x10240xf32>
    %get3A_16 = vector.shape_cast %get3A_15 : vector<1x10240xf32> to vector<10240xf32>
    %add3A_17 = arith.addf %get3A_12, %get3A_16 : vector<10240xf32>
    %slice3A = vector.extract_strided_slice %add3A {offsets = [0, 0], sizes = [10000, 128], strides = [1, 1]} : vector<10240x128xf32> to vector<10000x128xf32>
    %slice3A_18 = vector.extract_strided_slice %add3A_17 {offsets = [0], sizes = [10000], strides = [1]} : vector<10240xf32> to vector<10000xf32>
    %max3A = arith.constant 1.000000e+00 : f32
    %max3A_19 = vector.broadcast %max3A : f32 to vector<10000xf32>
    %max3A_20 = arith.maximumf %slice3A_18, %max3A_19 : vector<10000xf32>
    %reshape3A = vector.shape_cast %max3A_20 : vector<10000xf32> to vector<10000x1xf32>
    %div3A = vector.broadcast %reshape3A : vector<10000x1xf32> to vector<10000x128xf32>
    %div3A_21 = arith.divf %slice3A, %div3A : vector<10000x128xf32>
    %get3A_22 = arith.constant 0 : index
    %get3A_23 = arith.constant 0 : index
    %get3A_24 = vector.load %arg3[%get3A_22, %get3A_23] : memref<128x128xf32, #tpu.memory_space<vmem>>, vector<128x128xf32>
    %dot_general3A = arith.constant dense<0.000000e+00> : vector<10000x128xf32>
    %dot_general3A_25 = tpu.matmul %div3A_21, %get3A_24, %dot_general3A {dimension_numbers = #tpu.dot_dimension_numbers<[1], [1], [0], [0], [0, 0, 1, 0], [], []>, transpose_lhs_hint = false} : vector<10000x128xf32>, vector<128x128xf32>, vector<10000x128xf32> -> vector<10000x128xf32>
    %get3A_26 = arith.constant 0 : index
    %get3A_27 = arith.constant 0 : index
    %get3A_28 = vector.load %arg4[%get3A_26, %get3A_27] : memref<1x128xf32, #tpu.memory_space<vmem>>, vector<1x128xf32>
    %add3A_29 = vector.broadcast %get3A_28 : vector<1x128xf32> to vector<10000x128xf32>
    %add3A_30 = arith.addf %dot_general3A_25, %add3A_29 : vector<10000x128xf32>
    %reduce_sum3A = arith.constant dense<0.000000e+00> : vector<128xf32>
    %reduce_sum3A_31 = vector.multi_reduction <add>, %add3A_30, %reduce_sum3A [0] : vector<10000x128xf32> to vector<128xf32>
    %broadcast_in_dim3A = vector.shape_cast %reduce_sum3A_31 : vector<128xf32> to vector<1x128xf32>
    %div3A_32 = arith.constant 1.000000e+04 : f32
    %div3A_33 = vector.broadcast %div3A_32 : f32 to vector<1x128xf32>
    %div3A_34 = arith.divf %broadcast_in_dim3A, %div3A_33 : vector<1x128xf32>
    %sub3A = vector.broadcast %div3A_34 : vector<1x128xf32> to vector<10000x128xf32>
    %sub3A_35 = arith.subf %add3A_30, %sub3A : vector<10000x128xf32>
    %integer_pow3A = arith.mulf %sub3A_35, %sub3A_35 : vector<10000x128xf32>
    %reduce_sum3A_36 = arith.constant dense<0.000000e+00> : vector<128xf32>
    %reduce_sum3A_37 = vector.multi_reduction <add>, %integer_pow3A, %reduce_sum3A_36 [0] : vector<10000x128xf32> to vector<128xf32>
    %broadcast_in_dim3A_38 = vector.shape_cast %reduce_sum3A_37 : vector<128xf32> to vector<1x128xf32>
    %div3A_39 = arith.constant 1.000000e+04 : f32
    %div3A_40 = vector.broadcast %div3A_39 : f32 to vector<1x128xf32>
    %div3A_41 = arith.divf %broadcast_in_dim3A_38, %div3A_40 : vector<1x128xf32>
    %sub3A_42 = vector.broadcast %div3A_34 : vector<1x128xf32> to vector<10000x128xf32>
    %sub3A_43 = arith.subf %add3A_30, %sub3A_42 : vector<10000x128xf32>
    %add3A_44 = arith.constant 9.99999974E-6 : f32
    %add3A_45 = vector.broadcast %add3A_44 : f32 to vector<1x128xf32>
    %add3A_46 = arith.addf %div3A_41, %add3A_45 : vector<1x128xf32>
    %rsqrt3A = math.rsqrt %add3A_46 : vector<1x128xf32>
    %get3A_47 = arith.constant 0 : index
    %get3A_48 = arith.constant 0 : index
    %get3A_49 = vector.load %arg5[%get3A_47, %get3A_48] : memref<1x128xf32, #tpu.memory_space<vmem>>, vector<1x128xf32>
    %mul3A = arith.mulf %rsqrt3A, %get3A_49 : vector<1x128xf32>
    %mul3A_50 = vector.broadcast %mul3A : vector<1x128xf32> to vector<10000x128xf32>
    %mul3A_51 = arith.mulf %sub3A_43, %mul3A_50 : vector<10000x128xf32>
    %get3A_52 = arith.constant 0 : index
    %get3A_53 = arith.constant 0 : index
    %get3A_54 = vector.load %arg6[%get3A_52, %get3A_53] : memref<1x128xf32, #tpu.memory_space<vmem>>, vector<1x128xf32>
    %add3A_55 = vector.broadcast %get3A_54 : vector<1x128xf32> to vector<10000x128xf32>
    %add3A_56 = arith.addf %mul3A_51, %add3A_55 : vector<10000x128xf32>
    %get3A_57 = arith.constant 0 : index
    %get3A_58 = arith.constant 0 : index
    %get3A_59 = vector.load %arg2[%get3A_57, %get3A_58] : memref<10000x128xf32, #tpu.memory_space<vmem>>, vector<10000x128xf32>
    %max3A_60 = arith.constant 0.000000e+00 : f32
    %max3A_61 = vector.broadcast %max3A_60 : f32 to vector<10000x128xf32>
    %max3A_62 = arith.maximumf %add3A_56, %max3A_61 : vector<10000x128xf32>
    %add3A_63 = arith.addf %get3A_59, %max3A_62 : vector<10000x128xf32>
    %swap3A = arith.constant 0 : index
    %swap3A_64 = arith.constant 0 : index
    %swap3A_65 = vector.load %arg7[%swap3A, %swap3A_64] : memref<10000x128xf32, #tpu.memory_space<vmem>>, vector<10000x128xf32>
    tpu.vector_store %arg7[%swap3A, %swap3A_64], %add3A_63 {strides = array<i32>} : memref<10000x128xf32, #tpu.memory_space<vmem>>, vector<10000x128xf32>,
    return
  }
}

</mosaic_0001>

<sc_bundles>
// kernel: kernel.4.cloned.1.call-start
scs
__scs_entry_jumppad:
0x0: {  	(pc) =	sbr.rel $0x88, $3  }
0x1: {  	(tag) =	ssettag $0x0;
	lr =	simm.s32 $0x1  }
0x2: {  	[smem:$0x3F9B] =	sst lr;
	_ =	strace $0xD0000000  }
0x3: {  	_ = 	snop  }
0x4: {  	_ = 	snop  }
0x5: {  	_ = 	snop  }
0x6: {  	_ = 	snop  }
0x7: {  	_ = 	snop  }
__scs_overlays_trampoline_lowered:
0x8: {  	[smem:$0x3FAA] =	sst s0  }
0x9: {  	[smem:$0x3FAB] =	sst s1  }
0xa: {  	[smem:$0x3FAC] =	sst s2  }
0xb: {  	[smem:$0x3FAD] =	sst s3  }
0xc: {  	[smem:$0x3FAE] =	sst s4  }
0xd: {  	[smem:$0x3FAF] =	sst s5  }
0xe: {  	[smem:$0x3FB0] =	sst s6  }
0xf: {  	[smem:$0x3FB1] =	sst s7  }
0x10: {  	[smem:$0x3FB2] =	sst s8  }
0x11: {  	[smem:$0x3FB3] =	sst s9;
	s0 =	simm.s32 @!p0 $0x0  }
0x12: {  	s1 =	sld [smem:$0x3F99];
	s0 =	simm.s32 @p0 $0x1  }
0x13: {  	[smem:$0x3FB4] =	sst s0;
	s0 =	simm.s32 @!p1 $0x0  }
0x14: {  	s2 =	sld [smem:$0x3F98];
	s0 =	simm.s32 @p1 $0x1  }
0x15: {  	[smem:$0x3FB5] =	sst s0;
	s0 =	simm.s32 @!p2 $0x0  }
0x16: {  	s3 =	sld [smem:$0x3FDB];
	s0 =	simm.s32 @p2 $0x1  }
0x17: {  	s4 =	simm.s32 $0x1BF5;
	[smem:$0x3FB7] =	sst s0  }
0x18: {  	s0 =	sld [smem:$0x3F9A];
	_ =	swait.ge [sflag:s4], $0x0  }
0x19: {  	s7 =	sld [smem:$0x3F9B]  }
0x1a: {  	s8 =	sadd.s32 $0xFFFFE003, lr  }
0x1b: {  	s9 =	sadd.s32 $0xFFFFFEF7, lr;
	s5 =	simm.s32 $0xFFFFFFFF;
	p2 =	slt.u32 s8, $0xFFFFF086  }
0x1c: {  	p1 =	slt.u32 s9, $0xF7A;
	s5 =	simm.s32 @!p2 $0x0  }
0x1d: {  	s5 =	simm.s32 @p1 $0x1;
	p0 =	seq.s32 s7, s2  }
0x1e: {  	s7 =	smul.u32 @!p0 $0xF7A, s2;
	p2 =	seq.s32 @!p0 s5, $0x0  }
0x1f: {  	s9 =	smul.u32 $0xF7A, s1;
	s8 =	simm.s32 @!p0 $0x1BF5;
	p2 =	por !p2, p0  }
0x20: {  	[sflag:s8] =	ssyncset.s32 @!p0 $0xFFFFF086;
	s6 =	sadd.s32 @!p0 s3, s7;
	s7 =	simm.s32 @!p0 $0x108  }
0x21: {  	s3 =	sadd.s32 s3, s9;
	s6 =	sadd.s32 @!p0 $0x88, s6;
	s7 =	simm.s32 @p2 $0x1082  }
0x22: {  	[simem:s7], [sflag:s8] =	dma.local @!p0 [hbm:s6], $0xF7A  }
0x23: {  	s9 =	sor.u32 $0xD0000000, s2;
	s6 =	simm.s32 $0x108;
	_ =	swait.ge @!p0 [sflag:s8], $0x0  }
0x24: {  	s3 =	sadd.s32 $0x88, s3;
	s6 =	simm.s32 @!p1 $0x1082;
	[sflag:s4] =	ssyncset.s32 $0xFFFFF086  }
0x25: {  	[simem:s6], [sflag:s4] =	dma.local [hbm:s3], $0xF7A  }
0x26: {  	[smem:$0x3F9B] =	sst s1;
	(tag) =	ssettag s2;
	_ =	strace s9  }
0x27: {  	s1 =	sld [smem:$0x3FAB]  }
0x28: {  	s2 =	sld [smem:$0x3FAC]  }
0x29: {  	s4 =	sld [smem:$0x3FAE]  }
0x2a: {  	p0 =	seq.s32 s5, $0x0;
	s5 =	sld [smem:$0x3FAF]  }
0x2b: {  	s6 =	sld [smem:$0x3FB0]  }
0x2c: {  	s7 =	sld [smem:$0x3FB1]  }
0x2d: {  	s3 =	simm.s32 $0x108;
	s8 =	sld [smem:$0x3FB2]  }
0x2e: {  	s3 =	simm.s32 @!p0 $0x1082;
	s9 =	sld [smem:$0x3FB3]  }
0x2f: {  	lr =	sadd.s32 s0, s3;
	s0 =	sld [smem:$0x3FAA]  }
0x30: {  	s3 =	sld [smem:$0x3FAD]  }
0x31: {  	[smem:$0x3FB6] =	sst s10  }
0x32: {  	s10 =	sld [smem:$0x3FB4];
	_ =	sdelay $0x3  }
0x33: {  	p0 =	seq.s32 s10, $0x1;
	s10 =	sld [smem:$0x3FB6];
	_ =	sdelay $0x3  }
0x34: {  	[smem:$0x3FB6] =	sst s10  }
0x35: {  	s10 =	sld [smem:$0x3FB5];
	_ =	sdelay $0x3  }
0x36: {  	p1 =	seq.s32 s10, $0x1;
	s10 =	sld [smem:$0x3FB6];
	_ =	sdelay $0x3  }
0x37: {  	[smem:$0x3FB6] =	sst s10  }
0x38: {  	s10 =	sld [smem:$0x3FB7]  }
0x39: {  	_ = 	snop;
	(pc) =	sbr.ind lr, $3  }
0x3a: {  	_ = 	snop  }
0x3b: {  	_ = 	snop  }
0x3c: {  	p2 =	seq.s32 s10, $0x1;
	s10 =	sld [smem:$0x3FB6]  }
0x3d: {  	_ =	shalt  }
0x3e: {  	_ =	shalt  }
0x3f: {  	_ =	shalt  }
0x40: {  	_ =	shalt  }
0x41: {  	_ =	shalt  }
0x42: {  	_ =	shalt  }
0x43: {  	_ =	shalt  }
0x44: {  	_ =	shalt  }
0x45: {  	_ =	shalt  }
0x46: {  	_ =	shalt  }
0x47: {  	_ =	shalt  }
0x48: {  	_ =	shalt  }
0x49: {  	_ =	shalt  }
0x4a: {  	_ =	shalt  }
0x4b: {  	_ =	shalt  }
0x4c: {  	_ =	shalt  }
0x4d: {  	_ =	shalt  }
0x4e: {  	_ =	shalt  }
0x4f: {  	_ =	shalt  }
0x50: {  	_ =	shalt  }
0x51: {  	_ =	shalt  }
0x52: {  	_ =	shalt  }
0x53: {  	_ =	shalt  }
0x54: {  	_ =	shalt  }
0x55: {  	_ =	shalt  }
0x56: {  	_ =	shalt  }
0x57: {  	_ =	shalt  }
0x58: {  	_ =	shalt  }
0x59: {  	_ =	shalt  }
0x5a: {  	_ =	shalt  }
0x5b: {  	_ =	shalt  }
0x5c: {  	_ =	shalt  }
0x5d: {  	_ =	shalt  }
0x5e: {  	_ =	shalt  }
0x5f: {  	_ =	shalt  }
0x60: {  	_ =	shalt  }
0x61: {  	_ =	shalt  }
0x62: {  	_ =	shalt  }
0x63: {  	_ =	shalt  }
0x64: {  	_ =	shalt  }
0x65: {  	_ =	shalt  }
0x66: {  	_ =	shalt  }
0x67: {  	_ =	shalt  }
0x68: {  	_ =	shalt  }
0x69: {  	_ =	shalt  }
0x6a: {  	_ =	shalt  }
0x6b: {  	_ =	shalt  }
0x6c: {  	_ =	shalt  }
0x6d: {  	_ =	shalt  }
0x6e: {  	_ =	shalt  }
0x6f: {  	_ =	shalt  }
0x70: {  	_ =	shalt  }
0x71: {  	_ =	shalt  }
0x72: {  	_ =	shalt  }
0x73: {  	_ =	shalt  }
0x74: {  	_ =	shalt  }
0x75: {  	_ =	shalt  }
0x76: {  	_ =	shalt  }
0x77: {  	_ =	shalt  }
0x78: {  	_ =	shalt  }
0x79: {  	_ =	shalt  }
0x7a: {  	_ =	shalt  }
0x7b: {  	_ =	shalt  }
0x7c: {  	_ =	shalt  }
0x7d: {  	_ =	shalt  }
0x7e: {  	_ =	shalt  }
0x7f: {  	_ =	shalt  }
0x80: {  	_ =	shalt  }
0x81: {  	_ =	shalt  }
0x82: {  	_ =	shalt  }
0x83: {  	_ =	shalt  }
0x84: {  	_ =	shalt  }
0x85: {  	_ =	shalt  }
0x86: {  	_ =	shalt  }
0x87: {  	_ =	shalt  }
.Lfunc_end0:
.L_simem_size_0:
called_computation_lowered:
.L_overlay_start_0:
0x88: {  	s2 =	sld [smem:$0x3FD9]  }
0x89: {  	s3 =	sld [smem:$0x3FFE];
	_ =	sdelay $0x1  }
0x8a: {  	s1 =	srdreg.scid  }
0x8b: {  	s0 =	sand.u32 $0x1, s1  }
0x8c: {  	s17 =	sshll.u32 s0, $0xA;
	s2 =	sadd.s32 s3, s2  }
0x8d: {  	s2 =	sadd.s32 s2, s17  }
0x8e: {  	[smem:$0x3FC2] =	sst s2  }
0x8f: {  	_ = 	snop  }
0x90: {  	s2 =	sld [smem:$0x3FC9]  }
0x91: {  	s18 =	sld [smem:$0x3FC8]  }
0x92: {  	s4 =	sld [smem:$0x3FD0];
	(tm) =	ssettm $0x1  }
0x93: {  	s5 =	sld [smem:$0x3FFB];
	_ =	sdelay $0x3  }
0x94: {  	_ =	strace s5  }
0x95: {  	s5 =	sld [smem:$0x3FFC];
	_ =	sdelay $0x3  }
0x96: {  	_ =	strace s5  }
0x97: {  	s5 =	sld [smem:$0x3FFD];
	_ =	sdelay $0x3  }
0x98: {  	_ =	strace s5  }
0x99: {  	_ =	strace $0x8FFFFFFF  }
0x9a: {  	s19 =	sld [smem:$0x3FDB];
	_ =	sdelay $0x1  }
0x9b: {  	s6 =	simm.s32 $_scs_section_size  }
0x9c: {  	s7 =	simm.s32 $_size__tile_overlayer_lowered;
	s8 =	simm.s32 $_tile_overlayer_lowered  }
0x9d: {  	s22 =	simm.s32 $0x1BFF;
	s21 =	sshll.u32 s8, $0x1;
	s5 =	sadd.s32 s6, s19  }
0x9e: {  	s9 =	simm.s32 $0x0;
	s20 =	sshll.u32 s7, $0x1;
	s7 =	sadd.s32 s21, s5  }
0x9f: {  	[timem:s9], [sflag:s22] =	dma.local [hbm:s7], s20  }
0xa0: {  	_ =	swait.ge [sflag:s22], s20  }
0xa1: {  	s6 =	ssub.s32 $0x0, s20;
	[sflag:s22] =	ssyncset.done $0x0  }
0xa2: {  	[sflag:s22] =	ssyncadd.s32 s6;
	_ =	sdelay $0x1  }
0xa3: {  	s23 =	simm.s32 $0x1B8B  }
0xa4: {  	_ =	swait.ge [sflag:s23], $0x1  }
0xa5: {  	[sflag:s23] =	ssyncset.done $0x0  }
0xa6: {  	s25 =	simm.s32 $0x1B8E;
	s24 =	sld [smem:$0x3FFE];
	[sflag:s23] =	ssyncadd.s32 $0xFFFFFFFF  }
0xa7: {  	s26 =	simm.s32 $execute0_lowered;
	[smem:$0x3FD2] =	sst s25  }
0xa8: {  	s7 =	sshll.u32 s26, $0x1;
	_ =	strace $0x80000046;
	[dreg:$0x1] =	wrdreg $0xFFFFFFFF  }
0xa9: {  	s28 =	simm.s32 $_size_execute0_lowered;
	s5 =	sadd.s32 s5, s7;
	[dreg:$0x0] =	wrdreg $0x0  }
0xaa: {  	s7 =	sshll.u32 s28, $0x1;
	[dreg:$0x2] =	wrdreg s5  }
0xab: {  	[dreg:$0x3] =	wrdreg s7  }
0xac: {  	[dreg:$0x4] =	wrdreg $0xC0  }
0xad: {  	_ =	task [dreg:s9], $0x5FFFF  }
0xae: {  	[dreg:$0x1] =	wrdreg $0xFFFFFFFF  }
0xaf: {  	[dreg:$0x0] =	wrdreg $0x60  }
0xb0: {  	[dreg:$0x2] =	wrdreg s2  }
0xb1: {  	[dreg:$0x3] =	wrdreg s18  }
0xb2: {  	[dreg:$0x4] =	wrdreg s24  }
0xb3: {  	[dreg:$0x5] =	wrdreg s4  }
0xb4: {  	[dreg:$0x6] =	wrdreg $0x91000  }
0xb5: {  	[dreg:$0x7] =	wrdreg $0x1D1000  }
0xb6: {  	[dreg:$0x8] =	wrdreg $0x9  }
0xb7: {  	_ =	task.clear_ibuf [dreg:s9], $0x9FFFF;
	_ =	strace $0x90000046  }
0xb8: {  	s29 =	simm.s32 $0x9;
	_ =	strace $0x80000048  }
0xb9: {  	_ =	swait.ge [sflag:s29], $0x1  }
0xba: {  	[sflag:s29] =	ssyncadd.s32 $0xFFFFFFFF  }
0xbb: {  	_ =	strace $0x90000048  }
0xbc: {  	_ =	sfence  }
0xbd: {  	s30 =	sld [smem:$0x0];
	_ =	sdelay $0x2  }
0xbe: {  	s31 =	sshll.u32 s1, $0xD;
	s1 =	sshrl.u32 s1, $0x2  }
0xbf: {  	s3 =	sand.u32 $0x4000, s31;
	s1 =	sadd.s32 s1, s30  }
0xc0: {  	s0 =	sor.u32 s3, s0;
	s1 =	sshll.u32 s1, $0x11  }
0xc1: {  	s0 =	sor.u32 s1, s0  }
0xc2: {  	s0 =	sadd.s32 $0x8F2B, s0  }
0xc3: {  	[sflag:s0] =	ssyncadd.remote.s32 $0x1  }
0xc4: {  	_ =	sfence.sel $0xFFFF  }
0xc5: {  	[dreg:$0x0] =	wrdreg $0xFFFFFFFF;
	(pc) =	sbr.abs _section_cstart, $3  }
0xc6: {  	[dreg:$0x1] =	wrdreg $0xFFFFFFFF  }
0xc7: {  	_ =	task.clear_ibuf [dreg:s9], $0x2FFFF;
	_ =	strace $0x9FFFFFFF  }
0xc8: {  	(tm) =	ssettm $0x7FFFFFFF  }
0xc9: {  	_ =	shalt  }
tec
execute0_lowered:
.L_overlay_start_1:
0x0: {  	(tag) =	ssettag $0x1  }
0x1: {  	s0 =	rddreg [dreg:$0x0]  }
0x2: {  	s1 =	rddreg [dreg:$0x1]  }
0x3: {  	s2 =	rddreg [dreg:$0x2]  }
0x4: {  	s3 =	rddreg [dreg:$0x3]  }
0x5: {  	s4 =	rddreg [dreg:$0x4];
	s6 =	srdreg.scid  }
0x6: {  	s5 =	rddreg [dreg:$0x5];
	s15 =	stileid.u32;
	s28 =	simm.s32 $0x80  }
0x7: {  	s29 =	simm.s32 $0x5000;
	s31 =	simm.s32 $0x1;
	s9 =	smul.u32 $0x14000, s15  }
0x8: {  	s8 =	sand.u32 $0x1, s6;
	s6 =	simm.s32 $0x0;
	s20 =	smul.u32 $0x280, s15  }
0x9: {  	s12 =	smul.u32 $0x50000, s15;
	s30 =	sadd.s32 $0x90, s1;
	[smem:$0x7FF] =	sst s6  }
0xa: {  	s7 =	smul.u32 $0x140000, s8;
	s11 =	ssub.s32 $0x2, s8;
	_ =	strace $0x80000047  }
0xb: {  	s21 =	sshrl.u32 s11, $0x1;
	s22 =	sshrl.u32 s12, $0x2;
	s23 =	sadd.s32 $0x80, s20  }
0xc: {  	s24 =	sadd.s32 s20, s5;
	s26 =	sadd.s32 $0x100, s20;
	s13 =	sadd.s32 $0x180, s20  }
0xd: {  	s20 =	sadd.s32 $0x200, s20;
	s7 =	sadd.s32 s9, s7;
	s11 =	ssub.s32 s11, s21  }
0xe: {  	s17 =	sadd.s32 s22, s4;
	[dreg:$0x8] =	wrdreg s24;
	s25 =	sshll.u32 s23, $0x7  }
0xf: {  	s12 =	sadd.s32 s23, s5;
	s16 =	sshll.u32 s26, $0x7;
	s14 =	sshll.u32 s13, $0x7  }
0x10: {  	s19 =	sadd.s32 s13, s5;
	s21 =	sshll.u32 s8, $0x4;
	s22 =	sshll.u32 s20, $0x7  }
0x11: {  	s23 =	smul.u32 $0x500, s15;
	s8 =	sshll.u32 s8, $0x7;
	[dreg:$0xa] =	wrdreg s12  }
0x12: {  	s10 =	sshrl.u32 s7, $0x3;
	s7 =	sadd.s32 $0x1600, s2;
	[dreg:$0xe] =	wrdreg s19  }
0x13: {  	s12 =	sadd.s32 s16, s4;
	s18 =	sadd.s32 s14, s4;
	[dreg:$0x7] =	wrdreg s17  }
0x14: {  	s9 =	sor.u32 s15, s21;
	s10 =	sadd.s32 s10, s2;
	[dreg:$0xb] =	wrdreg s12  }
0x15: {  	s2 =	sadd.s32 s25, s4;
	[dreg:$0xd] =	wrdreg s18;
	s24 =	smul.u32 $0xA00, s9  }
0x16: {  	s12 =	sadd.s32 s22, s4;
	s18 =	smul.u32 $0x50, s9;
	[dreg:$0x9] =	wrdreg s2  }
0x17: {  	s25 =	sor.u32 s8, s23;
	s2 =	sadd.s32 s26, s5;
	[dreg:$0xf] =	wrdreg s12  }
0x18: {  	s23 =	sadd.s32 $0x30, s1;
	s22 =	sadd.s32 $0x1E00, s10;
	[dreg:$0xc] =	wrdreg s2  }
0x19: {  	s8 =	simm.s32 $0x0;
	s2 =	sadd.s32 s20, s5;
	[dreg:$0x1b] =	wrdreg s22  }
0x1a: {  	s10 =	simm.s32 $0x4;
	s26 =	sadd.s32 s1, s24;
	[dreg:$0x10] =	wrdreg s2  }
0x1b: {  	s20 =	sadd.s32 $0x10, s1;
	s12 =	sadd.s32 s24, s23;
	[dreg:$0x11] =	wrdreg s26  }
0x1c: {  	s16 =	sadd.s32 s24, s30;
	s2 =	sshrl.u32 s25, $0x3;
	[dreg:$0x14] =	wrdreg s12  }
0x1d: {  	s9 =	sadd.s32 s24, s20;
	s25 =	sadd.s32 $0x50, s1;
	[dreg:$0x17] =	wrdreg s16  }
0x1e: {  	s26 =	sadd.s32 $0x70, s1;
	s2 =	sadd.s32 s3, s2;
	[dreg:$0x13] =	wrdreg s9  }
0x1f: {  	s12 =	sadd.s32 $0xF0, s1;
	s13 =	sadd.s32 s24, s25;
	[dreg:$0x12] =	wrdreg s2  }
0x20: {  	s15 =	sadd.s32 s24, s26;
	s3 =	sadd.s32 $0xD0, s1;
	[dreg:$0x15] =	wrdreg s13  }
.Ltmp0:
0x21: {  	[dreg:$0x16] =	wrdreg s15;
	s21 =	sadd.s32 s24, s3;
	(pc) =	sbr.rel .LBB2_1-.Ltmp0, $4  }
0x22: {  	s2 =	sadd.s32 $0xB0, s1;
	s1 =	sadd.s32 s24, s12;
	[dreg:$0x19] =	wrdreg s21  }
0x23: {  	s16 =	simm.s32 $0x1000;
	s19 =	sadd.s32 s24, s2;
	[dreg:$0x1a] =	wrdreg s1  }
0x24: {  	s24 =	smax.u32 s11, $0x1;
	s21 =	simm.s32 $0x2;
	[dreg:$0x18] =	wrdreg s19  }
0x25: {  	v0 =	vimm.f32 $0.0e+00;
	v1 =	vimm.f32 $1.000000000e+00;
	s11 =	simm.s32 $0x9000;
	[dreg:$0x1c] =	wrdreg s24;
	s24 =	simm.s32 $0x3  }
.LBB2_8:
0x26: {  	_ =	swait.ge [sflag:s31], $0x4000  }
0x27: {  	[sflag:s31] =	ssyncset.done $0x0  }
0x28: {  	[sflag:s31] =	ssyncadd.s32 $0xFFFFC000  }
0x29: {  	_ =	swait.ge [sflag:s31], $0x4000  }
0x2a: {  	[sflag:s31] =	ssyncset.done $0x0  }
0x2b: {  	[sflag:s31] =	ssyncadd.s32 $0xFFFFC000  }
0x2c: {  	_ =	swait.ge [sflag:s21], $0x80  }
0x2d: {  	[sflag:s21] =	ssyncset.done $0x0  }
0x2e: {  	[sflag:s21] =	ssyncadd.s32 $0xFFFFFF80  }
0x2f: {  	_ =	swait.ge [sflag:s21], $0x80  }
0x30: {  	[sflag:s21] =	ssyncset.done $0x0  }
0x31: {  	[sflag:s21] =	ssyncadd.s32 $0xFFFFFF80  }
0x32: {  	_ =	swait.ge [sflag:s21], $0x80  }
0x33: {  	[sflag:s21] =	ssyncset.done $0x0  }
0x34: {  	[sflag:s21] =	ssyncadd.s32 $0xFFFFFF80  }
0x35: {  	_ =	swait.ge [sflag:s21], $0x80  }
0x36: {  	[sflag:s21] =	ssyncset.done $0x0  }
0x37: {  	[sflag:s21] =	ssyncadd.s32 $0xFFFFFF80  }
0x38: {  	_ =	swait.ge [sflag:s21], $0x80  }
0x39: {  	[sflag:s21] =	ssyncset.done $0x0  }
0x3a: {  	[sflag:s21] =	ssyncadd.s32 $0xFFFFFF80  }
0x3b: {  	_ =	swait.ge [sflag:s21], $0x80  }
0x3c: {  	[sflag:s21] =	ssyncset.done $0x0  }
0x3d: {  	[sflag:s21] =	ssyncadd.s32 $0xFFFFFF80  }
0x3e: {  	_ =	swait.ge [sflag:s21], $0x80  }
0x3f: {  	[sflag:s21] =	ssyncset.done $0x0  }
0x40: {  	[sflag:s21] =	ssyncadd.s32 $0xFFFFFF80  }
0x41: {  	_ =	swait.ge [sflag:s21], $0x80  }
0x42: {  	[sflag:s21] =	ssyncset.done $0x0  }
0x43: {  	[sflag:s21] =	ssyncadd.s32 $0xFFFFFF80  }
0x44: {  	s1 =	stileid.u32;
	[bflag:$0x0] =	sbarrier.arrive $0xFFFF  }
0x45: {  	s1 =	sshll.u32 s1, $0x6;
	s17 =	rddreg [dreg:$0x7]  }
0x46: {  	s1 =	sor.u32 $0x1C04, s1;
	s9 =	rddreg [dreg:$0x1b];
	s8 =	sshrl.u32 s17, $0x3  }
0x47: {  	[hbm:s9], [sflag:s1] =	dma.local [spmem:s8], $0x2800  }
0x48: {  	_ =	swait.ge [sflag:s10], $0x2800  }
0x49: {  	s14 =	rddreg [dreg:$0x8]  }
0x4a: {  	s13 =	simm.s32 $0x20;
	[sflag:s10] =	ssyncset.done $0x0;
	s15 =	rddreg [dreg:$0x12]  }
0x4b: {  	[sflag:s10] =	ssyncadd.s32 $0xFFFFD800;
	s8 =	sshrl.u32 s14, $0x3;
	s14 =	simm.s32 $0x10  }
0x4c: {  	[hbm:s15@s13], [sflag:s1] =	dma.strided [spmem:s8@s14], $0x50, s31, $0x10   }
0x4d: {  	_ =	swait.ge [sflag:s10], $0x50  }
0x4e: {  	s19 =	rddreg [dreg:$0x1d]  }
0x4f: {  	s22 =	rddreg [dreg:$0x1c];
	s8 =	sadd.s32 $0x1, s19  }
0x50: {  	p0 =	sne.s32 s8, s22  }
.Ltmp1:
0x51: {  	_ = 	snop;
	(pc) =	sbr.rel @!p0 .LBB2_9-.Ltmp1, $3  }
0x52: {  	_ =	sdelay $0x1  }
0x53: {  	[sflag:s10] =	ssyncset.done $0x0  }
0x54: {  	[sflag:s10] =	ssyncadd.s32 $0xFFFFFFB0  }
.LBB2_1:
0x55: {  	[dreg:$0x1d] =	wrdreg s8;
	s8 =	simm.s32 $0x0;
	s9 =	simm.s32 $0x200  }
.LBB2_2:
0x56: {  	p0 =	sne.s32 s9, $0xFE00;
	[tilespmem:s8+$0x1070] =	vst v0  }
0x57: {  	[tilespmem:s8+$0x1000] =	vst v0  }
0x58: {  	[tilespmem:s8+$0x1010] =	vst v0  }
.Ltmp2:
0x59: {  	[tilespmem:s8+$0x1020] =	vst v0;
	(pc) =	sbr.rel @p0 .LBB2_2-.Ltmp2, $4  }
0x5a: {  	[tilespmem:s8+$0x1030] =	vst v0  }
0x5b: {  	[tilespmem:s8+$0x1040] =	vst v0  }
0x5c: {  	[tilespmem:s8+$0x1050] =	vst v0  }
0x5d: {  	[tilespmem:s8+$0x1060] =	vst v0;
	s8 =	sshra.s32 s9, $0x2;
	s9 =	sadd.s32 $0x200, s9  }
0x5e: {  	[tilespmem:s8+$0x1070] =	vst v0  }
0x5f: {  	[tilespmem:s8+$0x1000] =	vst v0  }
0x60: {  	[tilespmem:s8+$0x1010] =	vst v0  }
0x61: {  	[tilespmem:s8+$0x1020] =	vst v0  }
0x62: {  	[tilespmem:s8+$0x1030] =	vst v0  }
0x63: {  	[tilespmem:s8+$0x1040] =	vst v0  }
0x64: {  	[tilespmem:s8+$0x1050] =	vst v0  }
0x65: {  	[tilespmem:s8+$0x1060] =	vst v0  }
0x66: {  	[tilespmem:$0x9000] =	vst v1  }
0x67: {  	[tilespmem:$0x9080] =	vst v0  }
0x68: {  	[tilespmem:$0x9010] =	vst v1  }
0x69: {  	[tilespmem:$0x9090] =	vst v0  }
0x6a: {  	[tilespmem:$0x9020] =	vst v1  }
0x6b: {  	[tilespmem:$0x90A0] =	vst v0  }
0x6c: {  	[tilespmem:$0x9030] =	vst v1  }
0x6d: {  	[tilespmem:$0x90B0] =	vst v0  }
0x6e: {  	[tilespmem:$0x9040] =	vst v1  }
0x6f: {  	[tilespmem:$0x90C0] =	vst v0  }
0x70: {  	[tilespmem:$0x9050] =	vst v1  }
0x71: {  	[tilespmem:$0x90D0] =	vst v0  }
0x72: {  	[tilespmem:$0x9060] =	vst v1  }
0x73: {  	[tilespmem:$0x90E0] =	vst v0  }
0x74: {  	[tilespmem:$0x9070] =	vst v1  }
0x75: {  	[tilespmem:$0x90F0] =	vst v0  }
0x76: {  	[spmem:s17] =	stream.linear.scatter [tilespmem:s16], [sflag:$0x2], $0x4000, $0x38;
	[tilespmem:$0x1D380] =	vst v63  }
0x77: {  	s1 =	rddreg [dreg:$0x8];
	s8 =	simm.s32 $0x9080  }
0x78: {  	[spmem:s1] =	stream.linear.scatter [tilespmem:s8], [sflag:$0x2], $0x80, $0x38;
	[tilespmem:$0x1D380] =	vst v63  }
0x79: {  	s17 =	rddreg [dreg:$0x9]  }
0x7a: {  	[spmem:s17] =	stream.linear.scatter [tilespmem:s16], [sflag:$0x2], $0x4000, $0x38;
	[tilespmem:$0x1D380] =	vst v63  }
0x7b: {  	s19 =	rddreg [dreg:$0xa]  }
0x7c: {  	[spmem:s19] =	stream.linear.scatter [tilespmem:s8], [sflag:$0x2], $0x80, $0x38;
	[tilespmem:$0x1D380] =	vst v63  }
0x7d: {  	s22 =	rddreg [dreg:$0xb]  }
0x7e: {  	[spmem:s22] =	stream.linear.scatter [tilespmem:s16], [sflag:$0x2], $0x4000, $0x38;
	[tilespmem:$0x1D380] =	vst v63  }
0x7f: {  	s9 =	rddreg [dreg:$0xc]  }
0x80: {  	[spmem:s9] =	stream.linear.scatter [tilespmem:s8], [sflag:$0x2], $0x80, $0x38;
	[tilespmem:$0x1D380] =	vst v63  }
0x81: {  	s13 =	rddreg [dreg:$0xd]  }
0x82: {  	[spmem:s13] =	stream.linear.scatter [tilespmem:s16], [sflag:$0x2], $0x4000, $0x38;
	[tilespmem:$0x1D380] =	vst v63  }
0x83: {  	s14 =	rddreg [dreg:$0xe]  }
0x84: {  	[spmem:s14] =	stream.linear.scatter [tilespmem:s8], [sflag:$0x2], $0x80, $0x38;
	[tilespmem:$0x1D380] =	vst v63  }
0x85: {  	s15 =	rddreg [dreg:$0xf]  }
0x86: {  	[spmem:s15] =	stream.linear.scatter [tilespmem:s16], [sflag:$0x2], $0x4000, $0x38;
	[tilespmem:$0x1D380] =	vst v63  }
0x87: {  	s17 =	rddreg [dreg:$0x10]  }
0x88: {  	[spmem:s17] =	stream.linear.scatter [tilespmem:s8], [sflag:$0x2], $0x80, $0x38;
	[tilespmem:$0x1D380] =	vst v63  }
0x89: {  	_ =	swait.ge [sflag:s21], $0x4000  }
0x8a: {  	[sflag:s21] =	ssyncset.done $0x0  }
0x8b: {  	[sflag:s21] =	ssyncadd.s32 $0xFFFFC000  }
0x8c: {  	_ =	swait.ge [sflag:s21], $0x80  }
0x8d: {  	[sflag:s21] =	ssyncset.done $0x0  }
0x8e: {  	[sflag:s21] =	ssyncadd.s32 $0xFFFFFF80  }
0x8f: {  	_ =	swait.ge [sflag:s21], $0x4000  }
0x90: {  	[sflag:s21] =	ssyncset.done $0x0  }
0x91: {  	[sflag:s21] =	ssyncadd.s32 $0xFFFFC000  }
0x92: {  	_ =	swait.ge [sflag:s21], $0x80  }
0x93: {  	[sflag:s21] =	ssyncset.done $0x0  }
0x94: {  	[sflag:s21] =	ssyncadd.s32 $0xFFFFFF80  }
0x95: {  	_ =	swait.ge [sflag:s21], $0x4000  }
0x96: {  	[sflag:s21] =	ssyncset.done $0x0  }
0x97: {  	[sflag:s21] =	ssyncadd.s32 $0xFFFFC000  }
0x98: {  	_ =	swait.ge [sflag:s21], $0x80  }
0x99: {  	[sflag:s21] =	ssyncset.done $0x0  }
0x9a: {  	[sflag:s21] =	ssyncadd.s32 $0xFFFFFF80  }
0x9b: {  	_ =	swait.ge [sflag:s21], $0x4000  }
0x9c: {  	[sflag:s21] =	ssyncset.done $0x0  }
0x9d: {  	[sflag:s21] =	ssyncadd.s32 $0xFFFFC000  }
0x9e: {  	_ =	swait.ge [sflag:s21], $0x80  }
0x9f: {  	[sflag:s21] =	ssyncset.done $0x0  }
0xa0: {  	[sflag:s21] =	ssyncadd.s32 $0xFFFFFF80  }
0xa1: {  	_ =	swait.ge [sflag:s21], $0x4000  }
0xa2: {  	[sflag:s21] =	ssyncset.done $0x0  }
0xa3: {  	[sflag:s21] =	ssyncadd.s32 $0xFFFFC000  }
0xa4: {  	_ =	swait.ge [sflag:s21], $0x80  }
0xa5: {  	[sflag:s21] =	ssyncset.done $0x0  }
0xa6: {  	[sflag:s21] =	ssyncadd.s32 $0xFFFFFF80  }
0xa7: {  	[bflag:$0x0] =	sbarrier.arrive $0xFFFF  }
0xa8: {  	s14 =	simm.s32 $0x0;
	s1 =	rddreg [dreg:$0x11]  }
0xa9: {  	[tilespmem:s14], [sflag:$0x3] =	stream.linear.gather [hbm4b:s1+s14], $0x80, $0x38;
	[tilespmem:$0x1D380] =	vst v63  }
0xaa: {  	s9 =	simm.s32 $0x100;
	s19 =	sadd.s32 $0x20, s1  }
0xab: {  	[tilespmem:s9], [sflag:$0x3] =	stream.linear.gather [hbm4b:s19+s14], $0x80, $0x38;
	[tilespmem:$0x1D380] =	vst v63  }
0xac: {  	s13 =	simm.s32 $0x200;
	s22 =	sadd.s32 $0x40, s1  }
0xad: {  	[tilespmem:s13], [sflag:$0x3] =	stream.linear.gather [hbm4b:s22+s14], $0x80, $0x38;
	[tilespmem:$0x1D380] =	vst v63  }
0xae: {  	s17 =	simm.s32 $0x300;
	s15 =	sadd.s32 $0x60, s1  }
0xaf: {  	[tilespmem:s17], [sflag:$0x3] =	stream.linear.gather [hbm4b:s15+s14], $0x80, $0x38;
	[tilespmem:$0x1D380] =	vst v63  }
0xb0: {  	s19 =	sadd.s32 $0x80, s1;
	s22 =	simm.s32 $0x400  }
0xb1: {  	[tilespmem:s22], [sflag:$0x3] =	stream.linear.gather [hbm4b:s19+s14], $0x80, $0x38;
	[tilespmem:$0x1D380] =	vst v63  }
0xb2: {  	s15 =	sadd.s32 $0xA0, s1;
	s17 =	simm.s32 $0x500  }
0xb3: {  	[tilespmem:s17], [sflag:$0x3] =	stream.linear.gather [hbm4b:s15+s14], $0x80, $0x38;
	[tilespmem:$0x1D380] =	vst v63  }
0xb4: {  	s19 =	sadd.s32 $0xC0, s1;
	s22 =	simm.s32 $0x600  }
0xb5: {  	[tilespmem:s22], [sflag:$0x3] =	stream.linear.gather [hbm4b:s19+s14], $0x80, $0x38;
	[tilespmem:$0x1D380] =	vst v63  }
0xb6: {  	s13 =	simm.s32 $0x700;
	s1 =	sadd.s32 $0xE0, s1  }
0xb7: {  	[tilespmem:s13], [sflag:$0x3] =	stream.linear.gather [hbm4b:s1+s14], $0x80, $0x38;
	[tilespmem:$0x1D380] =	vst v63  }
0xb8: {  	s15 =	rddreg [dreg:$0x13];
	s17 =	simm.s32 $0x800  }
0xb9: {  	[tilespmem:s17], [sflag:$0x3] =	stream.linear.gather [hbm4b:s15+s14], $0x80, $0x38;
	[tilespmem:$0x1D380] =	vst v63  }
0xba: {  	s19 =	rddreg [dreg:$0x14];
	s22 =	simm.s32 $0x880  }
0xbb: {  	[tilespmem:s22], [sflag:$0x3] =	stream.linear.gather [hbm4b:s19+s14], $0x80, $0x38;
	[tilespmem:$0x1D380] =	vst v63  }
0xbc: {  	s8 =	rddreg [dreg:$0x15];
	s13 =	simm.s32 $0x900  }
0xbd: {  	[tilespmem:s13], [sflag:$0x3] =	stream.linear.gather [hbm4b:s8+s14], $0x80, $0x38;
	[tilespmem:$0x1D380] =	vst v63  }
0xbe: {  	s15 =	rddreg [dreg:$0x16];
	s17 =	simm.s32 $0x980  }
0xbf: {  	[tilespmem:s17], [sflag:$0x3] =	stream.linear.gather [hbm4b:s15+s14], $0x80, $0x38;
	[tilespmem:$0x1D380] =	vst v63  }
0xc0: {  	s19 =	rddreg [dreg:$0x17];
	s22 =	simm.s32 $0xA00  }
0xc1: {  	[tilespmem:s22], [sflag:$0x3] =	stream.linear.gather [hbm4b:s19+s14], $0x80, $0x38;
	[tilespmem:$0x1D380] =	vst v63  }
0xc2: {  	s8 =	rddreg [dreg:$0x18];
	s13 =	simm.s32 $0xA80  }
0xc3: {  	[tilespmem:s13], [sflag:$0x3] =	stream.linear.gather [hbm4b:s8+s14], $0x80, $0x38;
	[tilespmem:$0x1D380] =	vst v63  }
0xc4: {  	s15 =	rddreg [dreg:$0x19];
	s17 =	simm.s32 $0xB00  }
0xc5: {  	[tilespmem:s17], [sflag:$0x3] =	stream.linear.gather [hbm4b:s15+s14], $0x80, $0x38;
	[tilespmem:$0x1D380] =	vst v63  }
0xc6: {  	s19 =	rddreg [dreg:$0x1a];
	s22 =	simm.s32 $0xB80  }
0xc7: {  	[tilespmem:s22], [sflag:$0x3] =	stream.linear.gather [hbm4b:s19+s14], $0x80, $0x38;
	[tilespmem:$0x1D380] =	vst v63  }
0xc8: {  	_ =	swait.ge [sflag:s24], $0x400  }
0xc9: {  	[sflag:s24] =	ssyncset.done $0x0  }
0xca: {  	[sflag:s24] =	ssyncadd.s32 $0xFFFFFC00  }
0xcb: {  	_ =	swait.ge [sflag:s24], $0x400  }
.Ltmp3:
0xcc: {  	[sflag:s24] =	ssyncset.done $0x0;
	(pc) =	sbr.rel .LBB2_4-.Ltmp3, $4  }
0xcd: {  	[sflag:s24] =	ssyncadd.s32 $0xFFFFFC00  }
0xce: {  	[tilespmem:s16], [sflag:$0x1] =	stream.indirect.gather [hbm4b:s0+s28], $0x80, s14, s28, $0xb8;
	[tilespmem:$0x1D380] =	vst v63  }
0xcf: {  	s13 =	simm.s32 $0x8  }
0xd0: {  	[tilespmem:s29], [sflag:$0x1] =	stream.indirect.gather [hbm4b:s0+s28], $0x80, s9, s28, $0xb8;
	[tilespmem:$0x1D380] =	vst v63  }
.LBB2_6:
0xd1: {  	s17 =	sshll.u32 s17, $0x8  }
0xd2: {  	s1 =	sadd.s32 $0xFFF64000, s17  }
0xd3: {  	s1 =	sshrl.u32 s1, $0x3  }
0xd4: {  	s1 =	sadd.s32 s7, s1  }
0xd5: {  	[tilespmem:s15], [sflag:$0x3] =	stream.linear.gather [hbm4b:s1+s6], $0x80, $0x38;
	[tilespmem:$0x1D380] =	vst v63  }
0xd6: {  	s22 =	sor.u32 $0x100, s15;
	s19 =	sadd.s32 $0x20, s1  }
0xd7: {  	[tilespmem:s22], [sflag:$0x3] =	stream.linear.gather [hbm4b:s19+s6], $0x80, $0x38;
	[tilespmem:$0x1D380] =	vst v63  }
0xd8: {  	s19 =	sadd.s32 $0x40, s1;
	s22 =	sor.u32 $0x200, s15  }
0xd9: {  	[tilespmem:s22], [sflag:$0x3] =	stream.linear.gather [hbm4b:s19+s6], $0x80, $0x38;
	[tilespmem:$0x1D380] =	vst v63  }
0xda: {  	s19 =	sadd.s32 $0x60, s1;
	s22 =	sor.u32 $0x300, s15  }
0xdb: {  	[tilespmem:s22], [sflag:$0x3] =	stream.linear.gather [hbm4b:s19+s6], $0x80, $0x38;
	[tilespmem:$0x1D380] =	vst v63  }
0xdc: {  	s19 =	sadd.s32 $0x80, s1;
	s22 =	sor.u32 $0x400, s15  }
0xdd: {  	[tilespmem:s22], [sflag:$0x3] =	stream.linear.gather [hbm4b:s19+s6], $0x80, $0x38;
	[tilespmem:$0x1D380] =	vst v63  }
0xde: {  	s19 =	sadd.s32 $0xA0, s1;
	s22 =	sor.u32 $0x500, s15  }
0xdf: {  	[tilespmem:s22], [sflag:$0x3] =	stream.linear.gather [hbm4b:s19+s6], $0x80, $0x38;
	[tilespmem:$0x1D380] =	vst v63  }
0xe0: {  	s19 =	sadd.s32 $0xC0, s1;
	s22 =	sor.u32 $0x600, s15  }
0xe1: {  	[tilespmem:s22], [sflag:$0x3] =	stream.linear.gather [hbm4b:s19+s6], $0x80, $0x38;
	[tilespmem:$0x1D380] =	vst v63  }
0xe2: {  	s1 =	sadd.s32 $0xE0, s1;
	s22 =	sor.u32 $0x700, s15  }
0xe3: {  	[tilespmem:s22], [sflag:$0x3] =	stream.linear.gather [hbm4b:s1+s6], $0x80, $0x38;
	[tilespmem:$0x1D380] =	vst v63  }
0xe4: {  	s9 =	sshll.u32 s9, $0xC;
	s22 =	sadd.s32 $0xFFF64080, s17  }
0xe5: {  	s19 =	sshrl.u32 s9, $0x2;
	s1 =	sshrl.u32 s22, $0x3  }
0xe6: {  	s22 =	sor.u32 $0x800, s19;
	s1 =	sadd.s32 s7, s1  }
0xe7: {  	[tilespmem:s22], [sflag:$0x3] =	stream.linear.gather [hbm4b:s1+s6], $0x80, $0x38;
	[tilespmem:$0x1D380] =	vst v63  }
0xe8: {  	s22 =	sadd.s32 $0xFFF64180, s17  }
0xe9: {  	s1 =	sshrl.u32 s22, $0x3  }
0xea: {  	s22 =	sor.u32 $0x880, s19;
	s1 =	sadd.s32 s7, s1  }
0xeb: {  	[tilespmem:s22], [sflag:$0x3] =	stream.linear.gather [hbm4b:s1+s6], $0x80, $0x38;
	[tilespmem:$0x1D380] =	vst v63  }
0xec: {  	s22 =	sadd.s32 $0xFFF64280, s17  }
0xed: {  	s1 =	sshrl.u32 s22, $0x3  }
0xee: {  	s22 =	sor.u32 $0x900, s19;
	s1 =	sadd.s32 s7, s1  }
0xef: {  	[tilespmem:s22], [sflag:$0x3] =	stream.linear.gather [hbm4b:s1+s6], $0x80, $0x38;
	[tilespmem:$0x1D380] =	vst v63  }
0xf0: {  	s22 =	sadd.s32 $0xFFF64380, s17  }
0xf1: {  	s1 =	sshrl.u32 s22, $0x3  }
0xf2: {  	s22 =	sor.u32 $0x980, s19;
	s1 =	sadd.s32 s7, s1  }
0xf3: {  	[tilespmem:s22], [sflag:$0x3] =	stream.linear.gather [hbm4b:s1+s6], $0x80, $0x38;
	[tilespmem:$0x1D380] =	vst v63  }
0xf4: {  	s22 =	sadd.s32 $0xFFF64480, s17  }
0xf5: {  	s1 =	sshrl.u32 s22, $0x3  }
0xf6: {  	s22 =	sor.u32 $0xA00, s19;
	s1 =	sadd.s32 s7, s1  }
0xf7: {  	[tilespmem:s22], [sflag:$0x3] =	stream.linear.gather [hbm4b:s1+s6], $0x80, $0x38;
	[tilespmem:$0x1D380] =	vst v63  }
0xf8: {  	s22 =	sadd.s32 $0xFFF64580, s17  }
0xf9: {  	s1 =	sshrl.u32 s22, $0x3  }
0xfa: {  	s22 =	sor.u32 $0xA80, s19;
	s1 =	sadd.s32 s7, s1  }
0xfb: {  	[tilespmem:s22], [sflag:$0x3] =	stream.linear.gather [hbm4b:s1+s6], $0x80, $0x38;
	[tilespmem:$0x1D380] =	vst v63  }
0xfc: {  	s22 =	sadd.s32 $0xFFF64680, s17  }
0xfd: {  	s1 =	sshrl.u32 s22, $0x3  }
0xfe: {  	s19 =	sor.u32 $0xB00, s19;
	s22 =	sadd.s32 $0xFFF64780, s17;
	s1 =	sadd.s32 s7, s1  }
0xff: {  	[tilespmem:s19], [sflag:$0x3] =	stream.linear.gather [hbm4b:s1+s6], $0x80, $0x38;
	[tilespmem:$0x1D380] =	vst v63  }
0x100: {  	s1 =	sshrl.u32 s22, $0x3  }
0x101: {  	s17 =	sadd.s32 s7, s1  }
.LBB2_7:
0x102: {  	s1 =	sshrl.u32 s9, $0x2  }
0x103: {  	s1 =	sadd.s32 $0xB80, s1  }
0x104: {  	[tilespmem:s1], [sflag:$0x3] =	stream.linear.gather [hbm4b:s17+s6], $0x80, $0x38;
	[tilespmem:$0x1D380] =	vst v63  }
0x105: {  	s17 =	sand.u32 $0x1, s14;
	_ =	swait.ge [sflag:s31], $0x4000  }
0x106: {  	s14 =	sshll.u32 s17, $0xA;
	[sflag:s31] =	ssyncset.done $0x0  }
0x107: {  	s19 =	sor.u32 $0x800, s14;
	[sflag:s31] =	ssyncadd.s32 $0xFFFFC000  }
0x108: {  	[spmem:s4] =	stream.indirect.scatter.add.f32 [tilespmem:s16], [sflag:$0x4], $0x80, s19, s28, $0xb8;
	[tilespmem:$0x1D380] =	vst v63  }
0x109: {  	_ =	swait.ge [sflag:s10], $0x4000  }
0x10a: {  	[sflag:s10] =	ssyncset.done $0x0  }
0x10b: {  	s1 =	sshll.u32 s17, $0x7;
	[sflag:s10] =	ssyncadd.s32 $0xFFFFC000  }
0x10c: {  	[spmem:s5] =	stream.indirect.scatter.add.f32 [tilespmem:s11], [sflag:$0x2], $0x1, s19, s28, $0xb8;
	[tilespmem:$0x1D380] =	vst v63  }
0x10d: {  	s22 =	sor.u32 $0x200, s1  }
0x10e: {  	[tilespmem:s16], [sflag:$0x1] =	stream.indirect.gather [hbm4b:s0+s28], $0x80, s22, s28, $0xb8;
	[tilespmem:$0x1D380] =	vst v63  }
0x10f: {  	_ =	swait.ge [sflag:s31], $0x4000  }
0x110: {  	[sflag:s31] =	ssyncset.done $0x0  }
0x111: {  	s17 =	sor.u32 $0x880, s14;
	[sflag:s31] =	ssyncadd.s32 $0xFFFFC000  }
0x112: {  	[spmem:s4] =	stream.indirect.scatter.add.f32 [tilespmem:s29], [sflag:$0x4], $0x80, s17, s28, $0xb8;
	[tilespmem:$0x1D380] =	vst v63  }
0x113: {  	_ =	swait.ge [sflag:s10], $0x4000  }
0x114: {  	[sflag:s10] =	ssyncset.done $0x0  }
0x115: {  	[sflag:s10] =	ssyncadd.s32 $0xFFFFC000  }
0x116: {  	[spmem:s5] =	stream.indirect.scatter.add.f32 [tilespmem:s11], [sflag:$0x2], $0x1, s17, s28, $0xb8;
	[tilespmem:$0x1D380] =	vst v63  }
0x117: {  	s19 =	sor.u32 $0x300, s1  }
0x118: {  	[tilespmem:s29], [sflag:$0x1] =	stream.indirect.gather [hbm4b:s0+s28], $0x80, s19, s28, $0xb8;
	[tilespmem:$0x1D380] =	vst v63  }
0x119: {  	_ =	swait.ge [sflag:s31], $0x4000  }
0x11a: {  	[sflag:s31] =	ssyncset.done $0x0  }
0x11b: {  	s22 =	sor.u32 $0x900, s14;
	[sflag:s31] =	ssyncadd.s32 $0xFFFFC000  }
0x11c: {  	[spmem:s4] =	stream.indirect.scatter.add.f32 [tilespmem:s16], [sflag:$0x4], $0x80, s22, s28, $0xb8;
	[tilespmem:$0x1D380] =	vst v63  }
0x11d: {  	_ =	swait.ge [sflag:s10], $0x4000  }
0x11e: {  	[sflag:s10] =	ssyncset.done $0x0  }
0x11f: {  	[sflag:s10] =	ssyncadd.s32 $0xFFFFC000  }
0x120: {  	[spmem:s5] =	stream.indirect.scatter.add.f32 [tilespmem:s11], [sflag:$0x2], $0x1, s22, s28, $0xb8;
	[tilespmem:$0x1D380] =	vst v63  }
0x121: {  	s17 =	sor.u32 $0x400, s1  }
0x122: {  	[tilespmem:s16], [sflag:$0x1] =	stream.indirect.gather [hbm4b:s0+s28], $0x80, s17, s28, $0xb8;
	[tilespmem:$0x1D380] =	vst v63  }
0x123: {  	_ =	swait.ge [sflag:s31], $0x4000  }
0x124: {  	[sflag:s31] =	ssyncset.done $0x0  }
0x125: {  	s19 =	sor.u32 $0x980, s14;
	[sflag:s31] =	ssyncadd.s32 $0xFFFFC000  }
0x126: {  	[spmem:s4] =	stream.indirect.scatter.add.f32 [tilespmem:s29], [sflag:$0x4], $0x80, s19, s28, $0xb8;
	[tilespmem:$0x1D380] =	vst v63  }
0x127: {  	_ =	swait.ge [sflag:s10], $0x4000  }
0x128: {  	[sflag:s10] =	ssyncset.done $0x0  }
0x129: {  	[sflag:s10] =	ssyncadd.s32 $0xFFFFC000  }
0x12a: {  	[spmem:s5] =	stream.indirect.scatter.add.f32 [tilespmem:s11], [sflag:$0x2], $0x1, s19, s28, $0xb8;
	[tilespmem:$0x1D380] =	vst v63  }
0x12b: {  	s22 =	sor.u32 $0x500, s1  }
0x12c: {  	[tilespmem:s29], [sflag:$0x1] =	stream.indirect.gather [hbm4b:s0+s28], $0x80, s22, s28, $0xb8;
	[tilespmem:$0x1D380] =	vst v63  }
0x12d: {  	_ =	swait.ge [sflag:s31], $0x4000  }
0x12e: {  	[sflag:s31] =	ssyncset.done $0x0  }
0x12f: {  	s17 =	sor.u32 $0xA00, s14;
	[sflag:s31] =	ssyncadd.s32 $0xFFFFC000  }
0x130: {  	[spmem:s4] =	stream.indirect.scatter.add.f32 [tilespmem:s16], [sflag:$0x4], $0x80, s17, s28, $0xb8;
	[tilespmem:$0x1D380] =	vst v63  }
0x131: {  	_ =	swait.ge [sflag:s10], $0x4000  }
0x132: {  	[sflag:s10] =	ssyncset.done $0x0  }
0x133: {  	[sflag:s10] =	ssyncadd.s32 $0xFFFFC000  }
0x134: {  	[spmem:s5] =	stream.indirect.scatter.add.f32 [tilespmem:s11], [sflag:$0x2], $0x1, s17, s28, $0xb8;
	[tilespmem:$0x1D380] =	vst v63  }
0x135: {  	s19 =	sor.u32 $0x600, s1  }
0x136: {  	[tilespmem:s16], [sflag:$0x1] =	stream.indirect.gather [hbm4b:s0+s28], $0x80, s19, s28, $0xb8;
	[tilespmem:$0x1D380] =	vst v63  }
0x137: {  	_ =	swait.ge [sflag:s31], $0x4000  }
0x138: {  	[sflag:s31] =	ssyncset.done $0x0  }
0x139: {  	s22 =	sor.u32 $0xA80, s14;
	[sflag:s31] =	ssyncadd.s32 $0xFFFFC000  }
0x13a: {  	[spmem:s4] =	stream.indirect.scatter.add.f32 [tilespmem:s29], [sflag:$0x4], $0x80, s22, s28, $0xb8;
	[tilespmem:$0x1D380] =	vst v63  }
0x13b: {  	_ =	swait.ge [sflag:s10], $0x4000  }
0x13c: {  	[sflag:s10] =	ssyncset.done $0x0  }
0x13d: {  	[sflag:s10] =	ssyncadd.s32 $0xFFFFC000  }
0x13e: {  	[spmem:s5] =	stream.indirect.scatter.add.f32 [tilespmem:s11], [sflag:$0x2], $0x1, s22, s28, $0xb8;
	[tilespmem:$0x1D380] =	vst v63  }
0x13f: {  	s1 =	sor.u32 $0x700, s1  }
0x140: {  	[tilespmem:s29], [sflag:$0x1] =	stream.indirect.gather [hbm4b:s0+s28], $0x80, s1, s28, $0xb8;
	[tilespmem:$0x1D380] =	vst v63  }
0x141: {  	_ =	swait.ge [sflag:s31], $0x4000  }
0x142: {  	[sflag:s31] =	ssyncset.done $0x0  }
0x143: {  	s17 =	sor.u32 $0xB00, s14;
	[sflag:s31] =	ssyncadd.s32 $0xFFFFC000  }
0x144: {  	[spmem:s4] =	stream.indirect.scatter.add.f32 [tilespmem:s16], [sflag:$0x4], $0x80, s17, s28, $0xb8;
	[tilespmem:$0x1D380] =	vst v63  }
0x145: {  	_ =	swait.ge [sflag:s10], $0x4000  }
0x146: {  	[sflag:s10] =	ssyncset.done $0x0  }
0x147: {  	[sflag:s10] =	ssyncadd.s32 $0xFFFFC000  }
0x148: {  	[spmem:s5] =	stream.indirect.scatter.add.f32 [tilespmem:s11], [sflag:$0x2], $0x1, s17, s28, $0xb8;
	[tilespmem:$0x1D380] =	vst v63  }
0x149: {  	_ =	swait.ge [sflag:s24], $0x400  }
0x14a: {  	[sflag:s24] =	ssyncset.done $0x0  }
0x14b: {  	[sflag:s24] =	ssyncadd.s32 $0xFFFFFC00  }
0x14c: {  	_ =	swait.ge [sflag:s24], $0x400  }
0x14d: {  	[sflag:s24] =	ssyncset.done $0x0  }
0x14e: {  	[sflag:s24] =	ssyncadd.s32 $0xFFFFFC00  }
0x14f: {  	[tilespmem:s16], [sflag:$0x1] =	stream.indirect.gather [hbm4b:s0+s28], $0x80, s15, s28, $0xb8;
	[tilespmem:$0x1D380] =	vst v63  }
0x150: {  	_ =	swait.ge [sflag:s31], $0x4000  }
0x151: {  	[sflag:s31] =	ssyncset.done $0x0  }
0x152: {  	s19 =	sor.u32 $0xB80, s14;
	[sflag:s31] =	ssyncadd.s32 $0xFFFFC000  }
0x153: {  	[spmem:s4] =	stream.indirect.scatter.add.f32 [tilespmem:s29], [sflag:$0x4], $0x80, s19, s28, $0xb8;
	[tilespmem:$0x1D380] =	vst v63  }
0x154: {  	p0 =	sne.s32 s8, $0xA;
	_ =	swait.ge [sflag:s10], $0x4000  }
.Ltmp4:
0x155: {  	[sflag:s10] =	ssyncset.done $0x0;
	(pc) =	sbr.rel @!p0 .LBB2_8-.Ltmp4, $4  }
0x156: {  	[sflag:s10] =	ssyncadd.s32 $0xFFFFC000  }
0x157: {  	[spmem:s5] =	stream.indirect.scatter.add.f32 [tilespmem:s11], [sflag:$0x2], $0x1, s19, s28, $0xb8;
	[tilespmem:$0x1D380] =	vst v63  }
0x158: {  	s13 =	sadd.s32 $0x8, s13;
	s14 =	smov.u32 s8;
	s22 =	sor.u32 $0x100, s15  }
0x159: {  	[tilespmem:s29], [sflag:$0x1] =	stream.indirect.gather [hbm4b:s0+s28], $0x80, s22, s28, $0xb8;
	[tilespmem:$0x1D380] =	vst v63  }
.LBB2_4:
0x15a: {  	p0 =	seq.s32 s14, $0x0  }
0x15b: {  	s15 =	simm.s32 @!p0 $0x2  }
0x15c: {  	_ =	swait.ge @!p0 [sflag:s15], $0x80  }
0x15d: {  	[sflag:s15] =	ssyncset.done @!p0 $0x0  }
0x15e: {  	[sflag:s15] =	ssyncadd.s32 @!p0 $0xFFFFFF80  }
0x15f: {  	_ =	swait.ge @!p0 [sflag:s15], $0x80  }
0x160: {  	[sflag:s15] =	ssyncset.done @!p0 $0x0  }
0x161: {  	[sflag:s15] =	ssyncadd.s32 @!p0 $0xFFFFFF80  }
0x162: {  	_ =	swait.ge @!p0 [sflag:s15], $0x80  }
0x163: {  	[sflag:s15] =	ssyncset.done @!p0 $0x0  }
0x164: {  	[sflag:s15] =	ssyncadd.s32 @!p0 $0xFFFFFF80  }
0x165: {  	_ =	swait.ge @!p0 [sflag:s15], $0x80  }
0x166: {  	[sflag:s15] =	ssyncset.done @!p0 $0x0  }
0x167: {  	[sflag:s15] =	ssyncadd.s32 @!p0 $0xFFFFFF80  }
0x168: {  	_ =	swait.ge @!p0 [sflag:s15], $0x80  }
0x169: {  	[sflag:s15] =	ssyncset.done @!p0 $0x0  }
0x16a: {  	[sflag:s15] =	ssyncadd.s32 @!p0 $0xFFFFFF80  }
0x16b: {  	p1 =	seq.s32 s14, $0x9;
	s9 =	smov.u32 s13;
	_ =	swait.ge @!p0 [sflag:s15], $0x80  }
0x16c: {  	s9 =	simm.s32 @p1 $0x0;
	[sflag:s15] =	ssyncset.done @!p0 $0x0  }
0x16d: {  	s17 =	sadd.s32 s18, s9;
	[sflag:s15] =	ssyncadd.s32 @!p0 $0xFFFFFF80  }
0x16e: {  	p1 =	sgt.u32 s17, $0x9BF;
	_ =	swait.ge @!p0 [sflag:s15], $0x80  }
.Ltmp5:
0x16f: {  	[sflag:s15] =	ssyncset.done @!p0 $0x0;
	(pc) =	sbr.rel @p1 .LBB2_6-.Ltmp5, $4  }
0x170: {  	[sflag:s15] =	ssyncadd.s32 @!p0 $0xFFFFFF80  }
0x171: {  	s8 =	sadd.s32 $0x1, s14;
	_ =	swait.ge @!p0 [sflag:s15], $0x80  }
0x172: {  	s9 =	sand.u32 $0x1, s8;
	[sflag:s15] =	ssyncset.done @!p0 $0x0  }
0x173: {  	[sflag:s15] =	ssyncadd.s32 @!p0 $0xFFFFFF80;
	s15 =	sshll.u32 s9, $0x7  }
0x174: {  	s17 =	sshll.u32 s17, $0x5;
	s1 =	rddreg [dreg:$0x1]  }
0x175: {  	s1 =	sadd.s32 s1, s17  }
0x176: {  	[tilespmem:s15], [sflag:$0x3] =	stream.linear.gather [hbm4b:s1+s6], $0x80, $0x38;
	[tilespmem:$0x1D380] =	vst v63  }
0x177: {  	s19 =	sor.u32 $0x100, s15;
	s22 =	sadd.s32 $0x20, s1  }
0x178: {  	[tilespmem:s19], [sflag:$0x3] =	stream.linear.gather [hbm4b:s22+s6], $0x80, $0x38;
	[tilespmem:$0x1D380] =	vst v63  }
0x179: {  	s19 =	sadd.s32 $0x40, s1;
	s22 =	sor.u32 $0x200, s15  }
0x17a: {  	[tilespmem:s22], [sflag:$0x3] =	stream.linear.gather [hbm4b:s19+s6], $0x80, $0x38;
	[tilespmem:$0x1D380] =	vst v63  }
0x17b: {  	s19 =	sadd.s32 $0x60, s1;
	s22 =	sor.u32 $0x300, s15  }
0x17c: {  	[tilespmem:s22], [sflag:$0x3] =	stream.linear.gather [hbm4b:s19+s6], $0x80, $0x38;
	[tilespmem:$0x1D380] =	vst v63  }
0x17d: {  	s19 =	sadd.s32 $0x80, s1;
	s22 =	sor.u32 $0x400, s15  }
0x17e: {  	[tilespmem:s22], [sflag:$0x3] =	stream.linear.gather [hbm4b:s19+s6], $0x80, $0x38;
	[tilespmem:$0x1D380] =	vst v63  }
0x17f: {  	s19 =	sadd.s32 $0xA0, s1;
	s22 =	sor.u32 $0x500, s15  }
0x180: {  	[tilespmem:s22], [sflag:$0x3] =	stream.linear.gather [hbm4b:s19+s6], $0x80, $0x38;
	[tilespmem:$0x1D380] =	vst v63  }
0x181: {  	s19 =	sadd.s32 $0xC0, s1;
	s22 =	sor.u32 $0x600, s15  }
0x182: {  	[tilespmem:s22], [sflag:$0x3] =	stream.linear.gather [hbm4b:s19+s6], $0x80, $0x38;
	[tilespmem:$0x1D380] =	vst v63  }
0x183: {  	s9 =	sshll.u32 s9, $0xC;
	s1 =	sadd.s32 $0xE0, s1;
	s22 =	sor.u32 $0x700, s15  }
0x184: {  	[tilespmem:s22], [sflag:$0x3] =	stream.linear.gather [hbm4b:s1+s6], $0x80, $0x38;
	[tilespmem:$0x1D380] =	vst v63  }
0x185: {  	s1 =	sshrl.u32 s9, $0x2  }
0x186: {  	s22 =	sadd.s32 s17, s20;
	s19 =	sor.u32 $0x800, s1  }
0x187: {  	[tilespmem:s19], [sflag:$0x3] =	stream.linear.gather [hbm4b:s22+s6], $0x80, $0x38;
	[tilespmem:$0x1D380] =	vst v63  }
0x188: {  	s19 =	sor.u32 $0x880, s1;
	s22 =	sadd.s32 s17, s23  }
0x189: {  	[tilespmem:s19], [sflag:$0x3] =	stream.linear.gather [hbm4b:s22+s6], $0x80, $0x38;
	[tilespmem:$0x1D380] =	vst v63  }
0x18a: {  	s19 =	sor.u32 $0x900, s1;
	s22 =	sadd.s32 s17, s25  }
0x18b: {  	[tilespmem:s19], [sflag:$0x3] =	stream.linear.gather [hbm4b:s22+s6], $0x80, $0x38;
	[tilespmem:$0x1D380] =	vst v63  }
0x18c: {  	s19 =	sor.u32 $0x980, s1;
	s22 =	sadd.s32 s17, s26  }
0x18d: {  	[tilespmem:s19], [sflag:$0x3] =	stream.linear.gather [hbm4b:s22+s6], $0x80, $0x38;
	[tilespmem:$0x1D380] =	vst v63  }
0x18e: {  	s19 =	sor.u32 $0xA00, s1;
	s22 =	sadd.s32 s17, s30  }
0x18f: {  	[tilespmem:s19], [sflag:$0x3] =	stream.linear.gather [hbm4b:s22+s6], $0x80, $0x38;
	[tilespmem:$0x1D380] =	vst v63  }
.Ltmp6:
0x190: {  	_ = 	snop;
	(pc) =	sbr.rel .LBB2_7-.Ltmp6, $4  }
0x191: {  	s19 =	sor.u32 $0xA80, s1;
	s22 =	sadd.s32 s17, s2  }
0x192: {  	[tilespmem:s19], [sflag:$0x3] =	stream.linear.gather [hbm4b:s22+s6], $0x80, $0x38;
	[tilespmem:$0x1D380] =	vst v63  }
0x193: {  	s1 =	sor.u32 $0xB00, s1;
	s22 =	sadd.s32 s17, s3;
	s17 =	sadd.s32 s17, s12  }
0x194: {  	[tilespmem:s1], [sflag:$0x3] =	stream.linear.gather [hbm4b:s22+s6], $0x80, $0x38;
	[tilespmem:$0x1D380] =	vst v63  }
.LBB2_9:
0x195: {  	_ =	sfence.sel $0x180000  }
0x196: {  	[bflag:$0x0] =	sbarrier.arrive $0xFFFF  }
0x197: {  	_ =	strace $0x90000047  }
0x198: {  	s0 =	stileid.u32;
	[bflag:$0x2] =	sbarrier.arrive $0xFFFF  }
0x199: {  	p0 =	sne.s32 s0, $0x0;
	s0 =	rddreg [dreg:$0x6]  }
0x19a: {  	s0 =	sadd.s32 @!p0 $0x100000, s0  }
0x19b: {  	[sflag:s0] =	ssyncadd.tile.s32 @!p0 $0x1;
	_ =	shalt  }
.Lfunc_end2:
_tile_overlayer_lowered:
.L_overlay_start_2:
0x19c: {  	(tag) =	ssettag $0x2  }
0x19d: {  	s0 =	rddreg [dreg:$0x0];
	s2 =	stileid.u32  }
0x19e: {  	s1 =	rddreg [dreg:$0x1];
	p0 =	sne.s32 s2, $0x0  }
0x19f: {  	s3 =	rddreg [dreg:$0x2];
	[bflag:$0x3] =	sbarrier.arrive $0xFFFF;
	s2 =	simm.s32 @!p0 $0x1C04  }
0x1a0: {  	[timem:s3], [sflag:s2] =	dma.local @!p0 [hbm:s0], s1  }
0x1a1: {  	s0 =	simm.s32 @!p0 $0x4  }
0x1a2: {  	_ =	swait.ge @!p0 [sflag:s0], s1  }
0x1a3: {  	s1 =	ssub.s32 @!p0 $0x0, s1;
	[sflag:s0] =	ssyncset.done @!p0 $0x0  }
0x1a4: {  	[sflag:s0] =	ssyncadd.s32 @!p0 s1  }
0x1a5: {  	[bflag:$0x3] =	sbarrier.arrive $0xFFFF  }
0x1a6: {  	_ =	shalt  }

</sc_bundles>
